<compile_context>
chip_gen: v7x
topology: tpu7x:2x2x1
jax: 0.10.2.dev20260603
libtpu: 0.0.44.dev20260713+nightly
codegen_flags: <defaults>
</compile_context>

<pallas_src>
import functools

import jax
import jax.numpy as jnp
from jax import lax
from jax.experimental import pallas as pl
from jax.experimental.pallas import tpu as pltpu
from jax.experimental.pallas import tpu_sc as plsc

N = 10000
E = 320000
NG = 256
D = 128
FP = 512
ODIM = 138
OPAD = 256

NC, NS = 2, 16
TILES = NC * NS
NPAD = 10240
CH = 128
NCH = 80
SCH = CH
SNCH = NCH
EPT = NCH * CH
EPAD = TILES * EPT
RPT = NPAD // NS
ZR = CH
DW = 16


HR = NPAD // D
HPT = HR // NS


def _deg_body(dst_hbm, iota_hbm, zer_hbm, out_hbm, acc_sh, hist_v, iota_v, zb, idx_v, sem):
    c = lax.axis_index("c")
    s = lax.axis_index("s")
    wid = c * NS + s
    pltpu.sync_copy(zer_hbm, hist_v)
    pltpu.sync_copy(iota_hbm, iota_v)
    pltpu.sync_copy(dst_hbm.at[pl.ds(wid * NCH, NCH)], idx_v)

    @pl.when(s < HR // 8)
    def _():
        pltpu.sync_copy(zer_hbm.at[pl.ds(0, 8)], zb)
        pltpu.sync_copy(zb, acc_sh.at[pl.ds(s * 8, 8)])

    plsc.subcore_barrier()

    ones16 = jnp.ones((16,), jnp.float32)

    def step(j, carry):
        for k in range(CH // 16):
            idx = idx_v[j, pl.ds(k * 16, 16)]
            hi = lax.shift_right_logical(idx, 7)
            lo = jnp.bitwise_and(idx, 127)
            plsc.addupdate_scatter(hist_v, [hi, lo], ones16)
        return carry

    lax.fori_loop(0, NCH, step, 0)
    pltpu.sync_copy(hist_v, acc_sh.at[iota_v], add=True)
    plsc.subcore_barrier()

    @pl.when(s < HR // 8)
    def _():
        pltpu.sync_copy(acc_sh.at[pl.ds(s * 8, 8)], zb)
        pltpu.sync_copy(zb, out_hbm.at[c, pl.ds(s * 8, 8)])


@functools.lru_cache(maxsize=None)
def _deg_kernel():
    mesh = plsc.VectorSubcoreMesh(
        core_axis_name="c", subcore_axis_name="s", num_cores=NC, num_subcores=NS)
    return pl.kernel(
        _deg_body,
        out_type=jax.ShapeDtypeStruct((NC, HR, D), jnp.float32),
        mesh=mesh,
        compiler_params=pltpu.CompilerParams(needs_layout_passes=False),
        scratch_types=[
            pltpu.VMEM_SHARED((HR, D), jnp.float32),
            pltpu.VMEM((HR, D), jnp.float32),
            pltpu.VMEM((HR,), jnp.int32),
            pltpu.VMEM((8, D), jnp.float32),
            pltpu.VMEM((NCH, CH), jnp.int32),
            pltpu.SemaphoreType.DMA,
        ],
    )


def _prop_body(src_hbm, dst_hbm, u_hbm, zer_hbm, out_hbm,
               acc_sh, rowsA, rowsB, isA, idA, isB, idB,
               semgA, semgB, semsA, semsB):
    c = lax.axis_index("c")
    s = lax.axis_index("s")
    wid = c * NS + s
    pltpu.sync_copy(zer_hbm, rowsA)
    for k in range(RPT // ZR):
        pltpu.sync_copy(rowsA, acc_sh.at[pl.ds(s * RPT + k * ZR, ZR)])
    plsc.subcore_barrier()

    def step(jj, carry):
        j0 = 2 * jj
        j1 = j0 + 1

        @pl.when(jj > 0)
        def _():
            pltpu.make_async_copy(rowsA, acc_sh.at[idA], semsA).wait()

        pltpu.sync_copy(src_hbm.at[wid * NCH + j0], isA)
        pltpu.async_copy(u_hbm.at[isA], rowsA, semgA)
        pltpu.sync_copy(dst_hbm.at[wid * NCH + j0], idA)
        pltpu.make_async_copy(u_hbm.at[isA], rowsA, semgA).wait()
        pltpu.async_copy(rowsA, acc_sh.at[idA], semsA, add=True)

        @pl.when(jj > 0)
        def _():
            pltpu.make_async_copy(rowsB, acc_sh.at[idB], semsB).wait()

        pltpu.sync_copy(src_hbm.at[wid * NCH + j1], isB)
        pltpu.async_copy(u_hbm.at[isB], rowsB, semgB)
        pltpu.sync_copy(dst_hbm.at[wid * NCH + j1], idB)
        pltpu.make_async_copy(u_hbm.at[isB], rowsB, semgB).wait()
        pltpu.async_copy(rowsB, acc_sh.at[idB], semsB, add=True)
        return carry

    lax.fori_loop(0, NCH // 2, step, 0)
    pltpu.make_async_copy(rowsA, acc_sh.at[idA], semsA).wait()
    pltpu.make_async_copy(rowsB, acc_sh.at[idB], semsB).wait()
    plsc.subcore_barrier()
    for k in range(RPT // ZR):
        pltpu.sync_copy(acc_sh.at[pl.ds(s * RPT + k * ZR, ZR)], rowsA)
        pltpu.sync_copy(rowsA, out_hbm.at[c, pl.ds(s * RPT + k * ZR, ZR)])


@functools.lru_cache(maxsize=None)
def _prop_kernel():
    mesh = plsc.VectorSubcoreMesh(
        core_axis_name="c", subcore_axis_name="s", num_cores=NC, num_subcores=NS)
    return pl.kernel(
        _prop_body,
        out_type=jax.ShapeDtypeStruct((NC, NPAD, D), jnp.float32),
        mesh=mesh,
        scratch_types=[
            pltpu.VMEM_SHARED((NPAD, D), jnp.float32),
            pltpu.VMEM((CH, D), jnp.float32),
            pltpu.VMEM((CH, D), jnp.float32),
            pltpu.VMEM((CH,), jnp.int32),
            pltpu.VMEM((CH,), jnp.int32),
            pltpu.VMEM((CH,), jnp.int32),
            pltpu.VMEM((CH,), jnp.int32),
            pltpu.SemaphoreType.DMA,
            pltpu.SemaphoreType.DMA,
            pltpu.SemaphoreType.DMA,
            pltpu.SemaphoreType.DMA,
        ],
    )



BR = 512
GRID = NPAD // BR


def _uw_body(x_ref, w_ref, d0_ref, d1_ref, u_ref, dis_ref):
    pid = pl.program_id(0)
    row = pid * BR + lax.broadcasted_iota(jnp.int32, (BR, 1), 0)
    deg = d0_ref[...] + d1_ref[...] + 1.0
    dis = jnp.where(row < N, lax.rsqrt(deg), 0.0)
    h = jnp.dot(x_ref[...], w_ref[...], preferred_element_type=jnp.float32)
    u_ref[...] = h * dis
    dis_ref[...] = dis


def _tc_uw(xp, W1, d0, d1):
    return pl.pallas_call(
        _uw_body,
        grid=(GRID,),
        in_specs=[
            pl.BlockSpec((BR, D), lambda i: (i, 0)),
            pl.BlockSpec((D, D), lambda i: (0, 0)),
            pl.BlockSpec((BR, 1), lambda i: (i, 0)),
            pl.BlockSpec((BR, 1), lambda i: (i, 0)),
        ],
        out_specs=[
            pl.BlockSpec((BR, D), lambda i: (i, 0)),
            pl.BlockSpec((BR, 1), lambda i: (i, 0)),
        ],
        out_shape=[
            jax.ShapeDtypeStruct((NPAD, D), jnp.float32),
            jax.ShapeDtypeStruct((NPAD, 1), jnp.float32),
        ],
    )(xp, W1, d0, d1)


def _layer_body(a0_ref, a1_ref, u_ref, dis_ref, b_ref, w_ref, out_ref):
    dis = dis_ref[...]
    x1 = jnp.maximum(dis * (a0_ref[0] + a1_ref[0] + u_ref[...]) + b_ref[...], 0.0)
    out_ref[...] = jnp.dot(x1, w_ref[...], preferred_element_type=jnp.float32) * dis


def _tc_layer(acc, u, dis, b, W):
    return pl.pallas_call(
        _layer_body,
        grid=(GRID,),
        in_specs=[
            pl.BlockSpec((1, BR, D), lambda i: (0, i, 0)),
            pl.BlockSpec((1, BR, D), lambda i: (1, i, 0)),
            pl.BlockSpec((BR, D), lambda i: (i, 0)),
            pl.BlockSpec((BR, 1), lambda i: (i, 0)),
            pl.BlockSpec((1, D), lambda i: (0, 0)),
            pl.BlockSpec((D, D), lambda i: (0, 0)),
        ],
        out_specs=pl.BlockSpec((BR, D), lambda i: (i, 0)),
        out_shape=jax.ShapeDtypeStruct((NPAD, D), jnp.float32),
    )(acc, acc, u, dis, b, W)


def _pool_body(a0_ref, a1_ref, u_ref, dis_ref, b_ref, bat_ref, sum_ref, cnt_ref):
    pid = pl.program_id(0)
    dis = dis_ref[...]
    x2 = jnp.maximum(dis * (a0_ref[0] + a1_ref[0] + u_ref[...]) + b_ref[...], 0.0)
    sel = (bat_ref[...] == lax.broadcasted_iota(jnp.int32, (BR, NG), 1))
    s_mat = sel.astype(jnp.float32)

    @pl.when(pid == 0)
    def _():
        sum_ref[...] = jnp.zeros_like(sum_ref)
        cnt_ref[...] = jnp.zeros_like(cnt_ref)

    dims = (((0,), (0,)), ((), ()))
    sum_ref[...] += lax.dot_general(s_mat, x2, dims, preferred_element_type=jnp.float32)
    cnt_ref[...] += lax.dot_general(s_mat, jnp.ones((BR, D), jnp.float32), dims,
                                    preferred_element_type=jnp.float32)


def _tc_pool(acc, u, dis, b, batp):
    return pl.pallas_call(
        _pool_body,
        grid=(GRID,),
        in_specs=[
            pl.BlockSpec((1, BR, D), lambda i: (0, i, 0)),
            pl.BlockSpec((1, BR, D), lambda i: (1, i, 0)),
            pl.BlockSpec((BR, D), lambda i: (i, 0)),
            pl.BlockSpec((BR, 1), lambda i: (i, 0)),
            pl.BlockSpec((1, D), lambda i: (0, 0)),
            pl.BlockSpec((BR, 1), lambda i: (i, 0)),
        ],
        out_specs=[
            pl.BlockSpec((NG, D), lambda i: (0, 0)),
            pl.BlockSpec((NG, D), lambda i: (0, 0)),
        ],
        out_shape=[
            jax.ShapeDtypeStruct((NG, D), jnp.float32),
            jax.ShapeDtypeStruct((NG, D), jnp.float32),
        ],
    )(acc, acc, u, dis, b, batp)


def _mlp_body(sum_ref, cnt_ref, fp_ref, wa_ref, wb_ref, b1_ref, w2_ref, b2_ref, out_ref):
    gnn = sum_ref[...] / jnp.maximum(cnt_ref[...], 1.0)
    h = jnp.dot(gnn, wa_ref[...], preferred_element_type=jnp.float32)
    h += jnp.dot(fp_ref[...], wb_ref[...], preferred_element_type=jnp.float32)
    h = jnp.maximum(h + b1_ref[...], 0.0)
    out_ref[...] = jnp.dot(h, w2_ref[...], preferred_element_type=jnp.float32) + b2_ref[...]


def _tc_mlp(sums, cnts, fp, Wa, Wb, bm1, W2p, bm2p):
    return pl.pallas_call(
        _mlp_body,
        out_shape=jax.ShapeDtypeStruct((NG, OPAD), jnp.float32),
    )(sums, cnts, fp, Wa, Wb, bm1, W2p, bm2p)



def kernel(x, edge_index, batch_index, grover_fp, W1, b1, W2, b2, Wm1, bm1, Wm2, bm2):
    f32 = jnp.float32
    src = edge_index[0]
    dst = edge_index[1]
    epad = jnp.full((EPAD - E,), N, jnp.int32)
    srcp = jnp.concatenate([src, epad]).reshape(EPAD // SCH, SCH)
    dstp = jnp.concatenate([dst, epad]).reshape(EPAD // CH, CH)
    xp = jnp.pad(x, ((0, NPAD - N), (0, 0)))
    batp = jnp.pad(batch_index, (0, NPAD - N), constant_values=NG).reshape(NPAD, 1)

    iota80 = jnp.arange(HR, dtype=jnp.int32)
    zer80 = jnp.zeros((HR, D), f32)
    zerD = jnp.zeros((ZR, D), f32)

    degp = _deg_kernel()(dstp, iota80, zer80)
    d0 = degp[0].reshape(NPAD, 1)
    d1 = degp[1].reshape(NPAD, 1)

    u1, dis = _tc_uw(xp, W1, d0, d1)
    acc1 = _prop_kernel()(srcp, dstp, u1, zerD)
    u2 = _tc_layer(acc1, u1, dis, b1.reshape(1, D), W2)
    acc2 = _prop_kernel()(srcp, dstp, u2, zerD)
    sums, cnts = _tc_pool(acc2, u2, dis, b2.reshape(1, D), batp)

    W2p = jnp.zeros((D, OPAD), f32).at[:, :ODIM].set(Wm2)
    b2p = jnp.zeros((1, OPAD), f32).at[0, :ODIM].set(bm2)
    out = _tc_mlp(sums, cnts, grover_fp, Wm1[:D], Wm1[D:],
                  bm1.reshape(1, D), W2p, b2p)
    return out[:, :ODIM]

# --- scband reference (transcript-rebuilt; emitter-appended) ---
"""Pipeline reference for scband-fusion-gnn-66958540144771 (READ-ONLY COPY).

The authoritative reference and input builder live on the scoring server;
editing this copy changes nothing except your own understanding.
"""

import jax, jax.numpy as jnp
import numpy as np

N_NODES = 10000
N_EDGES = 320000
IN_DIM = 128
FP_DIM = 512
HIDDEN = 128
OUT_DIM = 138
N_GRAPHS = 256


def setup_inputs(seed: int = 0) -> dict:
    key = jax.random.key(seed)
    ks = jax.random.split(key, 12)
    x = jax.random.normal(ks[0], (N_NODES, IN_DIM), dtype=jnp.float32)
    edge_index = jax.random.randint(ks[1], (2, N_EDGES), 0, N_NODES, dtype=jnp.int32)
    batch_index = jnp.sort(jax.random.randint(ks[2], (N_NODES,), 0, N_GRAPHS, dtype=jnp.int32))
    grover_fp = jax.random.normal(ks[3], (N_GRAPHS, FP_DIM), dtype=jnp.float32)
    W1 = jax.random.normal(ks[4], (IN_DIM, HIDDEN), dtype=jnp.float32) * (1.0 / np.sqrt(IN_DIM))
    b1 = jnp.zeros((HIDDEN,), dtype=jnp.float32)
    W2 = jax.random.normal(ks[5], (HIDDEN, HIDDEN), dtype=jnp.float32) * (1.0 / np.sqrt(HIDDEN))
    b2 = jnp.zeros((HIDDEN,), dtype=jnp.float32)
    Wm1 = jax.random.normal(ks[6], (HIDDEN + FP_DIM, HIDDEN), dtype=jnp.float32) * (1.0 / np.sqrt(HIDDEN + FP_DIM))
    bm1 = jnp.zeros((HIDDEN,), dtype=jnp.float32)
    Wm2 = jax.random.normal(ks[7], (HIDDEN, OUT_DIM), dtype=jnp.float32) * (1.0 / np.sqrt(HIDDEN))
    bm2 = jnp.zeros((OUT_DIM,), dtype=jnp.float32)
    return {"x": x, "edge_index": edge_index, "batch_index": batch_index, "grover_fp": grover_fp,
            "W1": W1, "b1": b1, "W2": W2, "b2": b2, "Wm1": Wm1, "bm1": bm1, "Wm2": Wm2, "bm2": bm2}


def _gcn_conv(x, edge_index, W, b):
    # PyG GCNConv: h = X W; add self loops; sym-normalized scatter-add; + bias
    h = x @ W
    src = edge_index[0]
    dst = edge_index[1]
    loop = jnp.arange(N_NODES, dtype=src.dtype)
    src = jnp.concatenate([src, loop])
    dst = jnp.concatenate([dst, loop])
    ones = jnp.ones(src.shape[0], dtype=x.dtype)
    deg = jax.ops.segment_sum(ones, dst, num_segments=N_NODES)
    dis = jnp.where(deg > 0, jax.lax.rsqrt(jnp.maximum(deg, 1e-12)), 0.0)
    norm = dis[src] * dis[dst]
    msg = h[src] * norm[:, None]
    out = jax.ops.segment_sum(msg, dst, num_segments=N_NODES)
    return out + b


def reference(x, edge_index, batch_index, grover_fp, W1, b1, W2, b2, Wm1, bm1, Wm2, bm2):
    x1 = jax.nn.relu(_gcn_conv(x, edge_index, W1, b1))
    x2 = jax.nn.relu(_gcn_conv(x1, edge_index, W2, b2))
    # global mean pool per graph
    sums = jax.ops.segment_sum(x2, batch_index, num_segments=N_GRAPHS)
    counts = jax.ops.segment_sum(jnp.ones((N_NODES,), dtype=x.dtype), batch_index, num_segments=N_GRAPHS)
    gnn_repr = sums / jnp.maximum(counts, 1.0)[:, None]
    h = jnp.concatenate([gnn_repr, grover_fp], axis=-1)
    h = jax.nn.relu(h @ Wm1 + bm1)
    # dropout is identity in eval mode
    logits = h @ Wm2 + bm2
    return logits

if __name__ == "__main__":
    import jax
    _d = setup_inputs()
    print(jax.jit(kernel)(*tuple(_d.values())))

</pallas_src>

<mosaic_0001>
#map = affine_map<(d0, d1) -> (0, 0)>
#map1 = affine_map<(d0, d1) -> (0, 0, 0)>
module attributes {stable_mosaic.version = 14 : i64} {
  func.func @_prop_body(%arg0: i32, %arg1: i32, %arg2: memref<2560x128xi32, #tpu.memory_space<hbm>>, %arg3: memref<2560x128xi32, #tpu.memory_space<hbm>>, %arg4: memref<10240x128xf32, #tpu.memory_space<hbm>>, %arg5: memref<128x128xf32, #tpu.memory_space<hbm>>, %arg6: memref<2x10240x128xf32, #tpu.memory_space<hbm>>, %arg7: memref<10240x128xf32, #tpu.memory_space<vmem_shared>>, %arg8: memref<128x128xf32, #tpu.memory_space<vmem>>, %arg9: memref<128x128xf32, #tpu.memory_space<vmem>>, %arg10: memref<128xi32, #tpu.memory_space<vmem>>, %arg11: memref<128xi32, #tpu.memory_space<vmem>>, %arg12: memref<128xi32, #tpu.memory_space<vmem>>, %arg13: memref<128xi32, #tpu.memory_space<vmem>>, %arg14: memref<!tpu.dma_semaphore, #tpu.memory_space<semaphore_mem>>, %arg15: memref<!tpu.dma_semaphore, #tpu.memory_space<semaphore_mem>>, %arg16: memref<!tpu.dma_semaphore, #tpu.memory_space<semaphore_mem>>, %arg17: memref<!tpu.dma_semaphore, #tpu.memory_space<semaphore_mem>>) attributes {dimension_semantics = [#tpu.dimension_semantics<core_parallel>, #tpu.dimension_semantics<subcore_parallel>], iteration_bounds = array<i64: 2, 16>, scalar_prefetch = 0 : i64, scratch_operands = 11 : i64, tpu.core_type = #tpu.core_type<sc_vector_subcore>, window_params = [{transform_indices = #map}, {transform_indices = #map}, {transform_indices = #map}, {transform_indices = #map}, {transform_indices = #map1}]} {
    %mul3A = arith.constant 16 : i32
    %mul3A_0 = arith.muli %arg0, %mul3A : i32
    %add3A = arith.addi %mul3A_0, %arg1 : i32
    "tpu.region"() ({
      %run_scoped3A = tpu.sem_alloc : memref<!tpu.dma_semaphore, #tpu.memory_space<semaphore_mem>>
      tpu.enqueue_dma source(%arg5 : memref<128x128xf32, #tpu.memory_space<hbm>>) target(%arg8 : memref<128x128xf32, #tpu.memory_space<vmem>>) target_semaphore(%run_scoped3A : memref<!tpu.dma_semaphore, #tpu.memory_space<semaphore_mem>>)
      tpu.wait_dma2 semaphore(%run_scoped3A : memref<!tpu.dma_semaphore, #tpu.memory_space<semaphore_mem>>) src(%arg5 : memref<128x128xf32, #tpu.memory_space<hbm>>) dst(%arg8 : memref<128x128xf32, #tpu.memory_space<vmem>>)
      tpu.yield
    }) : () -> ()
    %mul3A_1 = arith.constant 640 : i32
    %mul3A_2 = arith.muli %arg1, %mul3A_1 : i32
    %add3A_3 = arith.constant 0 : i32
    %add3A_4 = arith.addi %mul3A_2, %add3A_3 : i32
    "tpu.region"() ({
      %run_scoped3A = tpu.sem_alloc : memref<!tpu.dma_semaphore, #tpu.memory_space<semaphore_mem>>
      %dma_start3A = arith.constant 0 : i32
      %dma_start3A_72 = tpu.memref_slice %arg7[%add3A_4, %dma_start3A] : memref<10240x128xf32, #tpu.memory_space<vmem_shared>> -> memref<128x128xf32, #tpu.memory_space<vmem_shared>>
      %dma_start3A_73 = arith.constant 0 : i32
      %dma_start3A_74 = tpu.memref_slice %arg7[%add3A_4, %dma_start3A_73] : memref<10240x128xf32, #tpu.memory_space<vmem_shared>> -> memref<128x128xf32, #tpu.memory_space<vmem_shared>>
      tpu.enqueue_dma source(%arg8 : memref<128x128xf32, #tpu.memory_space<vmem>>) target(%dma_start3A_74 : memref<128x128xf32, #tpu.memory_space<vmem_shared>>) target_semaphore(%run_scoped3A : memref<!tpu.dma_semaphore, #tpu.memory_space<semaphore_mem>>)
      %dma_wait3A_75 = arith.constant 0 : i32
      %dma_wait3A_76 = tpu.memref_slice %arg7[%add3A_4, %dma_wait3A_75] : memref<10240x128xf32, #tpu.memory_space<vmem_shared>> -> memref<128x128xf32, #tpu.memory_space<vmem_shared>>
      %dma_wait3A_77 = arith.constant 0 : i32
      %dma_wait3A_78 = tpu.memref_slice %arg7[%add3A_4, %dma_wait3A_77] : memref<10240x128xf32, #tpu.memory_space<vmem_shared>> -> memref<128x128xf32, #tpu.memory_space<vmem_shared>>
      tpu.wait_dma2 semaphore(%run_scoped3A : memref<!tpu.dma_semaphore, #tpu.memory_space<semaphore_mem>>) src(%arg8 : memref<128x128xf32, #tpu.memory_space<vmem>>) dst(%dma_wait3A_78 : memref<128x128xf32, #tpu.memory_space<vmem_shared>>)
      tpu.yield
    }) : () -> ()
    %mul3A_5 = arith.constant 640 : i32
    %mul3A_6 = arith.muli %arg1, %mul3A_5 : i32
    %add3A_7 = arith.constant 128 : i32
    %add3A_8 = arith.addi %mul3A_6, %add3A_7 : i32
    "tpu.region"() ({
      %run_scoped3A = tpu.sem_alloc : memref<!tpu.dma_semaphore, #tpu.memory_space<semaphore_mem>>
      %dma_start3A = arith.constant 0 : i32
      %dma_start3A_72 = tpu.memref_slice %arg7[%add3A_8, %dma_start3A] : memref<10240x128xf32, #tpu.memory_space<vmem_shared>> -> memref<128x128xf32, #tpu.memory_space<vmem_shared>>
      %dma_start3A_73 = arith.constant 0 : i32
      %dma_start3A_74 = tpu.memref_slice %arg7[%add3A_8, %dma_start3A_73] : memref<10240x128xf32, #tpu.memory_space<vmem_shared>> -> memref<128x128xf32, #tpu.memory_space<vmem_shared>>
      tpu.enqueue_dma source(%arg8 : memref<128x128xf32, #tpu.memory_space<vmem>>) target(%dma_start3A_74 : memref<128x128xf32, #tpu.memory_space<vmem_shared>>) target_semaphore(%run_scoped3A : memref<!tpu.dma_semaphore, #tpu.memory_space<semaphore_mem>>)
      %dma_wait3A_75 = arith.constant 0 : i32
      %dma_wait3A_76 = tpu.memref_slice %arg7[%add3A_8, %dma_wait3A_75] : memref<10240x128xf32, #tpu.memory_space<vmem_shared>> -> memref<128x128xf32, #tpu.memory_space<vmem_shared>>
      %dma_wait3A_77 = arith.constant 0 : i32
      %dma_wait3A_78 = tpu.memref_slice %arg7[%add3A_8, %dma_wait3A_77] : memref<10240x128xf32, #tpu.memory_space<vmem_shared>> -> memref<128x128xf32, #tpu.memory_space<vmem_shared>>
      tpu.wait_dma2 semaphore(%run_scoped3A : memref<!tpu.dma_semaphore, #tpu.memory_space<semaphore_mem>>) src(%arg8 : memref<128x128xf32, #tpu.memory_space<vmem>>) dst(%dma_wait3A_78 : memref<128x128xf32, #tpu.memory_space<vmem_shared>>)
      tpu.yield
    }) : () -> ()
    %mul3A_9 = arith.constant 640 : i32
    %mul3A_10 = arith.muli %arg1, %mul3A_9 : i32
    %add3A_11 = arith.constant 256 : i32
    %add3A_12 = arith.addi %mul3A_10, %add3A_11 : i32
    "tpu.region"() ({
      %run_scoped3A = tpu.sem_alloc : memref<!tpu.dma_semaphore, #tpu.memory_space<semaphore_mem>>
      %dma_start3A = arith.constant 0 : i32
      %dma_start3A_72 = tpu.memref_slice %arg7[%add3A_12, %dma_start3A] : memref<10240x128xf32, #tpu.memory_space<vmem_shared>> -> memref<128x128xf32, #tpu.memory_space<vmem_shared>>
      %dma_start3A_73 = arith.constant 0 : i32
      %dma_start3A_74 = tpu.memref_slice %arg7[%add3A_12, %dma_start3A_73] : memref<10240x128xf32, #tpu.memory_space<vmem_shared>> -> memref<128x128xf32, #tpu.memory_space<vmem_shared>>
      tpu.enqueue_dma source(%arg8 : memref<128x128xf32, #tpu.memory_space<vmem>>) target(%dma_start3A_74 : memref<128x128xf32, #tpu.memory_space<vmem_shared>>) target_semaphore(%run_scoped3A : memref<!tpu.dma_semaphore, #tpu.memory_space<semaphore_mem>>)
      %dma_wait3A_75 = arith.constant 0 : i32
      %dma_wait3A_76 = tpu.memref_slice %arg7[%add3A_12, %dma_wait3A_75] : memref<10240x128xf32, #tpu.memory_space<vmem_shared>> -> memref<128x128xf32, #tpu.memory_space<vmem_shared>>
      %dma_wait3A_77 = arith.constant 0 : i32
      %dma_wait3A_78 = tpu.memref_slice %arg7[%add3A_12, %dma_wait3A_77] : memref<10240x128xf32, #tpu.memory_space<vmem_shared>> -> memref<128x128xf32, #tpu.memory_space<vmem_shared>>
      tpu.wait_dma2 semaphore(%run_scoped3A : memref<!tpu.dma_semaphore, #tpu.memory_space<semaphore_mem>>) src(%arg8 : memref<128x128xf32, #tpu.memory_space<vmem>>) dst(%dma_wait3A_78 : memref<128x128xf32, #tpu.memory_space<vmem_shared>>)
      tpu.yield
    }) : () -> ()
    %mul3A_13 = arith.constant 640 : i32
    %mul3A_14 = arith.muli %arg1, %mul3A_13 : i32
    %add3A_15 = arith.constant 384 : i32
    %add3A_16 = arith.addi %mul3A_14, %add3A_15 : i32
    "tpu.region"() ({
      %run_scoped3A = tpu.sem_alloc : memref<!tpu.dma_semaphore, #tpu.memory_space<semaphore_mem>>
      %dma_start3A = arith.constant 0 : i32
      %dma_start3A_72 = tpu.memref_slice %arg7[%add3A_16, %dma_start3A] : memref<10240x128xf32, #tpu.memory_space<vmem_shared>> -> memref<128x128xf32, #tpu.memory_space<vmem_shared>>
      %dma_start3A_73 = arith.constant 0 : i32
      %dma_start3A_74 = tpu.memref_slice %arg7[%add3A_16, %dma_start3A_73] : memref<10240x128xf32, #tpu.memory_space<vmem_shared>> -> memref<128x128xf32, #tpu.memory_space<vmem_shared>>
      tpu.enqueue_dma source(%arg8 : memref<128x128xf32, #tpu.memory_space<vmem>>) target(%dma_start3A_74 : memref<128x128xf32, #tpu.memory_space<vmem_shared>>) target_semaphore(%run_scoped3A : memref<!tpu.dma_semaphore, #tpu.memory_space<semaphore_mem>>)
      %dma_wait3A_75 = arith.constant 0 : i32
      %dma_wait3A_76 = tpu.memref_slice %arg7[%add3A_16, %dma_wait3A_75] : memref<10240x128xf32, #tpu.memory_space<vmem_shared>> -> memref<128x128xf32, #tpu.memory_space<vmem_shared>>
      %dma_wait3A_77 = arith.constant 0 : i32
      %dma_wait3A_78 = tpu.memref_slice %arg7[%add3A_16, %dma_wait3A_77] : memref<10240x128xf32, #tpu.memory_space<vmem_shared>> -> memref<128x128xf32, #tpu.memory_space<vmem_shared>>
      tpu.wait_dma2 semaphore(%run_scoped3A : memref<!tpu.dma_semaphore, #tpu.memory_space<semaphore_mem>>) src(%arg8 : memref<128x128xf32, #tpu.memory_space<vmem>>) dst(%dma_wait3A_78 : memref<128x128xf32, #tpu.memory_space<vmem_shared>>)
      tpu.yield
    }) : () -> ()
    %mul3A_17 = arith.constant 640 : i32
    %mul3A_18 = arith.muli %arg1, %mul3A_17 : i32
    %add3A_19 = arith.constant 512 : i32
    %add3A_20 = arith.addi %mul3A_18, %add3A_19 : i32
    "tpu.region"() ({
      %run_scoped3A = tpu.sem_alloc : memref<!tpu.dma_semaphore, #tpu.memory_space<semaphore_mem>>
      %dma_start3A = arith.constant 0 : i32
      %dma_start3A_72 = tpu.memref_slice %arg7[%add3A_20, %dma_start3A] : memref<10240x128xf32, #tpu.memory_space<vmem_shared>> -> memref<128x128xf32, #tpu.memory_space<vmem_shared>>
      %dma_start3A_73 = arith.constant 0 : i32
      %dma_start3A_74 = tpu.memref_slice %arg7[%add3A_20, %dma_start3A_73] : memref<10240x128xf32, #tpu.memory_space<vmem_shared>> -> memref<128x128xf32, #tpu.memory_space<vmem_shared>>
      tpu.enqueue_dma source(%arg8 : memref<128x128xf32, #tpu.memory_space<vmem>>) target(%dma_start3A_74 : memref<128x128xf32, #tpu.memory_space<vmem_shared>>) target_semaphore(%run_scoped3A : memref<!tpu.dma_semaphore, #tpu.memory_space<semaphore_mem>>)
      %dma_wait3A_75 = arith.constant 0 : i32
      %dma_wait3A_76 = tpu.memref_slice %arg7[%add3A_20, %dma_wait3A_75] : memref<10240x128xf32, #tpu.memory_space<vmem_shared>> -> memref<128x128xf32, #tpu.memory_space<vmem_shared>>
      %dma_wait3A_77 = arith.constant 0 : i32
      %dma_wait3A_78 = tpu.memref_slice %arg7[%add3A_20, %dma_wait3A_77] : memref<10240x128xf32, #tpu.memory_space<vmem_shared>> -> memref<128x128xf32, #tpu.memory_space<vmem_shared>>
      tpu.wait_dma2 semaphore(%run_scoped3A : memref<!tpu.dma_semaphore, #tpu.memory_space<semaphore_mem>>) src(%arg8 : memref<128x128xf32, #tpu.memory_space<vmem>>) dst(%dma_wait3A_78 : memref<128x128xf32, #tpu.memory_space<vmem_shared>>)
      tpu.yield
    }) : () -> ()
    %barrier3A = arith.constant 0 : index
    tpu.barrier barrier_id(%barrier3A)
    %scan3A = arith.constant 0 : i32
    %scan3A_21 = arith.constant 0 : i32
    %scan3A_22 = arith.constant 40 : i32
    %scan3A_23 = arith.addi %scan3A_21, %scan3A_22 : i32
    %scan3A_24 = arith.constant 1 : i32
    scf.for %scan3A_72 = %scan3A_21 to %scan3A_23 step %scan3A_24  : i32 {
      %mul3A_73 = arith.constant 2 : i32
      %mul3A_74 = arith.muli %mul3A_73, %scan3A_72 : i32
      %add3A_75 = arith.constant 1 : i32
      %add3A_76 = arith.addi %mul3A_74, %add3A_75 : i32
      %gt3A = arith.constant 0 : i32
      %gt3A_77 = arith.cmpi sgt, %scan3A_72, %gt3A : i32
      %convert_element_type3A = arith.extui %gt3A_77 : i1 to i32
      %cond3A = arith.constant 0 : i32
      %cond3A_78 = arith.cmpi ne, %convert_element_type3A, %cond3A : i32
      scf.if %cond3A_78 {
        %dma_wait3A_113 = arith.constant 0 : i32
        %dma_wait3A_114 = arith.constant 0 : i32
        %dma_wait3A_115 = tpu.memref_slice %arg7[%dma_wait3A_113, %dma_wait3A_114] : memref<10240x128xf32, #tpu.memory_space<vmem_shared>> -> memref<10240x128xf32, #tpu.memory_space<vmem_shared>>
        tpu.wait_indirect_dma semaphore(%arg16 : memref<!tpu.dma_semaphore, #tpu.memory_space<semaphore_mem>>) src(%arg8 : memref<128x128xf32, #tpu.memory_space<vmem>>) dst(%dma_wait3A_115 : memref<10240x128xf32, #tpu.memory_space<vmem_shared>>)
      } else {
      }
      %mul3A_79 = arith.constant 80 : i32
      %mul3A_80 = arith.muli %add3A, %mul3A_79 : i32
      %add3A_81 = arith.addi %mul3A_80, %mul3A_74 : i32
      "tpu.region"() ({
        %run_scoped3A = tpu.sem_alloc : memref<!tpu.dma_semaphore, #tpu.memory_space<semaphore_mem>>
        %dma_start3A_113 = arith.constant 0 : i32
        %dma_start3A_114 = tpu.memref_slice %arg2[%add3A_81, %dma_start3A_113] : memref<2560x128xi32, #tpu.memory_space<hbm>> -> memref<1x128xi32, #tpu.memory_space<hbm>>
        %dma_start3A_115 = tpu.memref_squeeze %dma_start3A_114 : memref<1x128xi32, #tpu.memory_space<hbm>> -> memref<128xi32, #tpu.memory_space<hbm>>
        %dma_start3A_116 = arith.constant 0 : i32
        %dma_start3A_117 = tpu.memref_slice %arg2[%add3A_81, %dma_start3A_116] : memref<2560x128xi32, #tpu.memory_space<hbm>> -> memref<1x128xi32, #tpu.memory_space<hbm>>
        %dma_start3A_118 = tpu.memref_squeeze %dma_start3A_117 : memref<1x128xi32, #tpu.memory_space<hbm>> -> memref<128xi32, #tpu.memory_space<hbm>>
        tpu.enqueue_dma source(%dma_start3A_118 : memref<128xi32, #tpu.memory_space<hbm>>) target(%arg10 : memref<128xi32, #tpu.memory_space<vmem>>) target_semaphore(%run_scoped3A : memref<!tpu.dma_semaphore, #tpu.memory_space<semaphore_mem>>)
        %dma_wait3A_119 = arith.constant 0 : i32
        %dma_wait3A_120 = tpu.memref_slice %arg2[%add3A_81, %dma_wait3A_119] : memref<2560x128xi32, #tpu.memory_space<hbm>> -> memref<1x128xi32, #tpu.memory_space<hbm>>
        %dma_wait3A_121 = tpu.memref_squeeze %dma_wait3A_120 : memref<1x128xi32, #tpu.memory_space<hbm>> -> memref<128xi32, #tpu.memory_space<hbm>>
        %dma_wait3A_122 = arith.constant 0 : i32
        %dma_wait3A_123 = tpu.memref_slice %arg2[%add3A_81, %dma_wait3A_122] : memref<2560x128xi32, #tpu.memory_space<hbm>> -> memref<1x128xi32, #tpu.memory_space<hbm>>
        %dma_wait3A_124 = tpu.memref_squeeze %dma_wait3A_123 : memref<1x128xi32, #tpu.memory_space<hbm>> -> memref<128xi32, #tpu.memory_space<hbm>>
        tpu.wait_dma2 semaphore(%run_scoped3A : memref<!tpu.dma_semaphore, #tpu.memory_space<semaphore_mem>>) src(%dma_wait3A_124 : memref<128xi32, #tpu.memory_space<hbm>>) dst(%arg10 : memref<128xi32, #tpu.memory_space<vmem>>)
        tpu.yield
      }) : () -> ()
      %dma_start3A = arith.constant 0 : i32
      %dma_start3A_82 = arith.constant 0 : i32
      %dma_start3A_83 = tpu.memref_slice %arg4[%dma_start3A, %dma_start3A_82] : memref<10240x128xf32, #tpu.memory_space<hbm>> -> memref<10240x128xf32, #tpu.memory_space<hbm>>
      tpu.enqueue_indirect_dma source(%dma_start3A_83 : memref<10240x128xf32, #tpu.memory_space<hbm>>) target(%arg8 : memref<128x128xf32, #tpu.memory_space<vmem>>) offsets(%arg10 : memref<128xi32, #tpu.memory_space<vmem>>) semaphore(%arg14 : memref<!tpu.dma_semaphore, #tpu.memory_space<semaphore_mem>>)
      %mul3A_84 = arith.constant 80 : i32
      %mul3A_85 = arith.muli %add3A, %mul3A_84 : i32
      %add3A_86 = arith.addi %mul3A_85, %mul3A_74 : i32
      "tpu.region"() ({
        %run_scoped3A = tpu.sem_alloc : memref<!tpu.dma_semaphore, #tpu.memory_space<semaphore_mem>>
        %dma_start3A_113 = arith.constant 0 : i32
        %dma_start3A_114 = tpu.memref_slice %arg3[%add3A_86, %dma_start3A_113] : memref<2560x128xi32, #tpu.memory_space<hbm>> -> memref<1x128xi32, #tpu.memory_space<hbm>>
        %dma_start3A_115 = tpu.memref_squeeze %dma_start3A_114 : memref<1x128xi32, #tpu.memory_space<hbm>> -> memref<128xi32, #tpu.memory_space<hbm>>
        %dma_start3A_116 = arith.constant 0 : i32
        %dma_start3A_117 = tpu.memref_slice %arg3[%add3A_86, %dma_start3A_116] : memref<2560x128xi32, #tpu.memory_space<hbm>> -> memref<1x128xi32, #tpu.memory_space<hbm>>
        %dma_start3A_118 = tpu.memref_squeeze %dma_start3A_117 : memref<1x128xi32, #tpu.memory_space<hbm>> -> memref<128xi32, #tpu.memory_space<hbm>>
        tpu.enqueue_dma source(%dma_start3A_118 : memref<128xi32, #tpu.memory_space<hbm>>) target(%arg11 : memref<128xi32, #tpu.memory_space<vmem>>) target_semaphore(%run_scoped3A : memref<!tpu.dma_semaphore, #tpu.memory_space<semaphore_mem>>)
        %dma_wait3A_119 = arith.constant 0 : i32
        %dma_wait3A_120 = tpu.memref_slice %arg3[%add3A_86, %dma_wait3A_119] : memref<2560x128xi32, #tpu.memory_space<hbm>> -> memref<1x128xi32, #tpu.memory_space<hbm>>
        %dma_wait3A_121 = tpu.memref_squeeze %dma_wait3A_120 : memref<1x128xi32, #tpu.memory_space<hbm>> -> memref<128xi32, #tpu.memory_space<hbm>>
        %dma_wait3A_122 = arith.constant 0 : i32
        %dma_wait3A_123 = tpu.memref_slice %arg3[%add3A_86, %dma_wait3A_122] : memref<2560x128xi32, #tpu.memory_space<hbm>> -> memref<1x128xi32, #tpu.memory_space<hbm>>
        %dma_wait3A_124 = tpu.memref_squeeze %dma_wait3A_123 : memref<1x128xi32, #tpu.memory_space<hbm>> -> memref<128xi32, #tpu.memory_space<hbm>>
        tpu.wait_dma2 semaphore(%run_scoped3A : memref<!tpu.dma_semaphore, #tpu.memory_space<semaphore_mem>>) src(%dma_wait3A_124 : memref<128xi32, #tpu.memory_space<hbm>>) dst(%arg11 : memref<128xi32, #tpu.memory_space<vmem>>)
        tpu.yield
      }) : () -> ()
      %dma_wait3A_87 = arith.constant 0 : i32
      %dma_wait3A_88 = arith.constant 0 : i32
      %dma_wait3A_89 = tpu.memref_slice %arg4[%dma_wait3A_87, %dma_wait3A_88] : memref<10240x128xf32, #tpu.memory_space<hbm>> -> memref<10240x128xf32, #tpu.memory_space<hbm>>
      tpu.wait_indirect_dma semaphore(%arg14 : memref<!tpu.dma_semaphore, #tpu.memory_space<semaphore_mem>>) src(%dma_wait3A_89 : memref<10240x128xf32, #tpu.memory_space<hbm>>) dst(%arg8 : memref<128x128xf32, #tpu.memory_space<vmem>>)
      %dma_start3A_90 = arith.constant 0 : i32
      %dma_start3A_91 = arith.constant 0 : i32
      %dma_start3A_92 = tpu.memref_slice %arg7[%dma_start3A_90, %dma_start3A_91] : memref<10240x128xf32, #tpu.memory_space<vmem_shared>> -> memref<10240x128xf32, #tpu.memory_space<vmem_shared>>
      tpu.enqueue_indirect_dma source(%arg8 : memref<128x128xf32, #tpu.memory_space<vmem>>) target(%dma_start3A_92 : memref<10240x128xf32, #tpu.memory_space<vmem_shared>>) offsets(%arg11 : memref<128xi32, #tpu.memory_space<vmem>>) semaphore(%arg16 : memref<!tpu.dma_semaphore, #tpu.memory_space<semaphore_mem>>) {add = true}
      %gt3A_93 = arith.constant 0 : i32
      %gt3A_94 = arith.cmpi sgt, %scan3A_72, %gt3A_93 : i32
      %convert_element_type3A_95 = arith.extui %gt3A_94 : i1 to i32
      %cond3A_96 = arith.constant 0 : i32
      %cond3A_97 = arith.cmpi ne, %convert_element_type3A_95, %cond3A_96 : i32
      scf.if %cond3A_97 {
        %dma_wait3A_113 = arith.constant 0 : i32
        %dma_wait3A_114 = arith.constant 0 : i32
        %dma_wait3A_115 = tpu.memref_slice %arg7[%dma_wait3A_113, %dma_wait3A_114] : memref<10240x128xf32, #tpu.memory_space<vmem_shared>> -> memref<10240x128xf32, #tpu.memory_space<vmem_shared>>
        tpu.wait_indirect_dma semaphore(%arg17 : memref<!tpu.dma_semaphore, #tpu.memory_space<semaphore_mem>>) src(%arg9 : memref<128x128xf32, #tpu.memory_space<vmem>>) dst(%dma_wait3A_115 : memref<10240x128xf32, #tpu.memory_space<vmem_shared>>)
      } else {
      }
      %mul3A_98 = arith.constant 80 : i32
      %mul3A_99 = arith.muli %add3A, %mul3A_98 : i32
      %add3A_100 = arith.addi %mul3A_99, %add3A_76 : i32
      "tpu.region"() ({
        %run_scoped3A = tpu.sem_alloc : memref<!tpu.dma_semaphore, #tpu.memory_space<semaphore_mem>>
        %dma_start3A_113 = arith.constant 0 : i32
        %dma_start3A_114 = tpu.memref_slice %arg2[%add3A_100, %dma_start3A_113] : memref<2560x128xi32, #tpu.memory_space<hbm>> -> memref<1x128xi32, #tpu.memory_space<hbm>>
        %dma_start3A_115 = tpu.memref_squeeze %dma_start3A_114 : memref<1x128xi32, #tpu.memory_space<hbm>> -> memref<128xi32, #tpu.memory_space<hbm>>
        %dma_start3A_116 = arith.constant 0 : i32
        %dma_start3A_117 = tpu.memref_slice %arg2[%add3A_100, %dma_start3A_116] : memref<2560x128xi32, #tpu.memory_space<hbm>> -> memref<1x128xi32, #tpu.memory_space<hbm>>
        %dma_start3A_118 = tpu.memref_squeeze %dma_start3A_117 : memref<1x128xi32, #tpu.memory_space<hbm>> -> memref<128xi32, #tpu.memory_space<hbm>>
        tpu.enqueue_dma source(%dma_start3A_118 : memref<128xi32, #tpu.memory_space<hbm>>) target(%arg12 : memref<128xi32, #tpu.memory_space<vmem>>) target_semaphore(%run_scoped3A : memref<!tpu.dma_semaphore, #tpu.memory_space<semaphore_mem>>)
        %dma_wait3A_119 = arith.constant 0 : i32
        %dma_wait3A_120 = tpu.memref_slice %arg2[%add3A_100, %dma_wait3A_119] : memref<2560x128xi32, #tpu.memory_space<hbm>> -> memref<1x128xi32, #tpu.memory_space<hbm>>
        %dma_wait3A_121 = tpu.memref_squeeze %dma_wait3A_120 : memref<1x128xi32, #tpu.memory_space<hbm>> -> memref<128xi32, #tpu.memory_space<hbm>>
        %dma_wait3A_122 = arith.constant 0 : i32
        %dma_wait3A_123 = tpu.memref_slice %arg2[%add3A_100, %dma_wait3A_122] : memref<2560x128xi32, #tpu.memory_space<hbm>> -> memref<1x128xi32, #tpu.memory_space<hbm>>
        %dma_wait3A_124 = tpu.memref_squeeze %dma_wait3A_123 : memref<1x128xi32, #tpu.memory_space<hbm>> -> memref<128xi32, #tpu.memory_space<hbm>>
        tpu.wait_dma2 semaphore(%run_scoped3A : memref<!tpu.dma_semaphore, #tpu.memory_space<semaphore_mem>>) src(%dma_wait3A_124 : memref<128xi32, #tpu.memory_space<hbm>>) dst(%arg12 : memref<128xi32, #tpu.memory_space<vmem>>)
        tpu.yield
      }) : () -> ()
      %dma_start3A_101 = arith.constant 0 : i32
      %dma_start3A_102 = arith.constant 0 : i32
      %dma_start3A_103 = tpu.memref_slice %arg4[%dma_start3A_101, %dma_start3A_102] : memref<10240x128xf32, #tpu.memory_space<hbm>> -> memref<10240x128xf32, #tpu.memory_space<hbm>>
      tpu.enqueue_indirect_dma source(%dma_start3A_103 : memref<10240x128xf32, #tpu.memory_space<hbm>>) target(%arg9 : memref<128x128xf32, #tpu.memory_space<vmem>>) offsets(%arg12 : memref<128xi32, #tpu.memory_space<vmem>>) semaphore(%arg15 : memref<!tpu.dma_semaphore, #tpu.memory_space<semaphore_mem>>)
      %mul3A_104 = arith.constant 80 : i32
      %mul3A_105 = arith.muli %add3A, %mul3A_104 : i32
      %add3A_106 = arith.addi %mul3A_105, %add3A_76 : i32
      "tpu.region"() ({
        %run_scoped3A = tpu.sem_alloc : memref<!tpu.dma_semaphore, #tpu.memory_space<semaphore_mem>>
        %dma_start3A_113 = arith.constant 0 : i32
        %dma_start3A_114 = tpu.memref_slice %arg3[%add3A_106, %dma_start3A_113] : memref<2560x128xi32, #tpu.memory_space<hbm>> -> memref<1x128xi32, #tpu.memory_space<hbm>>
        %dma_start3A_115 = tpu.memref_squeeze %dma_start3A_114 : memref<1x128xi32, #tpu.memory_space<hbm>> -> memref<128xi32, #tpu.memory_space<hbm>>
        %dma_start3A_116 = arith.constant 0 : i32
        %dma_start3A_117 = tpu.memref_slice %arg3[%add3A_106, %dma_start3A_116] : memref<2560x128xi32, #tpu.memory_space<hbm>> -> memref<1x128xi32, #tpu.memory_space<hbm>>
        %dma_start3A_118 = tpu.memref_squeeze %dma_start3A_117 : memref<1x128xi32, #tpu.memory_space<hbm>> -> memref<128xi32, #tpu.memory_space<hbm>>
        tpu.enqueue_dma source(%dma_start3A_118 : memref<128xi32, #tpu.memory_space<hbm>>) target(%arg13 : memref<128xi32, #tpu.memory_space<vmem>>) target_semaphore(%run_scoped3A : memref<!tpu.dma_semaphore, #tpu.memory_space<semaphore_mem>>)
        %dma_wait3A_119 = arith.constant 0 : i32
        %dma_wait3A_120 = tpu.memref_slice %arg3[%add3A_106, %dma_wait3A_119] : memref<2560x128xi32, #tpu.memory_space<hbm>> -> memref<1x128xi32, #tpu.memory_space<hbm>>
        %dma_wait3A_121 = tpu.memref_squeeze %dma_wait3A_120 : memref<1x128xi32, #tpu.memory_space<hbm>> -> memref<128xi32, #tpu.memory_space<hbm>>
        %dma_wait3A_122 = arith.constant 0 : i32
        %dma_wait3A_123 = tpu.memref_slice %arg3[%add3A_106, %dma_wait3A_122] : memref<2560x128xi32, #tpu.memory_space<hbm>> -> memref<1x128xi32, #tpu.memory_space<hbm>>
        %dma_wait3A_124 = tpu.memref_squeeze %dma_wait3A_123 : memref<1x128xi32, #tpu.memory_space<hbm>> -> memref<128xi32, #tpu.memory_space<hbm>>
        tpu.wait_dma2 semaphore(%run_scoped3A : memref<!tpu.dma_semaphore, #tpu.memory_space<semaphore_mem>>) src(%dma_wait3A_124 : memref<128xi32, #tpu.memory_space<hbm>>) dst(%arg13 : memref<128xi32, #tpu.memory_space<vmem>>)
        tpu.yield
      }) : () -> ()
      %dma_wait3A_107 = arith.constant 0 : i32
      %dma_wait3A_108 = arith.constant 0 : i32
      %dma_wait3A_109 = tpu.memref_slice %arg4[%dma_wait3A_107, %dma_wait3A_108] : memref<10240x128xf32, #tpu.memory_space<hbm>> -> memref<10240x128xf32, #tpu.memory_space<hbm>>
      tpu.wait_indirect_dma semaphore(%arg15 : memref<!tpu.dma_semaphore, #tpu.memory_space<semaphore_mem>>) src(%dma_wait3A_109 : memref<10240x128xf32, #tpu.memory_space<hbm>>) dst(%arg9 : memref<128x128xf32, #tpu.memory_space<vmem>>)
      %dma_start3A_110 = arith.constant 0 : i32
      %dma_start3A_111 = arith.constant 0 : i32
      %dma_start3A_112 = tpu.memref_slice %arg7[%dma_start3A_110, %dma_start3A_111] : memref<10240x128xf32, #tpu.memory_space<vmem_shared>> -> memref<10240x128xf32, #tpu.memory_space<vmem_shared>>
      tpu.enqueue_indirect_dma source(%arg9 : memref<128x128xf32, #tpu.memory_space<vmem>>) target(%dma_start3A_112 : memref<10240x128xf32, #tpu.memory_space<vmem_shared>>) offsets(%arg13 : memref<128xi32, #tpu.memory_space<vmem>>) semaphore(%arg17 : memref<!tpu.dma_semaphore, #tpu.memory_space<semaphore_mem>>) {add = true}
    }
    %scan3A_25 = arith.constant 40 : i32
    %dma_wait3A = arith.constant 0 : i32
    %dma_wait3A_26 = arith.constant 0 : i32
    %dma_wait3A_27 = tpu.memref_slice %arg7[%dma_wait3A, %dma_wait3A_26] : memref<10240x128xf32, #tpu.memory_space<vmem_shared>> -> memref<10240x128xf32, #tpu.memory_space<vmem_shared>>
    tpu.wait_indirect_dma semaphore(%arg16 : memref<!tpu.dma_semaphore, #tpu.memory_space<semaphore_mem>>) src(%arg8 : memref<128x128xf32, #tpu.memory_space<vmem>>) dst(%dma_wait3A_27 : memref<10240x128xf32, #tpu.memory_space<vmem_shared>>)
    %dma_wait3A_28 = arith.constant 0 : i32
    %dma_wait3A_29 = arith.constant 0 : i32
    %dma_wait3A_30 = tpu.memref_slice %arg7[%dma_wait3A_28, %dma_wait3A_29] : memref<10240x128xf32, #tpu.memory_space<vmem_shared>> -> memref<10240x128xf32, #tpu.memory_space<vmem_shared>>
    tpu.wait_indirect_dma semaphore(%arg17 : memref<!tpu.dma_semaphore, #tpu.memory_space<semaphore_mem>>) src(%arg9 : memref<128x128xf32, #tpu.memory_space<vmem>>) dst(%dma_wait3A_30 : memref<10240x128xf32, #tpu.memory_space<vmem_shared>>)
    %barrier3A_31 = arith.constant 0 : index
    tpu.barrier barrier_id(%barrier3A_31)
    %mul3A_32 = arith.constant 640 : i32
    %mul3A_33 = arith.muli %arg1, %mul3A_32 : i32
    %add3A_34 = arith.constant 0 : i32
    %add3A_35 = arith.addi %mul3A_33, %add3A_34 : i32
    "tpu.region"() ({
      %run_scoped3A = tpu.sem_alloc : memref<!tpu.dma_semaphore, #tpu.memory_space<semaphore_mem>>
      %dma_start3A = arith.constant 0 : i32
      %dma_start3A_72 = tpu.memref_slice %arg7[%add3A_35, %dma_start3A] : memref<10240x128xf32, #tpu.memory_space<vmem_shared>> -> memref<128x128xf32, #tpu.memory_space<vmem_shared>>
      %dma_start3A_73 = arith.constant 0 : i32
      %dma_start3A_74 = tpu.memref_slice %arg7[%add3A_35, %dma_start3A_73] : memref<10240x128xf32, #tpu.memory_space<vmem_shared>> -> memref<128x128xf32, #tpu.memory_space<vmem_shared>>
      tpu.enqueue_dma source(%dma_start3A_74 : memref<128x128xf32, #tpu.memory_space<vmem_shared>>) target(%arg8 : memref<128x128xf32, #tpu.memory_space<vmem>>) target_semaphore(%run_scoped3A : memref<!tpu.dma_semaphore, #tpu.memory_space<semaphore_mem>>)
      %dma_wait3A_75 = arith.constant 0 : i32
      %dma_wait3A_76 = tpu.memref_slice %arg7[%add3A_35, %dma_wait3A_75] : memref<10240x128xf32, #tpu.memory_space<vmem_shared>> -> memref<128x128xf32, #tpu.memory_space<vmem_shared>>
      %dma_wait3A_77 = arith.constant 0 : i32
      %dma_wait3A_78 = tpu.memref_slice %arg7[%add3A_35, %dma_wait3A_77] : memref<10240x128xf32, #tpu.memory_space<vmem_shared>> -> memref<128x128xf32, #tpu.memory_space<vmem_shared>>
      tpu.wait_dma2 semaphore(%run_scoped3A : memref<!tpu.dma_semaphore, #tpu.memory_space<semaphore_mem>>) src(%dma_wait3A_78 : memref<128x128xf32, #tpu.memory_space<vmem_shared>>) dst(%arg8 : memref<128x128xf32, #tpu.memory_space<vmem>>)
      tpu.yield
    }) : () -> ()
    %mul3A_36 = arith.constant 640 : i32
    %mul3A_37 = arith.muli %arg1, %mul3A_36 : i32
    %add3A_38 = arith.constant 0 : i32
    %add3A_39 = arith.addi %mul3A_37, %add3A_38 : i32
    "tpu.region"() ({
      %run_scoped3A = tpu.sem_alloc : memref<!tpu.dma_semaphore, #tpu.memory_space<semaphore_mem>>
      %dma_start3A = arith.constant 0 : i32
      %dma_start3A_72 = tpu.memref_slice %arg6[%arg0, %add3A_39, %dma_start3A] : memref<2x10240x128xf32, #tpu.memory_space<hbm>> -> memref<1x128x128xf32, #tpu.memory_space<hbm>>
      %dma_start3A_73 = tpu.memref_squeeze %dma_start3A_72 : memref<1x128x128xf32, #tpu.memory_space<hbm>> -> memref<128x128xf32, #tpu.memory_space<hbm>>
      %dma_start3A_74 = arith.constant 0 : i32
      %dma_start3A_75 = tpu.memref_slice %arg6[%arg0, %add3A_39, %dma_start3A_74] : memref<2x10240x128xf32, #tpu.memory_space<hbm>> -> memref<1x128x128xf32, #tpu.memory_space<hbm>>
      %dma_start3A_76 = tpu.memref_squeeze %dma_start3A_75 : memref<1x128x128xf32, #tpu.memory_space<hbm>> -> memref<128x128xf32, #tpu.memory_space<hbm>>
      tpu.enqueue_dma source(%arg8 : memref<128x128xf32, #tpu.memory_space<vmem>>) target(%dma_start3A_76 : memref<128x128xf32, #tpu.memory_space<hbm>>) target_semaphore(%run_scoped3A : memref<!tpu.dma_semaphore, #tpu.memory_space<semaphore_mem>>)
      %dma_wait3A_77 = arith.constant 0 : i32
      %dma_wait3A_78 = tpu.memref_slice %arg6[%arg0, %add3A_39, %dma_wait3A_77] : memref<2x10240x128xf32, #tpu.memory_space<hbm>> -> memref<1x128x128xf32, #tpu.memory_space<hbm>>
      %dma_wait3A_79 = tpu.memref_squeeze %dma_wait3A_78 : memref<1x128x128xf32, #tpu.memory_space<hbm>> -> memref<128x128xf32, #tpu.memory_space<hbm>>
      %dma_wait3A_80 = arith.constant 0 : i32
      %dma_wait3A_81 = tpu.memref_slice %arg6[%arg0, %add3A_39, %dma_wait3A_80] : memref<2x10240x128xf32, #tpu.memory_space<hbm>> -> memref<1x128x128xf32, #tpu.memory_space<hbm>>
      %dma_wait3A_82 = tpu.memref_squeeze %dma_wait3A_81 : memref<1x128x128xf32, #tpu.memory_space<hbm>> -> memref<128x128xf32, #tpu.memory_space<hbm>>
      tpu.wait_dma2 semaphore(%run_scoped3A : memref<!tpu.dma_semaphore, #tpu.memory_space<semaphore_mem>>) src(%arg8 : memref<128x128xf32, #tpu.memory_space<vmem>>) dst(%dma_wait3A_82 : memref<128x128xf32, #tpu.memory_space<hbm>>)
      tpu.yield
    }) : () -> ()
    %mul3A_40 = arith.constant 640 : i32
    %mul3A_41 = arith.muli %arg1, %mul3A_40 : i32
    %add3A_42 = arith.constant 128 : i32
    %add3A_43 = arith.addi %mul3A_41, %add3A_42 : i32
    "tpu.region"() ({
      %run_scoped3A = tpu.sem_alloc : memref<!tpu.dma_semaphore, #tpu.memory_space<semaphore_mem>>
      %dma_start3A = arith.constant 0 : i32
      %dma_start3A_72 = tpu.memref_slice %arg7[%add3A_43, %dma_start3A] : memref<10240x128xf32, #tpu.memory_space<vmem_shared>> -> memref<128x128xf32, #tpu.memory_space<vmem_shared>>
      %dma_start3A_73 = arith.constant 0 : i32
      %dma_start3A_74 = tpu.memref_slice %arg7[%add3A_43, %dma_start3A_73] : memref<10240x128xf32, #tpu.memory_space<vmem_shared>> -> memref<128x128xf32, #tpu.memory_space<vmem_shared>>
      tpu.enqueue_dma source(%dma_start3A_74 : memref<128x128xf32, #tpu.memory_space<vmem_shared>>) target(%arg8 : memref<128x128xf32, #tpu.memory_space<vmem>>) target_semaphore(%run_scoped3A : memref<!tpu.dma_semaphore, #tpu.memory_space<semaphore_mem>>)
      %dma_wait3A_75 = arith.constant 0 : i32
      %dma_wait3A_76 = tpu.memref_slice %arg7[%add3A_43, %dma_wait3A_75] : memref<10240x128xf32, #tpu.memory_space<vmem_shared>> -> memref<128x128xf32, #tpu.memory_space<vmem_shared>>
      %dma_wait3A_77 = arith.constant 0 : i32
      %dma_wait3A_78 = tpu.memref_slice %arg7[%add3A_43, %dma_wait3A_77] : memref<10240x128xf32, #tpu.memory_space<vmem_shared>> -> memref<128x128xf32, #tpu.memory_space<vmem_shared>>
      tpu.wait_dma2 semaphore(%run_scoped3A : memref<!tpu.dma_semaphore, #tpu.memory_space<semaphore_mem>>) src(%dma_wait3A_78 : memref<128x128xf32, #tpu.memory_space<vmem_shared>>) dst(%arg8 : memref<128x128xf32, #tpu.memory_space<vmem>>)
      tpu.yield
    }) : () -> ()
    %mul3A_44 = arith.constant 640 : i32
    %mul3A_45 = arith.muli %arg1, %mul3A_44 : i32
    %add3A_46 = arith.constant 128 : i32
    %add3A_47 = arith.addi %mul3A_45, %add3A_46 : i32
    "tpu.region"() ({
      %run_scoped3A = tpu.sem_alloc : memref<!tpu.dma_semaphore, #tpu.memory_space<semaphore_mem>>
      %dma_start3A = arith.constant 0 : i32
      %dma_start3A_72 = tpu.memref_slice %arg6[%arg0, %add3A_47, %dma_start3A] : memref<2x10240x128xf32, #tpu.memory_space<hbm>> -> memref<1x128x128xf32, #tpu.memory_space<hbm>>
      %dma_start3A_73 = tpu.memref_squeeze %dma_start3A_72 : memref<1x128x128xf32, #tpu.memory_space<hbm>> -> memref<128x128xf32, #tpu.memory_space<hbm>>
      %dma_start3A_74 = arith.constant 0 : i32
      %dma_start3A_75 = tpu.memref_slice %arg6[%arg0, %add3A_47, %dma_start3A_74] : memref<2x10240x128xf32, #tpu.memory_space<hbm>> -> memref<1x128x128xf32, #tpu.memory_space<hbm>>
      %dma_start3A_76 = tpu.memref_squeeze %dma_start3A_75 : memref<1x128x128xf32, #tpu.memory_space<hbm>> -> memref<128x128xf32, #tpu.memory_space<hbm>>
      tpu.enqueue_dma source(%arg8 : memref<128x128xf32, #tpu.memory_space<vmem>>) target(%dma_start3A_76 : memref<128x128xf32, #tpu.memory_space<hbm>>) target_semaphore(%run_scoped3A : memref<!tpu.dma_semaphore, #tpu.memory_space<semaphore_mem>>)
      %dma_wait3A_77 = arith.constant 0 : i32
      %dma_wait3A_78 = tpu.memref_slice %arg6[%arg0, %add3A_47, %dma_wait3A_77] : memref<2x10240x128xf32, #tpu.memory_space<hbm>> -> memref<1x128x128xf32, #tpu.memory_space<hbm>>
      %dma_wait3A_79 = tpu.memref_squeeze %dma_wait3A_78 : memref<1x128x128xf32, #tpu.memory_space<hbm>> -> memref<128x128xf32, #tpu.memory_space<hbm>>
      %dma_wait3A_80 = arith.constant 0 : i32
      %dma_wait3A_81 = tpu.memref_slice %arg6[%arg0, %add3A_47, %dma_wait3A_80] : memref<2x10240x128xf32, #tpu.memory_space<hbm>> -> memref<1x128x128xf32, #tpu.memory_space<hbm>>
      %dma_wait3A_82 = tpu.memref_squeeze %dma_wait3A_81 : memref<1x128x128xf32, #tpu.memory_space<hbm>> -> memref<128x128xf32, #tpu.memory_space<hbm>>
      tpu.wait_dma2 semaphore(%run_scoped3A : memref<!tpu.dma_semaphore, #tpu.memory_space<semaphore_mem>>) src(%arg8 : memref<128x128xf32, #tpu.memory_space<vmem>>) dst(%dma_wait3A_82 : memref<128x128xf32, #tpu.memory_space<hbm>>)
      tpu.yield
    }) : () -> ()
    %mul3A_48 = arith.constant 640 : i32
    %mul3A_49 = arith.muli %arg1, %mul3A_48 : i32
    %add3A_50 = arith.constant 256 : i32
    %add3A_51 = arith.addi %mul3A_49, %add3A_50 : i32
    "tpu.region"() ({
      %run_scoped3A = tpu.sem_alloc : memref<!tpu.dma_semaphore, #tpu.memory_space<semaphore_mem>>
      %dma_start3A = arith.constant 0 : i32
      %dma_start3A_72 = tpu.memref_slice %arg7[%add3A_51, %dma_start3A] : memref<10240x128xf32, #tpu.memory_space<vmem_shared>> -> memref<128x128xf32, #tpu.memory_space<vmem_shared>>
      %dma_start3A_73 = arith.constant 0 : i32
      %dma_start3A_74 = tpu.memref_slice %arg7[%add3A_51, %dma_start3A_73] : memref<10240x128xf32, #tpu.memory_space<vmem_shared>> -> memref<128x128xf32, #tpu.memory_space<vmem_shared>>
      tpu.enqueue_dma source(%dma_start3A_74 : memref<128x128xf32, #tpu.memory_space<vmem_shared>>) target(%arg8 : memref<128x128xf32, #tpu.memory_space<vmem>>) target_semaphore(%run_scoped3A : memref<!tpu.dma_semaphore, #tpu.memory_space<semaphore_mem>>)
      %dma_wait3A_75 = arith.constant 0 : i32
      %dma_wait3A_76 = tpu.memref_slice %arg7[%add3A_51, %dma_wait3A_75] : memref<10240x128xf32, #tpu.memory_space<vmem_shared>> -> memref<128x128xf32, #tpu.memory_space<vmem_shared>>
      %dma_wait3A_77 = arith.constant 0 : i32
      %dma_wait3A_78 = tpu.memref_slice %arg7[%add3A_51, %dma_wait3A_77] : memref<10240x128xf32, #tpu.memory_space<vmem_shared>> -> memref<128x128xf32, #tpu.memory_space<vmem_shared>>
      tpu.wait_dma2 semaphore(%run_scoped3A : memref<!tpu.dma_semaphore, #tpu.memory_space<semaphore_mem>>) src(%dma_wait3A_78 : memref<128x128xf32, #tpu.memory_space<vmem_shared>>) dst(%arg8 : memref<128x128xf32, #tpu.memory_space<vmem>>)
      tpu.yield
    }) : () -> ()
    %mul3A_52 = arith.constant 640 : i32
    %mul3A_53 = arith.muli %arg1, %mul3A_52 : i32
    %add3A_54 = arith.constant 256 : i32
    %add3A_55 = arith.addi %mul3A_53, %add3A_54 : i32
    "tpu.region"() ({
      %run_scoped3A = tpu.sem_alloc : memref<!tpu.dma_semaphore, #tpu.memory_space<semaphore_mem>>
      %dma_start3A = arith.constant 0 : i32
      %dma_start3A_72 = tpu.memref_slice %arg6[%arg0, %add3A_55, %dma_start3A] : memref<2x10240x128xf32, #tpu.memory_space<hbm>> -> memref<1x128x128xf32, #tpu.memory_space<hbm>>
      %dma_start3A_73 = tpu.memref_squeeze %dma_start3A_72 : memref<1x128x128xf32, #tpu.memory_space<hbm>> -> memref<128x128xf32, #tpu.memory_space<hbm>>
      %dma_start3A_74 = arith.constant 0 : i32
      %dma_start3A_75 = tpu.memref_slice %arg6[%arg0, %add3A_55, %dma_start3A_74] : memref<2x10240x128xf32, #tpu.memory_space<hbm>> -> memref<1x128x128xf32, #tpu.memory_space<hbm>>
      %dma_start3A_76 = tpu.memref_squeeze %dma_start3A_75 : memref<1x128x128xf32, #tpu.memory_space<hbm>> -> memref<128x128xf32, #tpu.memory_space<hbm>>
      tpu.enqueue_dma source(%arg8 : memref<128x128xf32, #tpu.memory_space<vmem>>) target(%dma_start3A_76 : memref<128x128xf32, #tpu.memory_space<hbm>>) target_semaphore(%run_scoped3A : memref<!tpu.dma_semaphore, #tpu.memory_space<semaphore_mem>>)
      %dma_wait3A_77 = arith.constant 0 : i32
      %dma_wait3A_78 = tpu.memref_slice %arg6[%arg0, %add3A_55, %dma_wait3A_77] : memref<2x10240x128xf32, #tpu.memory_space<hbm>> -> memref<1x128x128xf32, #tpu.memory_space<hbm>>
      %dma_wait3A_79 = tpu.memref_squeeze %dma_wait3A_78 : memref<1x128x128xf32, #tpu.memory_space<hbm>> -> memref<128x128xf32, #tpu.memory_space<hbm>>
      %dma_wait3A_80 = arith.constant 0 : i32
      %dma_wait3A_81 = tpu.memref_slice %arg6[%arg0, %add3A_55, %dma_wait3A_80] : memref<2x10240x128xf32, #tpu.memory_space<hbm>> -> memref<1x128x128xf32, #tpu.memory_space<hbm>>
      %dma_wait3A_82 = tpu.memref_squeeze %dma_wait3A_81 : memref<1x128x128xf32, #tpu.memory_space<hbm>> -> memref<128x128xf32, #tpu.memory_space<hbm>>
      tpu.wait_dma2 semaphore(%run_scoped3A : memref<!tpu.dma_semaphore, #tpu.memory_space<semaphore_mem>>) src(%arg8 : memref<128x128xf32, #tpu.memory_space<vmem>>) dst(%dma_wait3A_82 : memref<128x128xf32, #tpu.memory_space<hbm>>)
      tpu.yield
    }) : () -> ()
    %mul3A_56 = arith.constant 640 : i32
    %mul3A_57 = arith.muli %arg1, %mul3A_56 : i32
    %add3A_58 = arith.constant 384 : i32
    %add3A_59 = arith.addi %mul3A_57, %add3A_58 : i32
    "tpu.region"() ({
      %run_scoped3A = tpu.sem_alloc : memref<!tpu.dma_semaphore, #tpu.memory_space<semaphore_mem>>
      %dma_start3A = arith.constant 0 : i32
      %dma_start3A_72 = tpu.memref_slice %arg7[%add3A_59, %dma_start3A] : memref<10240x128xf32, #tpu.memory_space<vmem_shared>> -> memref<128x128xf32, #tpu.memory_space<vmem_shared>>
      %dma_start3A_73 = arith.constant 0 : i32
      %dma_start3A_74 = tpu.memref_slice %arg7[%add3A_59, %dma_start3A_73] : memref<10240x128xf32, #tpu.memory_space<vmem_shared>> -> memref<128x128xf32, #tpu.memory_space<vmem_shared>>
      tpu.enqueue_dma source(%dma_start3A_74 : memref<128x128xf32, #tpu.memory_space<vmem_shared>>) target(%arg8 : memref<128x128xf32, #tpu.memory_space<vmem>>) target_semaphore(%run_scoped3A : memref<!tpu.dma_semaphore, #tpu.memory_space<semaphore_mem>>)
      %dma_wait3A_75 = arith.constant 0 : i32
      %dma_wait3A_76 = tpu.memref_slice %arg7[%add3A_59, %dma_wait3A_75] : memref<10240x128xf32, #tpu.memory_space<vmem_shared>> -> memref<128x128xf32, #tpu.memory_space<vmem_shared>>
      %dma_wait3A_77 = arith.constant 0 : i32
      %dma_wait3A_78 = tpu.memref_slice %arg7[%add3A_59, %dma_wait3A_77] : memref<10240x128xf32, #tpu.memory_space<vmem_shared>> -> memref<128x128xf32, #tpu.memory_space<vmem_shared>>
      tpu.wait_dma2 semaphore(%run_scoped3A : memref<!tpu.dma_semaphore, #tpu.memory_space<semaphore_mem>>) src(%dma_wait3A_78 : memref<128x128xf32, #tpu.memory_space<vmem_shared>>) dst(%arg8 : memref<128x128xf32, #tpu.memory_space<vmem>>)
      tpu.yield
    }) : () -> ()
    %mul3A_60 = arith.constant 640 : i32
    %mul3A_61 = arith.muli %arg1, %mul3A_60 : i32
    %add3A_62 = arith.constant 384 : i32
    %add3A_63 = arith.addi %mul3A_61, %add3A_62 : i32
    "tpu.region"() ({
      %run_scoped3A = tpu.sem_alloc : memref<!tpu.dma_semaphore, #tpu.memory_space<semaphore_mem>>
      %dma_start3A = arith.constant 0 : i32
      %dma_start3A_72 = tpu.memref_slice %arg6[%arg0, %add3A_63, %dma_start3A] : memref<2x10240x128xf32, #tpu.memory_space<hbm>> -> memref<1x128x128xf32, #tpu.memory_space<hbm>>
      %dma_start3A_73 = tpu.memref_squeeze %dma_start3A_72 : memref<1x128x128xf32, #tpu.memory_space<hbm>> -> memref<128x128xf32, #tpu.memory_space<hbm>>
      %dma_start3A_74 = arith.constant 0 : i32
      %dma_start3A_75 = tpu.memref_slice %arg6[%arg0, %add3A_63, %dma_start3A_74] : memref<2x10240x128xf32, #tpu.memory_space<hbm>> -> memref<1x128x128xf32, #tpu.memory_space<hbm>>
      %dma_start3A_76 = tpu.memref_squeeze %dma_start3A_75 : memref<1x128x128xf32, #tpu.memory_space<hbm>> -> memref<128x128xf32, #tpu.memory_space<hbm>>
      tpu.enqueue_dma source(%arg8 : memref<128x128xf32, #tpu.memory_space<vmem>>) target(%dma_start3A_76 : memref<128x128xf32, #tpu.memory_space<hbm>>) target_semaphore(%run_scoped3A : memref<!tpu.dma_semaphore, #tpu.memory_space<semaphore_mem>>)
      %dma_wait3A_77 = arith.constant 0 : i32
      %dma_wait3A_78 = tpu.memref_slice %arg6[%arg0, %add3A_63, %dma_wait3A_77] : memref<2x10240x128xf32, #tpu.memory_space<hbm>> -> memref<1x128x128xf32, #tpu.memory_space<hbm>>
      %dma_wait3A_79 = tpu.memref_squeeze %dma_wait3A_78 : memref<1x128x128xf32, #tpu.memory_space<hbm>> -> memref<128x128xf32, #tpu.memory_space<hbm>>
      %dma_wait3A_80 = arith.constant 0 : i32
      %dma_wait3A_81 = tpu.memref_slice %arg6[%arg0, %add3A_63, %dma_wait3A_80] : memref<2x10240x128xf32, #tpu.memory_space<hbm>> -> memref<1x128x128xf32, #tpu.memory_space<hbm>>
      %dma_wait3A_82 = tpu.memref_squeeze %dma_wait3A_81 : memref<1x128x128xf32, #tpu.memory_space<hbm>> -> memref<128x128xf32, #tpu.memory_space<hbm>>
      tpu.wait_dma2 semaphore(%run_scoped3A : memref<!tpu.dma_semaphore, #tpu.memory_space<semaphore_mem>>) src(%arg8 : memref<128x128xf32, #tpu.memory_space<vmem>>) dst(%dma_wait3A_82 : memref<128x128xf32, #tpu.memory_space<hbm>>)
      tpu.yield
    }) : () -> ()
    %mul3A_64 = arith.constant 640 : i32
    %mul3A_65 = arith.muli %arg1, %mul3A_64 : i32
    %add3A_66 = arith.constant 512 : i32
    %add3A_67 = arith.addi %mul3A_65, %add3A_66 : i32
    "tpu.region"() ({
      %run_scoped3A = tpu.sem_alloc : memref<!tpu.dma_semaphore, #tpu.memory_space<semaphore_mem>>
      %dma_start3A = arith.constant 0 : i32
      %dma_start3A_72 = tpu.memref_slice %arg7[%add3A_67, %dma_start3A] : memref<10240x128xf32, #tpu.memory_space<vmem_shared>> -> memref<128x128xf32, #tpu.memory_space<vmem_shared>>
      %dma_start3A_73 = arith.constant 0 : i32
      %dma_start3A_74 = tpu.memref_slice %arg7[%add3A_67, %dma_start3A_73] : memref<10240x128xf32, #tpu.memory_space<vmem_shared>> -> memref<128x128xf32, #tpu.memory_space<vmem_shared>>
      tpu.enqueue_dma source(%dma_start3A_74 : memref<128x128xf32, #tpu.memory_space<vmem_shared>>) target(%arg8 : memref<128x128xf32, #tpu.memory_space<vmem>>) target_semaphore(%run_scoped3A : memref<!tpu.dma_semaphore, #tpu.memory_space<semaphore_mem>>)
      %dma_wait3A_75 = arith.constant 0 : i32
      %dma_wait3A_76 = tpu.memref_slice %arg7[%add3A_67, %dma_wait3A_75] : memref<10240x128xf32, #tpu.memory_space<vmem_shared>> -> memref<128x128xf32, #tpu.memory_space<vmem_shared>>
      %dma_wait3A_77 = arith.constant 0 : i32
      %dma_wait3A_78 = tpu.memref_slice %arg7[%add3A_67, %dma_wait3A_77] : memref<10240x128xf32, #tpu.memory_space<vmem_shared>> -> memref<128x128xf32, #tpu.memory_space<vmem_shared>>
      tpu.wait_dma2 semaphore(%run_scoped3A : memref<!tpu.dma_semaphore, #tpu.memory_space<semaphore_mem>>) src(%dma_wait3A_78 : memref<128x128xf32, #tpu.memory_space<vmem_shared>>) dst(%arg8 : memref<128x128xf32, #tpu.memory_space<vmem>>)
      tpu.yield
    }) : () -> ()
    %mul3A_68 = arith.constant 640 : i32
    %mul3A_69 = arith.muli %arg1, %mul3A_68 : i32
    %add3A_70 = arith.constant 512 : i32
    %add3A_71 = arith.addi %mul3A_69, %add3A_70 : i32
    "tpu.region"() ({
      %run_scoped3A = tpu.sem_alloc : memref<!tpu.dma_semaphore, #tpu.memory_space<semaphore_mem>>
      %dma_start3A = arith.constant 0 : i32
      %dma_start3A_72 = tpu.memref_slice %arg6[%arg0, %add3A_71, %dma_start3A] : memref<2x10240x128xf32, #tpu.memory_space<hbm>> -> memref<1x128x128xf32, #tpu.memory_space<hbm>>
      %dma_start3A_73 = tpu.memref_squeeze %dma_start3A_72 : memref<1x128x128xf32, #tpu.memory_space<hbm>> -> memref<128x128xf32, #tpu.memory_space<hbm>>
      %dma_start3A_74 = arith.constant 0 : i32
      %dma_start3A_75 = tpu.memref_slice %arg6[%arg0, %add3A_71, %dma_start3A_74] : memref<2x10240x128xf32, #tpu.memory_space<hbm>> -> memref<1x128x128xf32, #tpu.memory_space<hbm>>
      %dma_start3A_76 = tpu.memref_squeeze %dma_start3A_75 : memref<1x128x128xf32, #tpu.memory_space<hbm>> -> memref<128x128xf32, #tpu.memory_space<hbm>>
      tpu.enqueue_dma source(%arg8 : memref<128x128xf32, #tpu.memory_space<vmem>>) target(%dma_start3A_76 : memref<128x128xf32, #tpu.memory_space<hbm>>) target_semaphore(%run_scoped3A : memref<!tpu.dma_semaphore, #tpu.memory_space<semaphore_mem>>)
      %dma_wait3A_77 = arith.constant 0 : i32
      %dma_wait3A_78 = tpu.memref_slice %arg6[%arg0, %add3A_71, %dma_wait3A_77] : memref<2x10240x128xf32, #tpu.memory_space<hbm>> -> memref<1x128x128xf32, #tpu.memory_space<hbm>>
      %dma_wait3A_79 = tpu.memref_squeeze %dma_wait3A_78 : memref<1x128x128xf32, #tpu.memory_space<hbm>> -> memref<128x128xf32, #tpu.memory_space<hbm>>
      %dma_wait3A_80 = arith.constant 0 : i32
      %dma_wait3A_81 = tpu.memref_slice %arg6[%arg0, %add3A_71, %dma_wait3A_80] : memref<2x10240x128xf32, #tpu.memory_space<hbm>> -> memref<1x128x128xf32, #tpu.memory_space<hbm>>
      %dma_wait3A_82 = tpu.memref_squeeze %dma_wait3A_81 : memref<1x128x128xf32, #tpu.memory_space<hbm>> -> memref<128x128xf32, #tpu.memory_space<hbm>>
      tpu.wait_dma2 semaphore(%run_scoped3A : memref<!tpu.dma_semaphore, #tpu.memory_space<semaphore_mem>>) src(%arg8 : memref<128x128xf32, #tpu.memory_space<vmem>>) dst(%dma_wait3A_82 : memref<128x128xf32, #tpu.memory_space<hbm>>)
      tpu.yield
    }) : () -> ()
    return
  }
}

#map = affine_map<(d0, d1) -> (0, 0)>
#map1 = affine_map<(d0, d1) -> (0, 0, 0)>
module attributes {stable_mosaic.version = 14 : i64} {
  func.func @_prop_body(%arg0: i32, %arg1: i32, %arg2: memref<2560x128xi32, #tpu.memory_space<hbm>>, %arg3: memref<2560x128xi32, #tpu.memory_space<hbm>>, %arg4: memref<10240x128xf32, #tpu.memory_space<hbm>>, %arg5: memref<128x128xf32, #tpu.memory_space<hbm>>, %arg6: memref<2x10240x128xf32, #tpu.memory_space<hbm>>, %arg7: memref<10240x128xf32, #tpu.memory_space<vmem_shared>>, %arg8: memref<128x128xf32, #tpu.memory_space<vmem>>, %arg9: memref<128x128xf32, #tpu.memory_space<vmem>>, %arg10: memref<128xi32, #tpu.memory_space<vmem>>, %arg11: memref<128xi32, #tpu.memory_space<vmem>>, %arg12: memref<128xi32, #tpu.memory_space<vmem>>, %arg13: memref<128xi32, #tpu.memory_space<vmem>>, %arg14: memref<!tpu.dma_semaphore, #tpu.memory_space<semaphore_mem>>, %arg15: memref<!tpu.dma_semaphore, #tpu.memory_space<semaphore_mem>>, %arg16: memref<!tpu.dma_semaphore, #tpu.memory_space<semaphore_mem>>, %arg17: memref<!tpu.dma_semaphore, #tpu.memory_space<semaphore_mem>>) attributes {dimension_semantics = [#tpu.dimension_semantics<core_parallel>, #tpu.dimension_semantics<subcore_parallel>], iteration_bounds = array<i64: 2, 16>, scalar_prefetch = 0 : i64, scratch_operands = 11 : i64, tpu.core_type = #tpu.core_type<sc_vector_subcore>, window_params = [{transform_indices = #map}, {transform_indices = #map}, {transform_indices = #map}, {transform_indices = #map}, {transform_indices = #map1}]} {
    %mul3A = arith.constant 16 : i32
    %mul3A_0 = arith.muli %arg0, %mul3A : i32
    %add3A = arith.addi %mul3A_0, %arg1 : i32
    "tpu.region"() ({
      %run_scoped3A = tpu.sem_alloc : memref<!tpu.dma_semaphore, #tpu.memory_space<semaphore_mem>>
      tpu.enqueue_dma source(%arg5 : memref<128x128xf32, #tpu.memory_space<hbm>>) target(%arg8 : memref<128x128xf32, #tpu.memory_space<vmem>>) target_semaphore(%run_scoped3A : memref<!tpu.dma_semaphore, #tpu.memory_space<semaphore_mem>>)
      tpu.wait_dma2 semaphore(%run_scoped3A : memref<!tpu.dma_semaphore, #tpu.memory_space<semaphore_mem>>) src(%arg5 : memref<128x128xf32, #tpu.memory_space<hbm>>) dst(%arg8 : memref<128x128xf32, #tpu.memory_space<vmem>>)
      tpu.yield
    }) : () -> ()
    %mul3A_1 = arith.constant 640 : i32
    %mul3A_2 = arith.muli %arg1, %mul3A_1 : i32
    %add3A_3 = arith.constant 0 : i32
    %add3A_4 = arith.addi %mul3A_2, %add3A_3 : i32
    "tpu.region"() ({
      %run_scoped3A = tpu.sem_alloc : memref<!tpu.dma_semaphore, #tpu.memory_space<semaphore_mem>>
      %dma_start3A = arith.constant 0 : i32
      %dma_start3A_72 = tpu.memref_slice %arg7[%add3A_4, %dma_start3A] : memref<10240x128xf32, #tpu.memory_space<vmem_shared>> -> memref<128x128xf32, #tpu.memory_space<vmem_shared>>
      %dma_start3A_73 = arith.constant 0 : i32
      %dma_start3A_74 = tpu.memref_slice %arg7[%add3A_4, %dma_start3A_73] : memref<10240x128xf32, #tpu.memory_space<vmem_shared>> -> memref<128x128xf32, #tpu.memory_space<vmem_shared>>
      tpu.enqueue_dma source(%arg8 : memref<128x128xf32, #tpu.memory_space<vmem>>) target(%dma_start3A_74 : memref<128x128xf32, #tpu.memory_space<vmem_shared>>) target_semaphore(%run_scoped3A : memref<!tpu.dma_semaphore, #tpu.memory_space<semaphore_mem>>)
      %dma_wait3A_75 = arith.constant 0 : i32
      %dma_wait3A_76 = tpu.memref_slice %arg7[%add3A_4, %dma_wait3A_75] : memref<10240x128xf32, #tpu.memory_space<vmem_shared>> -> memref<128x128xf32, #tpu.memory_space<vmem_shared>>
      %dma_wait3A_77 = arith.constant 0 : i32
      %dma_wait3A_78 = tpu.memref_slice %arg7[%add3A_4, %dma_wait3A_77] : memref<10240x128xf32, #tpu.memory_space<vmem_shared>> -> memref<128x128xf32, #tpu.memory_space<vmem_shared>>
      tpu.wait_dma2 semaphore(%run_scoped3A : memref<!tpu.dma_semaphore, #tpu.memory_space<semaphore_mem>>) src(%arg8 : memref<128x128xf32, #tpu.memory_space<vmem>>) dst(%dma_wait3A_78 : memref<128x128xf32, #tpu.memory_space<vmem_shared>>)
      tpu.yield
    }) : () -> ()
    %mul3A_5 = arith.constant 640 : i32
    %mul3A_6 = arith.muli %arg1, %mul3A_5 : i32
    %add3A_7 = arith.constant 128 : i32
    %add3A_8 = arith.addi %mul3A_6, %add3A_7 : i32
    "tpu.region"() ({
      %run_scoped3A = tpu.sem_alloc : memref<!tpu.dma_semaphore, #tpu.memory_space<semaphore_mem>>
      %dma_start3A = arith.constant 0 : i32
      %dma_start3A_72 = tpu.memref_slice %arg7[%add3A_8, %dma_start3A] : memref<10240x128xf32, #tpu.memory_space<vmem_shared>> -> memref<128x128xf32, #tpu.memory_space<vmem_shared>>
      %dma_start3A_73 = arith.constant 0 : i32
      %dma_start3A_74 = tpu.memref_slice %arg7[%add3A_8, %dma_start3A_73] : memref<10240x128xf32, #tpu.memory_space<vmem_shared>> -> memref<128x128xf32, #tpu.memory_space<vmem_shared>>
      tpu.enqueue_dma source(%arg8 : memref<128x128xf32, #tpu.memory_space<vmem>>) target(%dma_start3A_74 : memref<128x128xf32, #tpu.memory_space<vmem_shared>>) target_semaphore(%run_scoped3A : memref<!tpu.dma_semaphore, #tpu.memory_space<semaphore_mem>>)
      %dma_wait3A_75 = arith.constant 0 : i32
      %dma_wait3A_76 = tpu.memref_slice %arg7[%add3A_8, %dma_wait3A_75] : memref<10240x128xf32, #tpu.memory_space<vmem_shared>> -> memref<128x128xf32, #tpu.memory_space<vmem_shared>>
      %dma_wait3A_77 = arith.constant 0 : i32
      %dma_wait3A_78 = tpu.memref_slice %arg7[%add3A_8, %dma_wait3A_77] : memref<10240x128xf32, #tpu.memory_space<vmem_shared>> -> memref<128x128xf32, #tpu.memory_space<vmem_shared>>
      tpu.wait_dma2 semaphore(%run_scoped3A : memref<!tpu.dma_semaphore, #tpu.memory_space<semaphore_mem>>) src(%arg8 : memref<128x128xf32, #tpu.memory_space<vmem>>) dst(%dma_wait3A_78 : memref<128x128xf32, #tpu.memory_space<vmem_shared>>)
      tpu.yield
    }) : () -> ()
    %mul3A_9 = arith.constant 640 : i32
    %mul3A_10 = arith.muli %arg1, %mul3A_9 : i32
    %add3A_11 = arith.constant 256 : i32
    %add3A_12 = arith.addi %mul3A_10, %add3A_11 : i32
    "tpu.region"() ({
      %run_scoped3A = tpu.sem_alloc : memref<!tpu.dma_semaphore, #tpu.memory_space<semaphore_mem>>
      %dma_start3A = arith.constant 0 : i32
      %dma_start3A_72 = tpu.memref_slice %arg7[%add3A_12, %dma_start3A] : memref<10240x128xf32, #tpu.memory_space<vmem_shared>> -> memref<128x128xf32, #tpu.memory_space<vmem_shared>>
      %dma_start3A_73 = arith.constant 0 : i32
      %dma_start3A_74 = tpu.memref_slice %arg7[%add3A_12, %dma_start3A_73] : memref<10240x128xf32, #tpu.memory_space<vmem_shared>> -> memref<128x128xf32, #tpu.memory_space<vmem_shared>>
      tpu.enqueue_dma source(%arg8 : memref<128x128xf32, #tpu.memory_space<vmem>>) target(%dma_start3A_74 : memref<128x128xf32, #tpu.memory_space<vmem_shared>>) target_semaphore(%run_scoped3A : memref<!tpu.dma_semaphore, #tpu.memory_space<semaphore_mem>>)
      %dma_wait3A_75 = arith.constant 0 : i32
      %dma_wait3A_76 = tpu.memref_slice %arg7[%add3A_12, %dma_wait3A_75] : memref<10240x128xf32, #tpu.memory_space<vmem_shared>> -> memref<128x128xf32, #tpu.memory_space<vmem_shared>>
      %dma_wait3A_77 = arith.constant 0 : i32
      %dma_wait3A_78 = tpu.memref_slice %arg7[%add3A_12, %dma_wait3A_77] : memref<10240x128xf32, #tpu.memory_space<vmem_shared>> -> memref<128x128xf32, #tpu.memory_space<vmem_shared>>
      tpu.wait_dma2 semaphore(%run_scoped3A : memref<!tpu.dma_semaphore, #tpu.memory_space<semaphore_mem>>) src(%arg8 : memref<128x128xf32, #tpu.memory_space<vmem>>) dst(%dma_wait3A_78 : memref<128x128xf32, #tpu.memory_space<vmem_shared>>)
      tpu.yield
    }) : () -> ()
    %mul3A_13 = arith.constant 640 : i32
    %mul3A_14 = arith.muli %arg1, %mul3A_13 : i32
    %add3A_15 = arith.constant 384 : i32
    %add3A_16 = arith.addi %mul3A_14, %add3A_15 : i32
    "tpu.region"() ({
      %run_scoped3A = tpu.sem_alloc : memref<!tpu.dma_semaphore, #tpu.memory_space<semaphore_mem>>
      %dma_start3A = arith.constant 0 : i32
      %dma_start3A_72 = tpu.memref_slice %arg7[%add3A_16, %dma_start3A] : memref<10240x128xf32, #tpu.memory_space<vmem_shared>> -> memref<128x128xf32, #tpu.memory_space<vmem_shared>>
      %dma_start3A_73 = arith.constant 0 : i32
      %dma_start3A_74 = tpu.memref_slice %arg7[%add3A_16, %dma_start3A_73] : memref<10240x128xf32, #tpu.memory_space<vmem_shared>> -> memref<128x128xf32, #tpu.memory_space<vmem_shared>>
      tpu.enqueue_dma source(%arg8 : memref<128x128xf32, #tpu.memory_space<vmem>>) target(%dma_start3A_74 : memref<128x128xf32, #tpu.memory_space<vmem_shared>>) target_semaphore(%run_scoped3A : memref<!tpu.dma_semaphore, #tpu.memory_space<semaphore_mem>>)
      %dma_wait3A_75 = arith.constant 0 : i32
      %dma_wait3A_76 = tpu.memref_slice %arg7[%add3A_16, %dma_wait3A_75] : memref<10240x128xf32, #tpu.memory_space<vmem_shared>> -> memref<128x128xf32, #tpu.memory_space<vmem_shared>>
      %dma_wait3A_77 = arith.constant 0 : i32
      %dma_wait3A_78 = tpu.memref_slice %arg7[%add3A_16, %dma_wait3A_77] : memref<10240x128xf32, #tpu.memory_space<vmem_shared>> -> memref<128x128xf32, #tpu.memory_space<vmem_shared>>
      tpu.wait_dma2 semaphore(%run_scoped3A : memref<!tpu.dma_semaphore, #tpu.memory_space<semaphore_mem>>) src(%arg8 : memref<128x128xf32, #tpu.memory_space<vmem>>) dst(%dma_wait3A_78 : memref<128x128xf32, #tpu.memory_space<vmem_shared>>)
      tpu.yield
    }) : () -> ()
    %mul3A_17 = arith.constant 640 : i32
    %mul3A_18 = arith.muli %arg1, %mul3A_17 : i32
    %add3A_19 = arith.constant 512 : i32
    %add3A_20 = arith.addi %mul3A_18, %add3A_19 : i32
    "tpu.region"() ({
      %run_scoped3A = tpu.sem_alloc : memref<!tpu.dma_semaphore, #tpu.memory_space<semaphore_mem>>
      %dma_start3A = arith.constant 0 : i32
      %dma_start3A_72 = tpu.memref_slice %arg7[%add3A_20, %dma_start3A] : memref<10240x128xf32, #tpu.memory_space<vmem_shared>> -> memref<128x128xf32, #tpu.memory_space<vmem_shared>>
      %dma_start3A_73 = arith.constant 0 : i32
      %dma_start3A_74 = tpu.memref_slice %arg7[%add3A_20, %dma_start3A_73] : memref<10240x128xf32, #tpu.memory_space<vmem_shared>> -> memref<128x128xf32, #tpu.memory_space<vmem_shared>>
      tpu.enqueue_dma source(%arg8 : memref<128x128xf32, #tpu.memory_space<vmem>>) target(%dma_start3A_74 : memref<128x128xf32, #tpu.memory_space<vmem_shared>>) target_semaphore(%run_scoped3A : memref<!tpu.dma_semaphore, #tpu.memory_space<semaphore_mem>>)
      %dma_wait3A_75 = arith.constant 0 : i32
      %dma_wait3A_76 = tpu.memref_slice %arg7[%add3A_20, %dma_wait3A_75] : memref<10240x128xf32, #tpu.memory_space<vmem_shared>> -> memref<128x128xf32, #tpu.memory_space<vmem_shared>>
      %dma_wait3A_77 = arith.constant 0 : i32
      %dma_wait3A_78 = tpu.memref_slice %arg7[%add3A_20, %dma_wait3A_77] : memref<10240x128xf32, #tpu.memory_space<vmem_shared>> -> memref<128x128xf32, #tpu.memory_space<vmem_shared>>
      tpu.wait_dma2 semaphore(%run_scoped3A : memref<!tpu.dma_semaphore, #tpu.memory_space<semaphore_mem>>) src(%arg8 : memref<128x128xf32, #tpu.memory_space<vmem>>) dst(%dma_wait3A_78 : memref<128x128xf32, #tpu.memory_space<vmem_shared>>)
      tpu.yield
    }) : () -> ()
    %barrier3A = arith.constant 0 : index
    tpu.barrier barrier_id(%barrier3A)
    %scan3A = arith.constant 0 : i32
    %scan3A_21 = arith.constant 0 : i32
    %scan3A_22 = arith.constant 40 : i32
    %scan3A_23 = arith.addi %scan3A_21, %scan3A_22 : i32
    %scan3A_24 = arith.constant 1 : i32
    scf.for %scan3A_72 = %scan3A_21 to %scan3A_23 step %scan3A_24  : i32 {
      %mul3A_73 = arith.constant 2 : i32
      %mul3A_74 = arith.muli %mul3A_73, %scan3A_72 : i32
      %add3A_75 = arith.constant 1 : i32
      %add3A_76 = arith.addi %mul3A_74, %add3A_75 : i32
      %gt3A = arith.constant 0 : i32
      %gt3A_77 = arith.cmpi sgt, %scan3A_72, %gt3A : i32
      %convert_element_type3A = arith.extui %gt3A_77 : i1 to i32
      %cond3A = arith.constant 0 : i32
      %cond3A_78 = arith.cmpi ne, %convert_element_type3A, %cond3A : i32
      scf.if %cond3A_78 {
        %dma_wait3A_113 = arith.constant 0 : i32
        %dma_wait3A_114 = arith.constant 0 : i32
        %dma_wait3A_115 = tpu.memref_slice %arg7[%dma_wait3A_113, %dma_wait3A_114] : memref<10240x128xf32, #tpu.memory_space<vmem_shared>> -> memref<10240x128xf32, #tpu.memory_space<vmem_shared>>
        tpu.wait_indirect_dma semaphore(%arg16 : memref<!tpu.dma_semaphore, #tpu.memory_space<semaphore_mem>>) src(%arg8 : memref<128x128xf32, #tpu.memory_space<vmem>>) dst(%dma_wait3A_115 : memref<10240x128xf32, #tpu.memory_space<vmem_shared>>)
      } else {
      }
      %mul3A_79 = arith.constant 80 : i32
      %mul3A_80 = arith.muli %add3A, %mul3A_79 : i32
      %add3A_81 = arith.addi %mul3A_80, %mul3A_74 : i32
      "tpu.region"() ({
        %run_scoped3A = tpu.sem_alloc : memref<!tpu.dma_semaphore, #tpu.memory_space<semaphore_mem>>
        %dma_start3A_113 = arith.constant 0 : i32
        %dma_start3A_114 = tpu.memref_slice %arg2[%add3A_81, %dma_start3A_113] : memref<2560x128xi32, #tpu.memory_space<hbm>> -> memref<1x128xi32, #tpu.memory_space<hbm>>
        %dma_start3A_115 = tpu.memref_squeeze %dma_start3A_114 : memref<1x128xi32, #tpu.memory_space<hbm>> -> memref<128xi32, #tpu.memory_space<hbm>>
        %dma_start3A_116 = arith.constant 0 : i32
        %dma_start3A_117 = tpu.memref_slice %arg2[%add3A_81, %dma_start3A_116] : memref<2560x128xi32, #tpu.memory_space<hbm>> -> memref<1x128xi32, #tpu.memory_space<hbm>>
        %dma_start3A_118 = tpu.memref_squeeze %dma_start3A_117 : memref<1x128xi32, #tpu.memory_space<hbm>> -> memref<128xi32, #tpu.memory_space<hbm>>
        tpu.enqueue_dma source(%dma_start3A_118 : memref<128xi32, #tpu.memory_space<hbm>>) target(%arg10 : memref<128xi32, #tpu.memory_space<vmem>>) target_semaphore(%run_scoped3A : memref<!tpu.dma_semaphore, #tpu.memory_space<semaphore_mem>>)
        %dma_wait3A_119 = arith.constant 0 : i32
        %dma_wait3A_120 = tpu.memref_slice %arg2[%add3A_81, %dma_wait3A_119] : memref<2560x128xi32, #tpu.memory_space<hbm>> -> memref<1x128xi32, #tpu.memory_space<hbm>>
        %dma_wait3A_121 = tpu.memref_squeeze %dma_wait3A_120 : memref<1x128xi32, #tpu.memory_space<hbm>> -> memref<128xi32, #tpu.memory_space<hbm>>
        %dma_wait3A_122 = arith.constant 0 : i32
        %dma_wait3A_123 = tpu.memref_slice %arg2[%add3A_81, %dma_wait3A_122] : memref<2560x128xi32, #tpu.memory_space<hbm>> -> memref<1x128xi32, #tpu.memory_space<hbm>>
        %dma_wait3A_124 = tpu.memref_squeeze %dma_wait3A_123 : memref<1x128xi32, #tpu.memory_space<hbm>> -> memref<128xi32, #tpu.memory_space<hbm>>
        tpu.wait_dma2 semaphore(%run_scoped3A : memref<!tpu.dma_semaphore, #tpu.memory_space<semaphore_mem>>) src(%dma_wait3A_124 : memref<128xi32, #tpu.memory_space<hbm>>) dst(%arg10 : memref<128xi32, #tpu.memory_space<vmem>>)
        tpu.yield
      }) : () -> ()
      %dma_start3A = arith.constant 0 : i32
      %dma_start3A_82 = arith.constant 0 : i32
      %dma_start3A_83 = tpu.memref_slice %arg4[%dma_start3A, %dma_start3A_82] : memref<10240x128xf32, #tpu.memory_space<hbm>> -> memref<10240x128xf32, #tpu.memory_space<hbm>>
      tpu.enqueue_indirect_dma source(%dma_start3A_83 : memref<10240x128xf32, #tpu.memory_space<hbm>>) target(%arg8 : memref<128x128xf32, #tpu.memory_space<vmem>>) offsets(%arg10 : memref<128xi32, #tpu.memory_space<vmem>>) semaphore(%arg14 : memref<!tpu.dma_semaphore, #tpu.memory_space<semaphore_mem>>)
      %mul3A_84 = arith.constant 80 : i32
      %mul3A_85 = arith.muli %add3A, %mul3A_84 : i32
      %add3A_86 = arith.addi %mul3A_85, %mul3A_74 : i32
      "tpu.region"() ({
        %run_scoped3A = tpu.sem_alloc : memref<!tpu.dma_semaphore, #tpu.memory_space<semaphore_mem>>
        %dma_start3A_113 = arith.constant 0 : i32
        %dma_start3A_114 = tpu.memref_slice %arg3[%add3A_86, %dma_start3A_113] : memref<2560x128xi32, #tpu.memory_space<hbm>> -> memref<1x128xi32, #tpu.memory_space<hbm>>
        %dma_start3A_115 = tpu.memref_squeeze %dma_start3A_114 : memref<1x128xi32, #tpu.memory_space<hbm>> -> memref<128xi32, #tpu.memory_space<hbm>>
        %dma_start3A_116 = arith.constant 0 : i32
        %dma_start3A_117 = tpu.memref_slice %arg3[%add3A_86, %dma_start3A_116] : memref<2560x128xi32, #tpu.memory_space<hbm>> -> memref<1x128xi32, #tpu.memory_space<hbm>>
        %dma_start3A_118 = tpu.memref_squeeze %dma_start3A_117 : memref<1x128xi32, #tpu.memory_space<hbm>> -> memref<128xi32, #tpu.memory_space<hbm>>
        tpu.enqueue_dma source(%dma_start3A_118 : memref<128xi32, #tpu.memory_space<hbm>>) target(%arg11 : memref<128xi32, #tpu.memory_space<vmem>>) target_semaphore(%run_scoped3A : memref<!tpu.dma_semaphore, #tpu.memory_space<semaphore_mem>>)
        %dma_wait3A_119 = arith.constant 0 : i32
        %dma_wait3A_120 = tpu.memref_slice %arg3[%add3A_86, %dma_wait3A_119] : memref<2560x128xi32, #tpu.memory_space<hbm>> -> memref<1x128xi32, #tpu.memory_space<hbm>>
        %dma_wait3A_121 = tpu.memref_squeeze %dma_wait3A_120 : memref<1x128xi32, #tpu.memory_space<hbm>> -> memref<128xi32, #tpu.memory_space<hbm>>
        %dma_wait3A_122 = arith.constant 0 : i32
        %dma_wait3A_123 = tpu.memref_slice %arg3[%add3A_86, %dma_wait3A_122] : memref<2560x128xi32, #tpu.memory_space<hbm>> -> memref<1x128xi32, #tpu.memory_space<hbm>>
        %dma_wait3A_124 = tpu.memref_squeeze %dma_wait3A_123 : memref<1x128xi32, #tpu.memory_space<hbm>> -> memref<128xi32, #tpu.memory_space<hbm>>
        tpu.wait_dma2 semaphore(%run_scoped3A : memref<!tpu.dma_semaphore, #tpu.memory_space<semaphore_mem>>) src(%dma_wait3A_124 : memref<128xi32, #tpu.memory_space<hbm>>) dst(%arg11 : memref<128xi32, #tpu.memory_space<vmem>>)
        tpu.yield
      }) : () -> ()
      %dma_wait3A_87 = arith.constant 0 : i32
      %dma_wait3A_88 = arith.constant 0 : i32
      %dma_wait3A_89 = tpu.memref_slice %arg4[%dma_wait3A_87, %dma_wait3A_88] : memref<10240x128xf32, #tpu.memory_space<hbm>> -> memref<10240x128xf32, #tpu.memory_space<hbm>>
      tpu.wait_indirect_dma semaphore(%arg14 : memref<!tpu.dma_semaphore, #tpu.memory_space<semaphore_mem>>) src(%dma_wait3A_89 : memref<10240x128xf32, #tpu.memory_space<hbm>>) dst(%arg8 : memref<128x128xf32, #tpu.memory_space<vmem>>)
      %dma_start3A_90 = arith.constant 0 : i32
      %dma_start3A_91 = arith.constant 0 : i32
      %dma_start3A_92 = tpu.memref_slice %arg7[%dma_start3A_90, %dma_start3A_91] : memref<10240x128xf32, #tpu.memory_space<vmem_shared>> -> memref<10240x128xf32, #tpu.memory_space<vmem_shared>>
      tpu.enqueue_indirect_dma source(%arg8 : memref<128x128xf32, #tpu.memory_space<vmem>>) target(%dma_start3A_92 : memref<10240x128xf32, #tpu.memory_space<vmem_shared>>) offsets(%arg11 : memref<128xi32, #tpu.memory_space<vmem>>) semaphore(%arg16 : memref<!tpu.dma_semaphore, #tpu.memory_space<semaphore_mem>>) {add = true}
      %gt3A_93 = arith.constant 0 : i32
      %gt3A_94 = arith.cmpi sgt, %scan3A_72, %gt3A_93 : i32
      %convert_element_type3A_95 = arith.extui %gt3A_94 : i1 to i32
      %cond3A_96 = arith.constant 0 : i32
      %cond3A_97 = arith.cmpi ne, %convert_element_type3A_95, %cond3A_96 : i32
      scf.if %cond3A_97 {
        %dma_wait3A_113 = arith.constant 0 : i32
        %dma_wait3A_114 = arith.constant 0 : i32
        %dma_wait3A_115 = tpu.memref_slice %arg7[%dma_wait3A_113, %dma_wait3A_114] : memref<10240x128xf32, #tpu.memory_space<vmem_shared>> -> memref<10240x128xf32, #tpu.memory_space<vmem_shared>>
        tpu.wait_indirect_dma semaphore(%arg17 : memref<!tpu.dma_semaphore, #tpu.memory_space<semaphore_mem>>) src(%arg9 : memref<128x128xf32, #tpu.memory_space<vmem>>) dst(%dma_wait3A_115 : memref<10240x128xf32, #tpu.memory_space<vmem_shared>>)
      } else {
      }
      %mul3A_98 = arith.constant 80 : i32
      %mul3A_99 = arith.muli %add3A, %mul3A_98 : i32
      %add3A_100 = arith.addi %mul3A_99, %add3A_76 : i32
      "tpu.region"() ({
        %run_scoped3A = tpu.sem_alloc : memref<!tpu.dma_semaphore, #tpu.memory_space<semaphore_mem>>
        %dma_start3A_113 = arith.constant 0 : i32
        %dma_start3A_114 = tpu.memref_slice %arg2[%add3A_100, %dma_start3A_113] : memref<2560x128xi32, #tpu.memory_space<hbm>> -> memref<1x128xi32, #tpu.memory_space<hbm>>
        %dma_start3A_115 = tpu.memref_squeeze %dma_start3A_114 : memref<1x128xi32, #tpu.memory_space<hbm>> -> memref<128xi32, #tpu.memory_space<hbm>>
        %dma_start3A_116 = arith.constant 0 : i32
        %dma_start3A_117 = tpu.memref_slice %arg2[%add3A_100, %dma_start3A_116] : memref<2560x128xi32, #tpu.memory_space<hbm>> -> memref<1x128xi32, #tpu.memory_space<hbm>>
        %dma_start3A_118 = tpu.memref_squeeze %dma_start3A_117 : memref<1x128xi32, #tpu.memory_space<hbm>> -> memref<128xi32, #tpu.memory_space<hbm>>
        tpu.enqueue_dma source(%dma_start3A_118 : memref<128xi32, #tpu.memory_space<hbm>>) target(%arg12 : memref<128xi32, #tpu.memory_space<vmem>>) target_semaphore(%run_scoped3A : memref<!tpu.dma_semaphore, #tpu.memory_space<semaphore_mem>>)
        %dma_wait3A_119 = arith.constant 0 : i32
        %dma_wait3A_120 = tpu.memref_slice %arg2[%add3A_100, %dma_wait3A_119] : memref<2560x128xi32, #tpu.memory_space<hbm>> -> memref<1x128xi32, #tpu.memory_space<hbm>>
        %dma_wait3A_121 = tpu.memref_squeeze %dma_wait3A_120 : memref<1x128xi32, #tpu.memory_space<hbm>> -> memref<128xi32, #tpu.memory_space<hbm>>
        %dma_wait3A_122 = arith.constant 0 : i32
        %dma_wait3A_123 = tpu.memref_slice %arg2[%add3A_100, %dma_wait3A_122] : memref<2560x128xi32, #tpu.memory_space<hbm>> -> memref<1x128xi32, #tpu.memory_space<hbm>>
        %dma_wait3A_124 = tpu.memref_squeeze %dma_wait3A_123 : memref<1x128xi32, #tpu.memory_space<hbm>> -> memref<128xi32, #tpu.memory_space<hbm>>
        tpu.wait_dma2 semaphore(%run_scoped3A : memref<!tpu.dma_semaphore, #tpu.memory_space<semaphore_mem>>) src(%dma_wait3A_124 : memref<128xi32, #tpu.memory_space<hbm>>) dst(%arg12 : memref<128xi32, #tpu.memory_space<vmem>>)
        tpu.yield
      }) : () -> ()
      %dma_start3A_101 = arith.constant 0 : i32
      %dma_start3A_102 = arith.constant 0 : i32
      %dma_start3A_103 = tpu.memref_slice %arg4[%dma_start3A_101, %dma_start3A_102] : memref<10240x128xf32, #tpu.memory_space<hbm>> -> memref<10240x128xf32, #tpu.memory_space<hbm>>
      tpu.enqueue_indirect_dma source(%dma_start3A_103 : memref<10240x128xf32, #tpu.memory_space<hbm>>) target(%arg9 : memref<128x128xf32, #tpu.memory_space<vmem>>) offsets(%arg12 : memref<128xi32, #tpu.memory_space<vmem>>) semaphore(%arg15 : memref<!tpu.dma_semaphore, #tpu.memory_space<semaphore_mem>>)
      %mul3A_104 = arith.constant 80 : i32
      %mul3A_105 = arith.muli %add3A, %mul3A_104 : i32
      %add3A_106 = arith.addi %mul3A_105, %add3A_76 : i32
      "tpu.region"() ({
        %run_scoped3A = tpu.sem_alloc : memref<!tpu.dma_semaphore, #tpu.memory_space<semaphore_mem>>
        %dma_start3A_113 = arith.constant 0 : i32
        %dma_start3A_114 = tpu.memref_slice %arg3[%add3A_106, %dma_start3A_113] : memref<2560x128xi32, #tpu.memory_space<hbm>> -> memref<1x128xi32, #tpu.memory_space<hbm>>
        %dma_start3A_115 = tpu.memref_squeeze %dma_start3A_114 : memref<1x128xi32, #tpu.memory_space<hbm>> -> memref<128xi32, #tpu.memory_space<hbm>>
        %dma_start3A_116 = arith.constant 0 : i32
        %dma_start3A_117 = tpu.memref_slice %arg3[%add3A_106, %dma_start3A_116] : memref<2560x128xi32, #tpu.memory_space<hbm>> -> memref<1x128xi32, #tpu.memory_space<hbm>>
        %dma_start3A_118 = tpu.memref_squeeze %dma_start3A_117 : memref<1x128xi32, #tpu.memory_space<hbm>> -> memref<128xi32, #tpu.memory_space<hbm>>
        tpu.enqueue_dma source(%dma_start3A_118 : memref<128xi32, #tpu.memory_space<hbm>>) target(%arg13 : memref<128xi32, #tpu.memory_space<vmem>>) target_semaphore(%run_scoped3A : memref<!tpu.dma_semaphore, #tpu.memory_space<semaphore_mem>>)
        %dma_wait3A_119 = arith.constant 0 : i32
        %dma_wait3A_120 = tpu.memref_slice %arg3[%add3A_106, %dma_wait3A_119] : memref<2560x128xi32, #tpu.memory_space<hbm>> -> memref<1x128xi32, #tpu.memory_space<hbm>>
        %dma_wait3A_121 = tpu.memref_squeeze %dma_wait3A_120 : memref<1x128xi32, #tpu.memory_space<hbm>> -> memref<128xi32, #tpu.memory_space<hbm>>
        %dma_wait3A_122 = arith.constant 0 : i32
        %dma_wait3A_123 = tpu.memref_slice %arg3[%add3A_106, %dma_wait3A_122] : memref<2560x128xi32, #tpu.memory_space<hbm>> -> memref<1x128xi32, #tpu.memory_space<hbm>>
        %dma_wait3A_124 = tpu.memref_squeeze %dma_wait3A_123 : memref<1x128xi32, #tpu.memory_space<hbm>> -> memref<128xi32, #tpu.memory_space<hbm>>
        tpu.wait_dma2 semaphore(%run_scoped3A : memref<!tpu.dma_semaphore, #tpu.memory_space<semaphore_mem>>) src(%dma_wait3A_124 : memref<128xi32, #tpu.memory_space<hbm>>) dst(%arg13 : memref<128xi32, #tpu.memory_space<vmem>>)
        tpu.yield
      }) : () -> ()
      %dma_wait3A_107 = arith.constant 0 : i32
      %dma_wait3A_108 = arith.constant 0 : i32
      %dma_wait3A_109 = tpu.memref_slice %arg4[%dma_wait3A_107, %dma_wait3A_108] : memref<10240x128xf32, #tpu.memory_space<hbm>> -> memref<10240x128xf32, #tpu.memory_space<hbm>>
      tpu.wait_indirect_dma semaphore(%arg15 : memref<!tpu.dma_semaphore, #tpu.memory_space<semaphore_mem>>) src(%dma_wait3A_109 : memref<10240x128xf32, #tpu.memory_space<hbm>>) dst(%arg9 : memref<128x128xf32, #tpu.memory_space<vmem>>)
      %dma_start3A_110 = arith.constant 0 : i32
      %dma_start3A_111 = arith.constant 0 : i32
      %dma_start3A_112 = tpu.memref_slice %arg7[%dma_start3A_110, %dma_start3A_111] : memref<10240x128xf32, #tpu.memory_space<vmem_shared>> -> memref<10240x128xf32, #tpu.memory_space<vmem_shared>>
      tpu.enqueue_indirect_dma source(%arg9 : memref<128x128xf32, #tpu.memory_space<vmem>>) target(%dma_start3A_112 : memref<10240x128xf32, #tpu.memory_space<vmem_shared>>) offsets(%arg13 : memref<128xi32, #tpu.memory_space<vmem>>) semaphore(%arg17 : memref<!tpu.dma_semaphore, #tpu.memory_space<semaphore_mem>>) {add = true}
    }
    %scan3A_25 = arith.constant 40 : i32
    %dma_wait3A = arith.constant 0 : i32
    %dma_wait3A_26 = arith.constant 0 : i32
    %dma_wait3A_27 = tpu.memref_slice %arg7[%dma_wait3A, %dma_wait3A_26] : memref<10240x128xf32, #tpu.memory_space<vmem_shared>> -> memref<10240x128xf32, #tpu.memory_space<vmem_shared>>
    tpu.wait_indirect_dma semaphore(%arg16 : memref<!tpu.dma_semaphore, #tpu.memory_space<semaphore_mem>>) src(%arg8 : memref<128x128xf32, #tpu.memory_space<vmem>>) dst(%dma_wait3A_27 : memref<10240x128xf32, #tpu.memory_space<vmem_shared>>)
    %dma_wait3A_28 = arith.constant 0 : i32
    %dma_wait3A_29 = arith.constant 0 : i32
    %dma_wait3A_30 = tpu.memref_slice %arg7[%dma_wait3A_28, %dma_wait3A_29] : memref<10240x128xf32, #tpu.memory_space<vmem_shared>> -> memref<10240x128xf32, #tpu.memory_space<vmem_shared>>
    tpu.wait_indirect_dma semaphore(%arg17 : memref<!tpu.dma_semaphore, #tpu.memory_space<semaphore_mem>>) src(%arg9 : memref<128x128xf32, #tpu.memory_space<vmem>>) dst(%dma_wait3A_30 : memref<10240x128xf32, #tpu.memory_space<vmem_shared>>)
    %barrier3A_31 = arith.constant 0 : index
    tpu.barrier barrier_id(%barrier3A_31)
    %mul3A_32 = arith.constant 640 : i32
    %mul3A_33 = arith.muli %arg1, %mul3A_32 : i32
    %add3A_34 = arith.constant 0 : i32
    %add3A_35 = arith.addi %mul3A_33, %add3A_34 : i32
    "tpu.region"() ({
      %run_scoped3A = tpu.sem_alloc : memref<!tpu.dma_semaphore, #tpu.memory_space<semaphore_mem>>
      %dma_start3A = arith.constant 0 : i32
      %dma_start3A_72 = tpu.memref_slice %arg7[%add3A_35, %dma_start3A] : memref<10240x128xf32, #tpu.memory_space<vmem_shared>> -> memref<128x128xf32, #tpu.memory_space<vmem_shared>>
      %dma_start3A_73 = arith.constant 0 : i32
      %dma_start3A_74 = tpu.memref_slice %arg7[%add3A_35, %dma_start3A_73] : memref<10240x128xf32, #tpu.memory_space<vmem_shared>> -> memref<128x128xf32, #tpu.memory_space<vmem_shared>>
      tpu.enqueue_dma source(%dma_start3A_74 : memref<128x128xf32, #tpu.memory_space<vmem_shared>>) target(%arg8 : memref<128x128xf32, #tpu.memory_space<vmem>>) target_semaphore(%run_scoped3A : memref<!tpu.dma_semaphore, #tpu.memory_space<semaphore_mem>>)
      %dma_wait3A_75 = arith.constant 0 : i32
      %dma_wait3A_76 = tpu.memref_slice %arg7[%add3A_35, %dma_wait3A_75] : memref<10240x128xf32, #tpu.memory_space<vmem_shared>> -> memref<128x128xf32, #tpu.memory_space<vmem_shared>>
      %dma_wait3A_77 = arith.constant 0 : i32
      %dma_wait3A_78 = tpu.memref_slice %arg7[%add3A_35, %dma_wait3A_77] : memref<10240x128xf32, #tpu.memory_space<vmem_shared>> -> memref<128x128xf32, #tpu.memory_space<vmem_shared>>
      tpu.wait_dma2 semaphore(%run_scoped3A : memref<!tpu.dma_semaphore, #tpu.memory_space<semaphore_mem>>) src(%dma_wait3A_78 : memref<128x128xf32, #tpu.memory_space<vmem_shared>>) dst(%arg8 : memref<128x128xf32, #tpu.memory_space<vmem>>)
      tpu.yield
    }) : () -> ()
    %mul3A_36 = arith.constant 640 : i32
    %mul3A_37 = arith.muli %arg1, %mul3A_36 : i32
    %add3A_38 = arith.constant 0 : i32
    %add3A_39 = arith.addi %mul3A_37, %add3A_38 : i32
    "tpu.region"() ({
      %run_scoped3A = tpu.sem_alloc : memref<!tpu.dma_semaphore, #tpu.memory_space<semaphore_mem>>
      %dma_start3A = arith.constant 0 : i32
      %dma_start3A_72 = tpu.memref_slice %arg6[%arg0, %add3A_39, %dma_start3A] : memref<2x10240x128xf32, #tpu.memory_space<hbm>> -> memref<1x128x128xf32, #tpu.memory_space<hbm>>
      %dma_start3A_73 = tpu.memref_squeeze %dma_start3A_72 : memref<1x128x128xf32, #tpu.memory_space<hbm>> -> memref<128x128xf32, #tpu.memory_space<hbm>>
      %dma_start3A_74 = arith.constant 0 : i32
      %dma_start3A_75 = tpu.memref_slice %arg6[%arg0, %add3A_39, %dma_start3A_74] : memref<2x10240x128xf32, #tpu.memory_space<hbm>> -> memref<1x128x128xf32, #tpu.memory_space<hbm>>
      %dma_start3A_76 = tpu.memref_squeeze %dma_start3A_75 : memref<1x128x128xf32, #tpu.memory_space<hbm>> -> memref<128x128xf32, #tpu.memory_space<hbm>>
      tpu.enqueue_dma source(%arg8 : memref<128x128xf32, #tpu.memory_space<vmem>>) target(%dma_start3A_76 : memref<128x128xf32, #tpu.memory_space<hbm>>) target_semaphore(%run_scoped3A : memref<!tpu.dma_semaphore, #tpu.memory_space<semaphore_mem>>)
      %dma_wait3A_77 = arith.constant 0 : i32
      %dma_wait3A_78 = tpu.memref_slice %arg6[%arg0, %add3A_39, %dma_wait3A_77] : memref<2x10240x128xf32, #tpu.memory_space<hbm>> -> memref<1x128x128xf32, #tpu.memory_space<hbm>>
      %dma_wait3A_79 = tpu.memref_squeeze %dma_wait3A_78 : memref<1x128x128xf32, #tpu.memory_space<hbm>> -> memref<128x128xf32, #tpu.memory_space<hbm>>
      %dma_wait3A_80 = arith.constant 0 : i32
      %dma_wait3A_81 = tpu.memref_slice %arg6[%arg0, %add3A_39, %dma_wait3A_80] : memref<2x10240x128xf32, #tpu.memory_space<hbm>> -> memref<1x128x128xf32, #tpu.memory_space<hbm>>
      %dma_wait3A_82 = tpu.memref_squeeze %dma_wait3A_81 : memref<1x128x128xf32, #tpu.memory_space<hbm>> -> memref<128x128xf32, #tpu.memory_space<hbm>>
      tpu.wait_dma2 semaphore(%run_scoped3A : memref<!tpu.dma_semaphore, #tpu.memory_space<semaphore_mem>>) src(%arg8 : memref<128x128xf32, #tpu.memory_space<vmem>>) dst(%dma_wait3A_82 : memref<128x128xf32, #tpu.memory_space<hbm>>)
      tpu.yield
    }) : () -> ()
    %mul3A_40 = arith.constant 640 : i32
    %mul3A_41 = arith.muli %arg1, %mul3A_40 : i32
    %add3A_42 = arith.constant 128 : i32
    %add3A_43 = arith.addi %mul3A_41, %add3A_42 : i32
    "tpu.region"() ({
      %run_scoped3A = tpu.sem_alloc : memref<!tpu.dma_semaphore, #tpu.memory_space<semaphore_mem>>
      %dma_start3A = arith.constant 0 : i32
      %dma_start3A_72 = tpu.memref_slice %arg7[%add3A_43, %dma_start3A] : memref<10240x128xf32, #tpu.memory_space<vmem_shared>> -> memref<128x128xf32, #tpu.memory_space<vmem_shared>>
      %dma_start3A_73 = arith.constant 0 : i32
      %dma_start3A_74 = tpu.memref_slice %arg7[%add3A_43, %dma_start3A_73] : memref<10240x128xf32, #tpu.memory_space<vmem_shared>> -> memref<128x128xf32, #tpu.memory_space<vmem_shared>>
      tpu.enqueue_dma source(%dma_start3A_74 : memref<128x128xf32, #tpu.memory_space<vmem_shared>>) target(%arg8 : memref<128x128xf32, #tpu.memory_space<vmem>>) target_semaphore(%run_scoped3A : memref<!tpu.dma_semaphore, #tpu.memory_space<semaphore_mem>>)
      %dma_wait3A_75 = arith.constant 0 : i32
      %dma_wait3A_76 = tpu.memref_slice %arg7[%add3A_43, %dma_wait3A_75] : memref<10240x128xf32, #tpu.memory_space<vmem_shared>> -> memref<128x128xf32, #tpu.memory_space<vmem_shared>>
      %dma_wait3A_77 = arith.constant 0 : i32
      %dma_wait3A_78 = tpu.memref_slice %arg7[%add3A_43, %dma_wait3A_77] : memref<10240x128xf32, #tpu.memory_space<vmem_shared>> -> memref<128x128xf32, #tpu.memory_space<vmem_shared>>
      tpu.wait_dma2 semaphore(%run_scoped3A : memref<!tpu.dma_semaphore, #tpu.memory_space<semaphore_mem>>) src(%dma_wait3A_78 : memref<128x128xf32, #tpu.memory_space<vmem_shared>>) dst(%arg8 : memref<128x128xf32, #tpu.memory_space<vmem>>)
      tpu.yield
    }) : () -> ()
    %mul3A_44 = arith.constant 640 : i32
    %mul3A_45 = arith.muli %arg1, %mul3A_44 : i32
    %add3A_46 = arith.constant 128 : i32
    %add3A_47 = arith.addi %mul3A_45, %add3A_46 : i32
    "tpu.region"() ({
      %run_scoped3A = tpu.sem_alloc : memref<!tpu.dma_semaphore, #tpu.memory_space<semaphore_mem>>
      %dma_start3A = arith.constant 0 : i32
      %dma_start3A_72 = tpu.memref_slice %arg6[%arg0, %add3A_47, %dma_start3A] : memref<2x10240x128xf32, #tpu.memory_space<hbm>> -> memref<1x128x128xf32, #tpu.memory_space<hbm>>
      %dma_start3A_73 = tpu.memref_squeeze %dma_start3A_72 : memref<1x128x128xf32, #tpu.memory_space<hbm>> -> memref<128x128xf32, #tpu.memory_space<hbm>>
      %dma_start3A_74 = arith.constant 0 : i32
      %dma_start3A_75 = tpu.memref_slice %arg6[%arg0, %add3A_47, %dma_start3A_74] : memref<2x10240x128xf32, #tpu.memory_space<hbm>> -> memref<1x128x128xf32, #tpu.memory_space<hbm>>
      %dma_start3A_76 = tpu.memref_squeeze %dma_start3A_75 : memref<1x128x128xf32, #tpu.memory_space<hbm>> -> memref<128x128xf32, #tpu.memory_space<hbm>>
      tpu.enqueue_dma source(%arg8 : memref<128x128xf32, #tpu.memory_space<vmem>>) target(%dma_start3A_76 : memref<128x128xf32, #tpu.memory_space<hbm>>) target_semaphore(%run_scoped3A : memref<!tpu.dma_semaphore, #tpu.memory_space<semaphore_mem>>)
      %dma_wait3A_77 = arith.constant 0 : i32
      %dma_wait3A_78 = tpu.memref_slice %arg6[%arg0, %add3A_47, %dma_wait3A_77] : memref<2x10240x128xf32, #tpu.memory_space<hbm>> -> memref<1x128x128xf32, #tpu.memory_space<hbm>>
      %dma_wait3A_79 = tpu.memref_squeeze %dma_wait3A_78 : memref<1x128x128xf32, #tpu.memory_space<hbm>> -> memref<128x128xf32, #tpu.memory_space<hbm>>
      %dma_wait3A_80 = arith.constant 0 : i32
      %dma_wait3A_81 = tpu.memref_slice %arg6[%arg0, %add3A_47, %dma_wait3A_80] : memref<2x10240x128xf32, #tpu.memory_space<hbm>> -> memref<1x128x128xf32, #tpu.memory_space<hbm>>
      %dma_wait3A_82 = tpu.memref_squeeze %dma_wait3A_81 : memref<1x128x128xf32, #tpu.memory_space<hbm>> -> memref<128x128xf32, #tpu.memory_space<hbm>>
      tpu.wait_dma2 semaphore(%run_scoped3A : memref<!tpu.dma_semaphore, #tpu.memory_space<semaphore_mem>>) src(%arg8 : memref<128x128xf32, #tpu.memory_space<vmem>>) dst(%dma_wait3A_82 : memref<128x128xf32, #tpu.memory_space<hbm>>)
      tpu.yield
    }) : () -> ()
    %mul3A_48 = arith.constant 640 : i32
    %mul3A_49 = arith.muli %arg1, %mul3A_48 : i32
    %add3A_50 = arith.constant 256 : i32
    %add3A_51 = arith.addi %mul3A_49, %add3A_50 : i32
    "tpu.region"() ({
      %run_scoped3A = tpu.sem_alloc : memref<!tpu.dma_semaphore, #tpu.memory_space<semaphore_mem>>
      %dma_start3A = arith.constant 0 : i32
      %dma_start3A_72 = tpu.memref_slice %arg7[%add3A_51, %dma_start3A] : memref<10240x128xf32, #tpu.memory_space<vmem_shared>> -> memref<128x128xf32, #tpu.memory_space<vmem_shared>>
      %dma_start3A_73 = arith.constant 0 : i32
      %dma_start3A_74 = tpu.memref_slice %arg7[%add3A_51, %dma_start3A_73] : memref<10240x128xf32, #tpu.memory_space<vmem_shared>> -> memref<128x128xf32, #tpu.memory_space<vmem_shared>>
      tpu.enqueue_dma source(%dma_start3A_74 : memref<128x128xf32, #tpu.memory_space<vmem_shared>>) target(%arg8 : memref<128x128xf32, #tpu.memory_space<vmem>>) target_semaphore(%run_scoped3A : memref<!tpu.dma_semaphore, #tpu.memory_space<semaphore_mem>>)
      %dma_wait3A_75 = arith.constant 0 : i32
      %dma_wait3A_76 = tpu.memref_slice %arg7[%add3A_51, %dma_wait3A_75] : memref<10240x128xf32, #tpu.memory_space<vmem_shared>> -> memref<128x128xf32, #tpu.memory_space<vmem_shared>>
      %dma_wait3A_77 = arith.constant 0 : i32
      %dma_wait3A_78 = tpu.memref_slice %arg7[%add3A_51, %dma_wait3A_77] : memref<10240x128xf32, #tpu.memory_space<vmem_shared>> -> memref<128x128xf32, #tpu.memory_space<vmem_shared>>
      tpu.wait_dma2 semaphore(%run_scoped3A : memref<!tpu.dma_semaphore, #tpu.memory_space<semaphore_mem>>) src(%dma_wait3A_78 : memref<128x128xf32, #tpu.memory_space<vmem_shared>>) dst(%arg8 : memref<128x128xf32, #tpu.memory_space<vmem>>)
      tpu.yield
    }) : () -> ()
    %mul3A_52 = arith.constant 640 : i32
    %mul3A_53 = arith.muli %arg1, %mul3A_52 : i32
    %add3A_54 = arith.constant 256 : i32
    %add3A_55 = arith.addi %mul3A_53, %add3A_54 : i32
    "tpu.region"() ({
      %run_scoped3A = tpu.sem_alloc : memref<!tpu.dma_semaphore, #tpu.memory_space<semaphore_mem>>
      %dma_start3A = arith.constant 0 : i32
      %dma_start3A_72 = tpu.memref_slice %arg6[%arg0, %add3A_55, %dma_start3A] : memref<2x10240x128xf32, #tpu.memory_space<hbm>> -> memref<1x128x128xf32, #tpu.memory_space<hbm>>
      %dma_start3A_73 = tpu.memref_squeeze %dma_start3A_72 : memref<1x128x128xf32, #tpu.memory_space<hbm>> -> memref<128x128xf32, #tpu.memory_space<hbm>>
      %dma_start3A_74 = arith.constant 0 : i32
      %dma_start3A_75 = tpu.memref_slice %arg6[%arg0, %add3A_55, %dma_start3A_74] : memref<2x10240x128xf32, #tpu.memory_space<hbm>> -> memref<1x128x128xf32, #tpu.memory_space<hbm>>
      %dma_start3A_76 = tpu.memref_squeeze %dma_start3A_75 : memref<1x128x128xf32, #tpu.memory_space<hbm>> -> memref<128x128xf32, #tpu.memory_space<hbm>>
      tpu.enqueue_dma source(%arg8 : memref<128x128xf32, #tpu.memory_space<vmem>>) target(%dma_start3A_76 : memref<128x128xf32, #tpu.memory_space<hbm>>) target_semaphore(%run_scoped3A : memref<!tpu.dma_semaphore, #tpu.memory_space<semaphore_mem>>)
      %dma_wait3A_77 = arith.constant 0 : i32
      %dma_wait3A_78 = tpu.memref_slice %arg6[%arg0, %add3A_55, %dma_wait3A_77] : memref<2x10240x128xf32, #tpu.memory_space<hbm>> -> memref<1x128x128xf32, #tpu.memory_space<hbm>>
      %dma_wait3A_79 = tpu.memref_squeeze %dma_wait3A_78 : memref<1x128x128xf32, #tpu.memory_space<hbm>> -> memref<128x128xf32, #tpu.memory_space<hbm>>
      %dma_wait3A_80 = arith.constant 0 : i32
      %dma_wait3A_81 = tpu.memref_slice %arg6[%arg0, %add3A_55, %dma_wait3A_80] : memref<2x10240x128xf32, #tpu.memory_space<hbm>> -> memref<1x128x128xf32, #tpu.memory_space<hbm>>
      %dma_wait3A_82 = tpu.memref_squeeze %dma_wait3A_81 : memref<1x128x128xf32, #tpu.memory_space<hbm>> -> memref<128x128xf32, #tpu.memory_space<hbm>>
      tpu.wait_dma2 semaphore(%run_scoped3A : memref<!tpu.dma_semaphore, #tpu.memory_space<semaphore_mem>>) src(%arg8 : memref<128x128xf32, #tpu.memory_space<vmem>>) dst(%dma_wait3A_82 : memref<128x128xf32, #tpu.memory_space<hbm>>)
      tpu.yield
    }) : () -> ()
    %mul3A_56 = arith.constant 640 : i32
    %mul3A_57 = arith.muli %arg1, %mul3A_56 : i32
    %add3A_58 = arith.constant 384 : i32
    %add3A_59 = arith.addi %mul3A_57, %add3A_58 : i32
    "tpu.region"() ({
      %run_scoped3A = tpu.sem_alloc : memref<!tpu.dma_semaphore, #tpu.memory_space<semaphore_mem>>
      %dma_start3A = arith.constant 0 : i32
      %dma_start3A_72 = tpu.memref_slice %arg7[%add3A_59, %dma_start3A] : memref<10240x128xf32, #tpu.memory_space<vmem_shared>> -> memref<128x128xf32, #tpu.memory_space<vmem_shared>>
      %dma_start3A_73 = arith.constant 0 : i32
      %dma_start3A_74 = tpu.memref_slice %arg7[%add3A_59, %dma_start3A_73] : memref<10240x128xf32, #tpu.memory_space<vmem_shared>> -> memref<128x128xf32, #tpu.memory_space<vmem_shared>>
      tpu.enqueue_dma source(%dma_start3A_74 : memref<128x128xf32, #tpu.memory_space<vmem_shared>>) target(%arg8 : memref<128x128xf32, #tpu.memory_space<vmem>>) target_semaphore(%run_scoped3A : memref<!tpu.dma_semaphore, #tpu.memory_space<semaphore_mem>>)
      %dma_wait3A_75 = arith.constant 0 : i32
      %dma_wait3A_76 = tpu.memref_slice %arg7[%add3A_59, %dma_wait3A_75] : memref<10240x128xf32, #tpu.memory_space<vmem_shared>> -> memref<128x128xf32, #tpu.memory_space<vmem_shared>>
      %dma_wait3A_77 = arith.constant 0 : i32
      %dma_wait3A_78 = tpu.memref_slice %arg7[%add3A_59, %dma_wait3A_77] : memref<10240x128xf32, #tpu.memory_space<vmem_shared>> -> memref<128x128xf32, #tpu.memory_space<vmem_shared>>
      tpu.wait_dma2 semaphore(%run_scoped3A : memref<!tpu.dma_semaphore, #tpu.memory_space<semaphore_mem>>) src(%dma_wait3A_78 : memref<128x128xf32, #tpu.memory_space<vmem_shared>>) dst(%arg8 : memref<128x128xf32, #tpu.memory_space<vmem>>)
      tpu.yield
    }) : () -> ()
    %mul3A_60 = arith.constant 640 : i32
    %mul3A_61 = arith.muli %arg1, %mul3A_60 : i32
    %add3A_62 = arith.constant 384 : i32
    %add3A_63 = arith.addi %mul3A_61, %add3A_62 : i32
    "tpu.region"() ({
      %run_scoped3A = tpu.sem_alloc : memref<!tpu.dma_semaphore, #tpu.memory_space<semaphore_mem>>
      %dma_start3A = arith.constant 0 : i32
      %dma_start3A_72 = tpu.memref_slice %arg6[%arg0, %add3A_63, %dma_start3A] : memref<2x10240x128xf32, #tpu.memory_space<hbm>> -> memref<1x128x128xf32, #tpu.memory_space<hbm>>
      %dma_start3A_73 = tpu.memref_squeeze %dma_start3A_72 : memref<1x128x128xf32, #tpu.memory_space<hbm>> -> memref<128x128xf32, #tpu.memory_space<hbm>>
      %dma_start3A_74 = arith.constant 0 : i32
      %dma_start3A_75 = tpu.memref_slice %arg6[%arg0, %add3A_63, %dma_start3A_74] : memref<2x10240x128xf32, #tpu.memory_space<hbm>> -> memref<1x128x128xf32, #tpu.memory_space<hbm>>
      %dma_start3A_76 = tpu.memref_squeeze %dma_start3A_75 : memref<1x128x128xf32, #tpu.memory_space<hbm>> -> memref<128x128xf32, #tpu.memory_space<hbm>>
      tpu.enqueue_dma source(%arg8 : memref<128x128xf32, #tpu.memory_space<vmem>>) target(%dma_start3A_76 : memref<128x128xf32, #tpu.memory_space<hbm>>) target_semaphore(%run_scoped3A : memref<!tpu.dma_semaphore, #tpu.memory_space<semaphore_mem>>)
      %dma_wait3A_77 = arith.constant 0 : i32
      %dma_wait3A_78 = tpu.memref_slice %arg6[%arg0, %add3A_63, %dma_wait3A_77] : memref<2x10240x128xf32, #tpu.memory_space<hbm>> -> memref<1x128x128xf32, #tpu.memory_space<hbm>>
      %dma_wait3A_79 = tpu.memref_squeeze %dma_wait3A_78 : memref<1x128x128xf32, #tpu.memory_space<hbm>> -> memref<128x128xf32, #tpu.memory_space<hbm>>
      %dma_wait3A_80 = arith.constant 0 : i32
      %dma_wait3A_81 = tpu.memref_slice %arg6[%arg0, %add3A_63, %dma_wait3A_80] : memref<2x10240x128xf32, #tpu.memory_space<hbm>> -> memref<1x128x128xf32, #tpu.memory_space<hbm>>
      %dma_wait3A_82 = tpu.memref_squeeze %dma_wait3A_81 : memref<1x128x128xf32, #tpu.memory_space<hbm>> -> memref<128x128xf32, #tpu.memory_space<hbm>>
      tpu.wait_dma2 semaphore(%run_scoped3A : memref<!tpu.dma_semaphore, #tpu.memory_space<semaphore_mem>>) src(%arg8 : memref<128x128xf32, #tpu.memory_space<vmem>>) dst(%dma_wait3A_82 : memref<128x128xf32, #tpu.memory_space<hbm>>)
      tpu.yield
    }) : () -> ()
    %mul3A_64 = arith.constant 640 : i32
    %mul3A_65 = arith.muli %arg1, %mul3A_64 : i32
    %add3A_66 = arith.constant 512 : i32
    %add3A_67 = arith.addi %mul3A_65, %add3A_66 : i32
    "tpu.region"() ({
      %run_scoped3A = tpu.sem_alloc : memref<!tpu.dma_semaphore, #tpu.memory_space<semaphore_mem>>
      %dma_start3A = arith.constant 0 : i32
      %dma_start3A_72 = tpu.memref_slice %arg7[%add3A_67, %dma_start3A] : memref<10240x128xf32, #tpu.memory_space<vmem_shared>> -> memref<128x128xf32, #tpu.memory_space<vmem_shared>>
      %dma_start3A_73 = arith.constant 0 : i32
      %dma_start3A_74 = tpu.memref_slice %arg7[%add3A_67, %dma_start3A_73] : memref<10240x128xf32, #tpu.memory_space<vmem_shared>> -> memref<128x128xf32, #tpu.memory_space<vmem_shared>>
      tpu.enqueue_dma source(%dma_start3A_74 : memref<128x128xf32, #tpu.memory_space<vmem_shared>>) target(%arg8 : memref<128x128xf32, #tpu.memory_space<vmem>>) target_semaphore(%run_scoped3A : memref<!tpu.dma_semaphore, #tpu.memory_space<semaphore_mem>>)
      %dma_wait3A_75 = arith.constant 0 : i32
      %dma_wait3A_76 = tpu.memref_slice %arg7[%add3A_67, %dma_wait3A_75] : memref<10240x128xf32, #tpu.memory_space<vmem_shared>> -> memref<128x128xf32, #tpu.memory_space<vmem_shared>>
      %dma_wait3A_77 = arith.constant 0 : i32
      %dma_wait3A_78 = tpu.memref_slice %arg7[%add3A_67, %dma_wait3A_77] : memref<10240x128xf32, #tpu.memory_space<vmem_shared>> -> memref<128x128xf32, #tpu.memory_space<vmem_shared>>
      tpu.wait_dma2 semaphore(%run_scoped3A : memref<!tpu.dma_semaphore, #tpu.memory_space<semaphore_mem>>) src(%dma_wait3A_78 : memref<128x128xf32, #tpu.memory_space<vmem_shared>>) dst(%arg8 : memref<128x128xf32, #tpu.memory_space<vmem>>)
      tpu.yield
    }) : () -> ()
    %mul3A_68 = arith.constant 640 : i32
    %mul3A_69 = arith.muli %arg1, %mul3A_68 : i32
    %add3A_70 = arith.constant 512 : i32
    %add3A_71 = arith.addi %mul3A_69, %add3A_70 : i32
    "tpu.region"() ({
      %run_scoped3A = tpu.sem_alloc : memref<!tpu.dma_semaphore, #tpu.memory_space<semaphore_mem>>
      %dma_start3A = arith.constant 0 : i32
      %dma_start3A_72 = tpu.memref_slice %arg6[%arg0, %add3A_71, %dma_start3A] : memref<2x10240x128xf32, #tpu.memory_space<hbm>> -> memref<1x128x128xf32, #tpu.memory_space<hbm>>
      %dma_start3A_73 = tpu.memref_squeeze %dma_start3A_72 : memref<1x128x128xf32, #tpu.memory_space<hbm>> -> memref<128x128xf32, #tpu.memory_space<hbm>>
      %dma_start3A_74 = arith.constant 0 : i32
      %dma_start3A_75 = tpu.memref_slice %arg6[%arg0, %add3A_71, %dma_start3A_74] : memref<2x10240x128xf32, #tpu.memory_space<hbm>> -> memref<1x128x128xf32, #tpu.memory_space<hbm>>
      %dma_start3A_76 = tpu.memref_squeeze %dma_start3A_75 : memref<1x128x128xf32, #tpu.memory_space<hbm>> -> memref<128x128xf32, #tpu.memory_space<hbm>>
      tpu.enqueue_dma source(%arg8 : memref<128x128xf32, #tpu.memory_space<vmem>>) target(%dma_start3A_76 : memref<128x128xf32, #tpu.memory_space<hbm>>) target_semaphore(%run_scoped3A : memref<!tpu.dma_semaphore, #tpu.memory_space<semaphore_mem>>)
      %dma_wait3A_77 = arith.constant 0 : i32
      %dma_wait3A_78 = tpu.memref_slice %arg6[%arg0, %add3A_71, %dma_wait3A_77] : memref<2x10240x128xf32, #tpu.memory_space<hbm>> -> memref<1x128x128xf32, #tpu.memory_space<hbm>>
      %dma_wait3A_79 = tpu.memref_squeeze %dma_wait3A_78 : memref<1x128x128xf32, #tpu.memory_space<hbm>> -> memref<128x128xf32, #tpu.memory_space<hbm>>
      %dma_wait3A_80 = arith.constant 0 : i32
      %dma_wait3A_81 = tpu.memref_slice %arg6[%arg0, %add3A_71, %dma_wait3A_80] : memref<2x10240x128xf32, #tpu.memory_space<hbm>> -> memref<1x128x128xf32, #tpu.memory_space<hbm>>
      %dma_wait3A_82 = tpu.memref_squeeze %dma_wait3A_81 : memref<1x128x128xf32, #tpu.memory_space<hbm>> -> memref<128x128xf32, #tpu.memory_space<hbm>>
      tpu.wait_dma2 semaphore(%run_scoped3A : memref<!tpu.dma_semaphore, #tpu.memory_space<semaphore_mem>>) src(%arg8 : memref<128x128xf32, #tpu.memory_space<vmem>>) dst(%dma_wait3A_82 : memref<128x128xf32, #tpu.memory_space<hbm>>)
      tpu.yield
    }) : () -> ()
    return
  }
}

#map = affine_map<(d0, d1) -> (0, 0)>
#map1 = affine_map<(d0, d1) -> (0)>
#map2 = affine_map<(d0, d1) -> (0, 0, 0)>
module attributes {stable_mosaic.version = 14 : i64} {
  func.func @_deg_body(%arg0: i32, %arg1: i32, %arg2: memref<2560x128xi32, #tpu.memory_space<hbm>>, %arg3: memref<80xi32, #tpu.memory_space<hbm>>, %arg4: memref<80x128xf32, #tpu.memory_space<hbm>>, %arg5: memref<2x80x128xf32, #tpu.memory_space<hbm>>, %arg6: memref<80x128xf32, #tpu.memory_space<vmem_shared>>, %arg7: memref<80x128xf32, #tpu.memory_space<vmem>>, %arg8: memref<80xi32, #tpu.memory_space<vmem>>, %arg9: memref<8x128xf32, #tpu.memory_space<vmem>>, %arg10: memref<80x128xi32, #tpu.memory_space<vmem>>, %arg11: memref<!tpu.dma_semaphore, #tpu.memory_space<semaphore_mem>>) attributes {dimension_semantics = [#tpu.dimension_semantics<core_parallel>, #tpu.dimension_semantics<subcore_parallel>], iteration_bounds = array<i64: 2, 16>, scalar_prefetch = 0 : i64, scratch_operands = 6 : i64, tpu.core_type = #tpu.core_type<sc_vector_subcore>, window_params = [{transform_indices = #map}, {transform_indices = #map1}, {transform_indices = #map}, {transform_indices = #map2}]} {
    %mul3A = arith.constant 16 : i32
    %mul3A_0 = arith.muli %arg0, %mul3A : i32
    %add3A = arith.addi %mul3A_0, %arg1 : i32
    "tpu.region"() ({
      %run_scoped3A = tpu.sem_alloc : memref<!tpu.dma_semaphore, #tpu.memory_space<semaphore_mem>>
      tpu.enqueue_dma source(%arg4 : memref<80x128xf32, #tpu.memory_space<hbm>>) target(%arg7 : memref<80x128xf32, #tpu.memory_space<vmem>>) target_semaphore(%run_scoped3A : memref<!tpu.dma_semaphore, #tpu.memory_space<semaphore_mem>>)
      tpu.wait_dma2 semaphore(%run_scoped3A : memref<!tpu.dma_semaphore, #tpu.memory_space<semaphore_mem>>) src(%arg4 : memref<80x128xf32, #tpu.memory_space<hbm>>) dst(%arg7 : memref<80x128xf32, #tpu.memory_space<vmem>>)
      tpu.yield
    }) : () -> ()
    "tpu.region"() ({
      %run_scoped3A = tpu.sem_alloc : memref<!tpu.dma_semaphore, #tpu.memory_space<semaphore_mem>>
      tpu.enqueue_dma source(%arg3 : memref<80xi32, #tpu.memory_space<hbm>>) target(%arg8 : memref<80xi32, #tpu.memory_space<vmem>>) target_semaphore(%run_scoped3A : memref<!tpu.dma_semaphore, #tpu.memory_space<semaphore_mem>>)
      tpu.wait_dma2 semaphore(%run_scoped3A : memref<!tpu.dma_semaphore, #tpu.memory_space<semaphore_mem>>) src(%arg3 : memref<80xi32, #tpu.memory_space<hbm>>) dst(%arg8 : memref<80xi32, #tpu.memory_space<vmem>>)
      tpu.yield
    }) : () -> ()
    %mul3A_1 = arith.constant 80 : i32
    %mul3A_2 = arith.muli %add3A, %mul3A_1 : i32
    "tpu.region"() ({
      %run_scoped3A = tpu.sem_alloc : memref<!tpu.dma_semaphore, #tpu.memory_space<semaphore_mem>>
      %dma_start3A = arith.constant 0 : i32
      %dma_start3A_17 = tpu.memref_slice %arg2[%mul3A_2, %dma_start3A] : memref<2560x128xi32, #tpu.memory_space<hbm>> -> memref<80x128xi32, #tpu.memory_space<hbm>>
      %dma_start3A_18 = arith.constant 0 : i32
      %dma_start3A_19 = tpu.memref_slice %arg2[%mul3A_2, %dma_start3A_18] : memref<2560x128xi32, #tpu.memory_space<hbm>> -> memref<80x128xi32, #tpu.memory_space<hbm>>
      tpu.enqueue_dma source(%dma_start3A_19 : memref<80x128xi32, #tpu.memory_space<hbm>>) target(%arg10 : memref<80x128xi32, #tpu.memory_space<vmem>>) target_semaphore(%run_scoped3A : memref<!tpu.dma_semaphore, #tpu.memory_space<semaphore_mem>>)
      %dma_wait3A = arith.constant 0 : i32
      %dma_wait3A_20 = tpu.memref_slice %arg2[%mul3A_2, %dma_wait3A] : memref<2560x128xi32, #tpu.memory_space<hbm>> -> memref<80x128xi32, #tpu.memory_space<hbm>>
      %dma_wait3A_21 = arith.constant 0 : i32
      %dma_wait3A_22 = tpu.memref_slice %arg2[%mul3A_2, %dma_wait3A_21] : memref<2560x128xi32, #tpu.memory_space<hbm>> -> memref<80x128xi32, #tpu.memory_space<hbm>>
      tpu.wait_dma2 semaphore(%run_scoped3A : memref<!tpu.dma_semaphore, #tpu.memory_space<semaphore_mem>>) src(%dma_wait3A_22 : memref<80x128xi32, #tpu.memory_space<hbm>>) dst(%arg10 : memref<80x128xi32, #tpu.memory_space<vmem>>)
      tpu.yield
    }) : () -> ()
    %lt3A = arith.constant 10 : i32
    %lt3A_3 = arith.cmpi slt, %arg1, %lt3A : i32
    %convert_element_type3A = arith.extui %lt3A_3 : i1 to i32
    %cond3A = arith.constant 0 : i32
    %cond3A_4 = arith.cmpi ne, %convert_element_type3A, %cond3A : i32
    scf.if %cond3A_4 {
      "tpu.region"() ({
        %run_scoped3A = tpu.sem_alloc : memref<!tpu.dma_semaphore, #tpu.memory_space<semaphore_mem>>
        %dma_start3A = arith.constant 0 : i32
        %dma_start3A_19 = arith.constant 0 : i32
        %dma_start3A_20 = tpu.memref_slice %arg4[%dma_start3A, %dma_start3A_19] : memref<80x128xf32, #tpu.memory_space<hbm>> -> memref<8x128xf32, #tpu.memory_space<hbm>>
        %dma_start3A_21 = arith.constant 0 : i32
        %dma_start3A_22 = arith.constant 0 : i32
        %dma_start3A_23 = tpu.memref_slice %arg4[%dma_start3A_21, %dma_start3A_22] : memref<80x128xf32, #tpu.memory_space<hbm>> -> memref<8x128xf32, #tpu.memory_space<hbm>>
        tpu.enqueue_dma source(%dma_start3A_23 : memref<8x128xf32, #tpu.memory_space<hbm>>) target(%arg9 : memref<8x128xf32, #tpu.memory_space<vmem>>) target_semaphore(%run_scoped3A : memref<!tpu.dma_semaphore, #tpu.memory_space<semaphore_mem>>)
        %dma_wait3A = arith.constant 0 : i32
        %dma_wait3A_24 = arith.constant 0 : i32
        %dma_wait3A_25 = tpu.memref_slice %arg4[%dma_wait3A, %dma_wait3A_24] : memref<80x128xf32, #tpu.memory_space<hbm>> -> memref<8x128xf32, #tpu.memory_space<hbm>>
        %dma_wait3A_26 = arith.constant 0 : i32
        %dma_wait3A_27 = arith.constant 0 : i32
        %dma_wait3A_28 = tpu.memref_slice %arg4[%dma_wait3A_26, %dma_wait3A_27] : memref<80x128xf32, #tpu.memory_space<hbm>> -> memref<8x128xf32, #tpu.memory_space<hbm>>
        tpu.wait_dma2 semaphore(%run_scoped3A : memref<!tpu.dma_semaphore, #tpu.memory_space<semaphore_mem>>) src(%dma_wait3A_28 : memref<8x128xf32, #tpu.memory_space<hbm>>) dst(%arg9 : memref<8x128xf32, #tpu.memory_space<vmem>>)
        tpu.yield
      }) : () -> ()
      %mul3A_17 = arith.constant 8 : i32
      %mul3A_18 = arith.muli %arg1, %mul3A_17 : i32
      "tpu.region"() ({
        %run_scoped3A = tpu.sem_alloc : memref<!tpu.dma_semaphore, #tpu.memory_space<semaphore_mem>>
        %dma_start3A = arith.constant 0 : i32
        %dma_start3A_19 = tpu.memref_slice %arg6[%mul3A_18, %dma_start3A] : memref<80x128xf32, #tpu.memory_space<vmem_shared>> -> memref<8x128xf32, #tpu.memory_space<vmem_shared>>
        %dma_start3A_20 = arith.constant 0 : i32
        %dma_start3A_21 = tpu.memref_slice %arg6[%mul3A_18, %dma_start3A_20] : memref<80x128xf32, #tpu.memory_space<vmem_shared>> -> memref<8x128xf32, #tpu.memory_space<vmem_shared>>
        tpu.enqueue_dma source(%arg9 : memref<8x128xf32, #tpu.memory_space<vmem>>) target(%dma_start3A_21 : memref<8x128xf32, #tpu.memory_space<vmem_shared>>) target_semaphore(%run_scoped3A : memref<!tpu.dma_semaphore, #tpu.memory_space<semaphore_mem>>)
        %dma_wait3A = arith.constant 0 : i32
        %dma_wait3A_22 = tpu.memref_slice %arg6[%mul3A_18, %dma_wait3A] : memref<80x128xf32, #tpu.memory_space<vmem_shared>> -> memref<8x128xf32, #tpu.memory_space<vmem_shared>>
        %dma_wait3A_23 = arith.constant 0 : i32
        %dma_wait3A_24 = tpu.memref_slice %arg6[%mul3A_18, %dma_wait3A_23] : memref<80x128xf32, #tpu.memory_space<vmem_shared>> -> memref<8x128xf32, #tpu.memory_space<vmem_shared>>
        tpu.wait_dma2 semaphore(%run_scoped3A : memref<!tpu.dma_semaphore, #tpu.memory_space<semaphore_mem>>) src(%arg9 : memref<8x128xf32, #tpu.memory_space<vmem>>) dst(%dma_wait3A_24 : memref<8x128xf32, #tpu.memory_space<vmem_shared>>)
        tpu.yield
      }) : () -> ()
    } else {
    }
    %barrier3A = arith.constant 0 : index
    tpu.barrier barrier_id(%barrier3A)
    %broadcast_in_dim3A = arith.constant 1.000000e+00 : f32
    %broadcast_in_dim3A_5 = vector.broadcast %broadcast_in_dim3A : f32 to vector<16xf32>
    %scan3A = arith.constant 0 : i32
    %scan3A_6 = arith.constant 0 : i32
    %scan3A_7 = arith.constant 80 : i32
    %scan3A_8 = arith.addi %scan3A_6, %scan3A_7 : i32
    %scan3A_9 = arith.constant 1 : i32
    scf.for %scan3A_17 = %scan3A_6 to %scan3A_8 step %scan3A_9  : i32 {
      %get3A = arith.index_cast %scan3A_17 : i32 to index
      %get3A_18 = arith.constant 0 : index
      %get3A_19 = tpu.vector_load %arg10[%get3A, %get3A_18] {strides = array<i32>} : memref<80x128xi32, #tpu.memory_space<vmem>>, vector<16xi32>,
      %shift_right_logical3A = arith.constant 7 : i32
      %shift_right_logical3A_20 = vector.broadcast %shift_right_logical3A : i32 to vector<16xi32>
      %shift_right_logical3A_21 = arith.shrui %get3A_19, %shift_right_logical3A_20 : vector<16xi32>
      %and3A = arith.constant 127 : i32
      %and3A_22 = vector.broadcast %and3A : i32 to vector<16xi32>
      %and3A_23 = arith.andi %get3A_19, %and3A_22 : vector<16xi32>
      tpu.vector_store_idx %arg7[%shift_right_logical3A_21, %and3A_23], %broadcast_in_dim3A_5 {add = true} : memref<80x128xf32, #tpu.memory_space<vmem>>[vector<16xi32>, vector<16xi32>], vector<16xf32>,
      %get3A_24 = arith.index_cast %scan3A_17 : i32 to index
      %get3A_25 = arith.constant 16 : index
      %get3A_26 = tpu.vector_load %arg10[%get3A_24, %get3A_25] {strides = array<i32>} : memref<80x128xi32, #tpu.memory_space<vmem>>, vector<16xi32>,
      %shift_right_logical3A_27 = arith.constant 7 : i32
      %shift_right_logical3A_28 = vector.broadcast %shift_right_logical3A_27 : i32 to vector<16xi32>
      %shift_right_logical3A_29 = arith.shrui %get3A_26, %shift_right_logical3A_28 : vector<16xi32>
      %and3A_30 = arith.constant 127 : i32
      %and3A_31 = vector.broadcast %and3A_30 : i32 to vector<16xi32>
      %and3A_32 = arith.andi %get3A_26, %and3A_31 : vector<16xi32>
      tpu.vector_store_idx %arg7[%shift_right_logical3A_29, %and3A_32], %broadcast_in_dim3A_5 {add = true} : memref<80x128xf32, #tpu.memory_space<vmem>>[vector<16xi32>, vector<16xi32>], vector<16xf32>,
      %get3A_33 = arith.index_cast %scan3A_17 : i32 to index
      %get3A_34 = arith.constant 32 : index
      %get3A_35 = tpu.vector_load %arg10[%get3A_33, %get3A_34] {strides = array<i32>} : memref<80x128xi32, #tpu.memory_space<vmem>>, vector<16xi32>,
      %shift_right_logical3A_36 = arith.constant 7 : i32
      %shift_right_logical3A_37 = vector.broadcast %shift_right_logical3A_36 : i32 to vector<16xi32>
      %shift_right_logical3A_38 = arith.shrui %get3A_35, %shift_right_logical3A_37 : vector<16xi32>
      %and3A_39 = arith.constant 127 : i32
      %and3A_40 = vector.broadcast %and3A_39 : i32 to vector<16xi32>
      %and3A_41 = arith.andi %get3A_35, %and3A_40 : vector<16xi32>
      tpu.vector_store_idx %arg7[%shift_right_logical3A_38, %and3A_41], %broadcast_in_dim3A_5 {add = true} : memref<80x128xf32, #tpu.memory_space<vmem>>[vector<16xi32>, vector<16xi32>], vector<16xf32>,
      %get3A_42 = arith.index_cast %scan3A_17 : i32 to index
      %get3A_43 = arith.constant 48 : index
      %get3A_44 = tpu.vector_load %arg10[%get3A_42, %get3A_43] {strides = array<i32>} : memref<80x128xi32, #tpu.memory_space<vmem>>, vector<16xi32>,
      %shift_right_logical3A_45 = arith.constant 7 : i32
      %shift_right_logical3A_46 = vector.broadcast %shift_right_logical3A_45 : i32 to vector<16xi32>
      %shift_right_logical3A_47 = arith.shrui %get3A_44, %shift_right_logical3A_46 : vector<16xi32>
      %and3A_48 = arith.constant 127 : i32
      %and3A_49 = vector.broadcast %and3A_48 : i32 to vector<16xi32>
      %and3A_50 = arith.andi %get3A_44, %and3A_49 : vector<16xi32>
      tpu.vector_store_idx %arg7[%shift_right_logical3A_47, %and3A_50], %broadcast_in_dim3A_5 {add = true} : memref<80x128xf32, #tpu.memory_space<vmem>>[vector<16xi32>, vector<16xi32>], vector<16xf32>,
      %get3A_51 = arith.index_cast %scan3A_17 : i32 to index
      %get3A_52 = arith.constant 64 : index
      %get3A_53 = tpu.vector_load %arg10[%get3A_51, %get3A_52] {strides = array<i32>} : memref<80x128xi32, #tpu.memory_space<vmem>>, vector<16xi32>,
      %shift_right_logical3A_54 = arith.constant 7 : i32
      %shift_right_logical3A_55 = vector.broadcast %shift_right_logical3A_54 : i32 to vector<16xi32>
      %shift_right_logical3A_56 = arith.shrui %get3A_53, %shift_right_logical3A_55 : vector<16xi32>
      %and3A_57 = arith.constant 127 : i32
      %and3A_58 = vector.broadcast %and3A_57 : i32 to vector<16xi32>
      %and3A_59 = arith.andi %get3A_53, %and3A_58 : vector<16xi32>
      tpu.vector_store_idx %arg7[%shift_right_logical3A_56, %and3A_59], %broadcast_in_dim3A_5 {add = true} : memref<80x128xf32, #tpu.memory_space<vmem>>[vector<16xi32>, vector<16xi32>], vector<16xf32>,
      %get3A_60 = arith.index_cast %scan3A_17 : i32 to index
      %get3A_61 = arith.constant 80 : index
      %get3A_62 = tpu.vector_load %arg10[%get3A_60, %get3A_61] {strides = array<i32>} : memref<80x128xi32, #tpu.memory_space<vmem>>, vector<16xi32>,
      %shift_right_logical3A_63 = arith.constant 7 : i32
      %shift_right_logical3A_64 = vector.broadcast %shift_right_logical3A_63 : i32 to vector<16xi32>
      %shift_right_logical3A_65 = arith.shrui %get3A_62, %shift_right_logical3A_64 : vector<16xi32>
      %and3A_66 = arith.constant 127 : i32
      %and3A_67 = vector.broadcast %and3A_66 : i32 to vector<16xi32>
      %and3A_68 = arith.andi %get3A_62, %and3A_67 : vector<16xi32>
      tpu.vector_store_idx %arg7[%shift_right_logical3A_65, %and3A_68], %broadcast_in_dim3A_5 {add = true} : memref<80x128xf32, #tpu.memory_space<vmem>>[vector<16xi32>, vector<16xi32>], vector<16xf32>,
      %get3A_69 = arith.index_cast %scan3A_17 : i32 to index
      %get3A_70 = arith.constant 96 : index
      %get3A_71 = tpu.vector_load %arg10[%get3A_69, %get3A_70] {strides = array<i32>} : memref<80x128xi32, #tpu.memory_space<vmem>>, vector<16xi32>,
      %shift_right_logical3A_72 = arith.constant 7 : i32
      %shift_right_logical3A_73 = vector.broadcast %shift_right_logical3A_72 : i32 to vector<16xi32>
      %shift_right_logical3A_74 = arith.shrui %get3A_71, %shift_right_logical3A_73 : vector<16xi32>
      %and3A_75 = arith.constant 127 : i32
      %and3A_76 = vector.broadcast %and3A_75 : i32 to vector<16xi32>
      %and3A_77 = arith.andi %get3A_71, %and3A_76 : vector<16xi32>
      tpu.vector_store_idx %arg7[%shift_right_logical3A_74, %and3A_77], %broadcast_in_dim3A_5 {add = true} : memref<80x128xf32, #tpu.memory_space<vmem>>[vector<16xi32>, vector<16xi32>], vector<16xf32>,
      %get3A_78 = arith.index_cast %scan3A_17 : i32 to index
      %get3A_79 = arith.constant 112 : index
      %get3A_80 = tpu.vector_load %arg10[%get3A_78, %get3A_79] {strides = array<i32>} : memref<80x128xi32, #tpu.memory_space<vmem>>, vector<16xi32>,
      %shift_right_logical3A_81 = arith.constant 7 : i32
      %shift_right_logical3A_82 = vector.broadcast %shift_right_logical3A_81 : i32 to vector<16xi32>
      %shift_right_logical3A_83 = arith.shrui %get3A_80, %shift_right_logical3A_82 : vector<16xi32>
      %and3A_84 = arith.constant 127 : i32
      %and3A_85 = vector.broadcast %and3A_84 : i32 to vector<16xi32>
      %and3A_86 = arith.andi %get3A_80, %and3A_85 : vector<16xi32>
      tpu.vector_store_idx %arg7[%shift_right_logical3A_83, %and3A_86], %broadcast_in_dim3A_5 {add = true} : memref<80x128xf32, #tpu.memory_space<vmem>>[vector<16xi32>, vector<16xi32>], vector<16xf32>,
    }
    %scan3A_10 = arith.constant 80 : i32
    "tpu.region"() ({
      %run_scoped3A = tpu.sem_alloc : memref<!tpu.dma_semaphore, #tpu.memory_space<semaphore_mem>>
      %dma_start3A = arith.constant 0 : i32
      %dma_start3A_17 = arith.constant 0 : i32
      %dma_start3A_18 = tpu.memref_slice %arg6[%dma_start3A, %dma_start3A_17] : memref<80x128xf32, #tpu.memory_space<vmem_shared>> -> memref<80x128xf32, #tpu.memory_space<vmem_shared>>
      tpu.enqueue_indirect_dma source(%arg7 : memref<80x128xf32, #tpu.memory_space<vmem>>) target(%dma_start3A_18 : memref<80x128xf32, #tpu.memory_space<vmem_shared>>) offsets(%arg8 : memref<80xi32, #tpu.memory_space<vmem>>) semaphore(%run_scoped3A : memref<!tpu.dma_semaphore, #tpu.memory_space<semaphore_mem>>) {add = true}
      %dma_wait3A = arith.constant 0 : i32
      %dma_wait3A_19 = arith.constant 0 : i32
      %dma_wait3A_20 = tpu.memref_slice %arg6[%dma_wait3A, %dma_wait3A_19] : memref<80x128xf32, #tpu.memory_space<vmem_shared>> -> memref<80x128xf32, #tpu.memory_space<vmem_shared>>
      tpu.wait_indirect_dma semaphore(%run_scoped3A : memref<!tpu.dma_semaphore, #tpu.memory_space<semaphore_mem>>) src(%arg7 : memref<80x128xf32, #tpu.memory_space<vmem>>) dst(%dma_wait3A_20 : memref<80x128xf32, #tpu.memory_space<vmem_shared>>)
      tpu.yield
    }) : () -> ()
    %barrier3A_11 = arith.constant 0 : index
    tpu.barrier barrier_id(%barrier3A_11)
    %lt3A_12 = arith.constant 10 : i32
    %lt3A_13 = arith.cmpi slt, %arg1, %lt3A_12 : i32
    %convert_element_type3A_14 = arith.extui %lt3A_13 : i1 to i32
    %cond3A_15 = arith.constant 0 : i32
    %cond3A_16 = arith.cmpi ne, %convert_element_type3A_14, %cond3A_15 : i32
    scf.if %cond3A_16 {
      %mul3A_17 = arith.constant 8 : i32
      %mul3A_18 = arith.muli %arg1, %mul3A_17 : i32
      "tpu.region"() ({
        %run_scoped3A = tpu.sem_alloc : memref<!tpu.dma_semaphore, #tpu.memory_space<semaphore_mem>>
        %dma_start3A = arith.constant 0 : i32
        %dma_start3A_21 = tpu.memref_slice %arg6[%mul3A_18, %dma_start3A] : memref<80x128xf32, #tpu.memory_space<vmem_shared>> -> memref<8x128xf32, #tpu.memory_space<vmem_shared>>
        %dma_start3A_22 = arith.constant 0 : i32
        %dma_start3A_23 = tpu.memref_slice %arg6[%mul3A_18, %dma_start3A_22] : memref<80x128xf32, #tpu.memory_space<vmem_shared>> -> memref<8x128xf32, #tpu.memory_space<vmem_shared>>
        tpu.enqueue_dma source(%dma_start3A_23 : memref<8x128xf32, #tpu.memory_space<vmem_shared>>) target(%arg9 : memref<8x128xf32, #tpu.memory_space<vmem>>) target_semaphore(%run_scoped3A : memref<!tpu.dma_semaphore, #tpu.memory_space<semaphore_mem>>)
        %dma_wait3A = arith.constant 0 : i32
        %dma_wait3A_24 = tpu.memref_slice %arg6[%mul3A_18, %dma_wait3A] : memref<80x128xf32, #tpu.memory_space<vmem_shared>> -> memref<8x128xf32, #tpu.memory_space<vmem_shared>>
        %dma_wait3A_25 = arith.constant 0 : i32
        %dma_wait3A_26 = tpu.memref_slice %arg6[%mul3A_18, %dma_wait3A_25] : memref<80x128xf32, #tpu.memory_space<vmem_shared>> -> memref<8x128xf32, #tpu.memory_space<vmem_shared>>
        tpu.wait_dma2 semaphore(%run_scoped3A : memref<!tpu.dma_semaphore, #tpu.memory_space<semaphore_mem>>) src(%dma_wait3A_26 : memref<8x128xf32, #tpu.memory_space<vmem_shared>>) dst(%arg9 : memref<8x128xf32, #tpu.memory_space<vmem>>)
        tpu.yield
      }) : () -> ()
      %mul3A_19 = arith.constant 8 : i32
      %mul3A_20 = arith.muli %arg1, %mul3A_19 : i32
      "tpu.region"() ({
        %run_scoped3A = tpu.sem_alloc : memref<!tpu.dma_semaphore, #tpu.memory_space<semaphore_mem>>
        %dma_start3A = arith.constant 0 : i32
        %dma_start3A_21 = tpu.memref_slice %arg5[%arg0, %mul3A_20, %dma_start3A] : memref<2x80x128xf32, #tpu.memory_space<hbm>> -> memref<1x8x128xf32, #tpu.memory_space<hbm>>
        %dma_start3A_22 = tpu.memref_squeeze %dma_start3A_21 : memref<1x8x128xf32, #tpu.memory_space<hbm>> -> memref<8x128xf32, #tpu.memory_space<hbm>>
        %dma_start3A_23 = arith.constant 0 : i32
        %dma_start3A_24 = tpu.memref_slice %arg5[%arg0, %mul3A_20, %dma_start3A_23] : memref<2x80x128xf32, #tpu.memory_space<hbm>> -> memref<1x8x128xf32, #tpu.memory_space<hbm>>
        %dma_start3A_25 = tpu.memref_squeeze %dma_start3A_24 : memref<1x8x128xf32, #tpu.memory_space<hbm>> -> memref<8x128xf32, #tpu.memory_space<hbm>>
        tpu.enqueue_dma source(%arg9 : memref<8x128xf32, #tpu.memory_space<vmem>>) target(%dma_start3A_25 : memref<8x128xf32, #tpu.memory_space<hbm>>) target_semaphore(%run_scoped3A : memref<!tpu.dma_semaphore, #tpu.memory_space<semaphore_mem>>)
        %dma_wait3A = arith.constant 0 : i32
        %dma_wait3A_26 = tpu.memref_slice %arg5[%arg0, %mul3A_20, %dma_wait3A] : memref<2x80x128xf32, #tpu.memory_space<hbm>> -> memref<1x8x128xf32, #tpu.memory_space<hbm>>
        %dma_wait3A_27 = tpu.memref_squeeze %dma_wait3A_26 : memref<1x8x128xf32, #tpu.memory_space<hbm>> -> memref<8x128xf32, #tpu.memory_space<hbm>>
        %dma_wait3A_28 = arith.constant 0 : i32
        %dma_wait3A_29 = tpu.memref_slice %arg5[%arg0, %mul3A_20, %dma_wait3A_28] : memref<2x80x128xf32, #tpu.memory_space<hbm>> -> memref<1x8x128xf32, #tpu.memory_space<hbm>>
        %dma_wait3A_30 = tpu.memref_squeeze %dma_wait3A_29 : memref<1x8x128xf32, #tpu.memory_space<hbm>> -> memref<8x128xf32, #tpu.memory_space<hbm>>
        tpu.wait_dma2 semaphore(%run_scoped3A : memref<!tpu.dma_semaphore, #tpu.memory_space<semaphore_mem>>) src(%arg9 : memref<8x128xf32, #tpu.memory_space<vmem>>) dst(%dma_wait3A_30 : memref<8x128xf32, #tpu.memory_space<hbm>>)
        tpu.yield
      }) : () -> ()
    } else {
    }
    return
  }
}

module attributes {stable_mosaic.version = 14 : i64} {
  func.func @_uw_body(%arg0: i32, %arg1: memref<512x128xf32, #tpu.memory_space<vmem>>, %arg2: memref<128x128xf32, #tpu.memory_space<vmem>>, %arg3: memref<512x1xf32, #tpu.memory_space<vmem>>, %arg4: memref<512x1xf32, #tpu.memory_space<vmem>>, %arg5: memref<512x128xf32, #tpu.memory_space<vmem>>, %arg6: memref<512x1xf32, #tpu.memory_space<vmem>>) attributes {dimension_semantics = [#tpu.dimension_semantics<arbitrary>], iteration_bounds = array<i64: 20>, scalar_prefetch = 0 : i64, scratch_operands = 0 : i64, tpu.core_type = #tpu.core_type<tc>, window_params = [{transform_indices = @transform_0, window_bounds = array<i64: 512, 128>}, {pipeline_mode = #tpu.pipeline_mode<synchronous>, transform_indices = @transform_1, window_bounds = array<i64: 128, 128>}, {transform_indices = @transform_2, window_bounds = array<i64: 512, 1>}, {transform_indices = @transform_3, window_bounds = array<i64: 512, 1>}, {transform_indices = @transform_4, window_bounds = array<i64: 512, 128>}, {transform_indices = @transform_5, window_bounds = array<i64: 512, 1>}]} {
    %mul3A = arith.constant 512 : i32
    %mul3A_0 = arith.muli %arg0, %mul3A : i32
    %iota3A = tpu.iota {dimensions = array<i32: 0>} : vector<512x1xi32>
    %add3A = vector.broadcast %mul3A_0 : i32 to vector<512x1xi32>
    %add3A_1 = arith.addi %add3A, %iota3A : vector<512x1xi32>
    %get3A = arith.constant 0 : index
    %get3A_2 = arith.constant 0 : index
    %get3A_3 = vector.load %arg3[%get3A, %get3A_2] : memref<512x1xf32, #tpu.memory_space<vmem>>, vector<512x1xf32>
    %get3A_4 = arith.constant 0 : index
    %get3A_5 = arith.constant 0 : index
    %get3A_6 = vector.load %arg4[%get3A_4, %get3A_5] : memref<512x1xf32, #tpu.memory_space<vmem>>, vector<512x1xf32>
    %add3A_7 = arith.addf %get3A_3, %get3A_6 : vector<512x1xf32>
    %add3A_8 = arith.constant 1.000000e+00 : f32
    %add3A_9 = vector.broadcast %add3A_8 : f32 to vector<512x1xf32>
    %add3A_10 = arith.addf %add3A_7, %add3A_9 : vector<512x1xf32>
    %lt3A = arith.constant 10000 : i32
    %lt3A_11 = vector.broadcast %lt3A : i32 to vector<512x1xi32>
    %lt3A_12 = arith.cmpi slt, %add3A_1, %lt3A_11 : vector<512x1xi32>
    %rsqrt3A = math.rsqrt %add3A_10 : vector<512x1xf32>
    %jit3A = arith.constant 0.000000e+00 : f32
    %broadcast_in_dim3A = vector.broadcast %jit3A : f32 to vector<512x1xf32>
    %select_n3A = arith.select %lt3A_12, %rsqrt3A, %broadcast_in_dim3A : vector<512x1xi1>, vector<512x1xf32>
    %get3A_13 = arith.constant 0 : index
    %get3A_14 = arith.constant 0 : index
    %get3A_15 = vector.load %arg1[%get3A_13, %get3A_14] : memref<512x128xf32, #tpu.memory_space<vmem>>, vector<512x128xf32>
    %get3A_16 = arith.constant 0 : index
    %get3A_17 = arith.constant 0 : index
    %get3A_18 = vector.load %arg2[%get3A_16, %get3A_17] : memref<128x128xf32, #tpu.memory_space<vmem>>, vector<128x128xf32>
    %dot_general3A = arith.constant dense<0.000000e+00> : vector<512x128xf32>
    %dot_general3A_19 = tpu.matmul %get3A_15, %get3A_18, %dot_general3A {dimension_numbers = #tpu.dot_dimension_numbers<[1], [0], [0], [1], [0, 0, 1, 1], [], []>, transpose_lhs_hint = false} : vector<512x128xf32>, vector<128x128xf32>, vector<512x128xf32> -> vector<512x128xf32>
    %mul3A_20 = vector.broadcast %select_n3A : vector<512x1xf32> to vector<512x128xf32>
    %mul3A_21 = arith.mulf %dot_general3A_19, %mul3A_20 : vector<512x128xf32>
    %swap3A = arith.constant 0 : index
    %swap3A_22 = arith.constant 0 : index
    %swap3A_23 = vector.load %arg5[%swap3A, %swap3A_22] : memref<512x128xf32, #tpu.memory_space<vmem>>, vector<512x128xf32>
    tpu.vector_store %arg5[%swap3A, %swap3A_22], %mul3A_21 {strides = array<i32>} : memref<512x128xf32, #tpu.memory_space<vmem>>, vector<512x128xf32>,
    %swap3A_24 = arith.constant 0 : index
    %swap3A_25 = arith.constant 0 : index
    %swap3A_26 = vector.load %arg6[%swap3A_24, %swap3A_25] : memref<512x1xf32, #tpu.memory_space<vmem>>, vector<512x1xf32>
    tpu.vector_store %arg6[%swap3A_24, %swap3A_25], %select_n3A {strides = array<i32>} : memref<512x1xf32, #tpu.memory_space<vmem>>, vector<512x1xf32>,
    return
  }
  func.func @transform_0(%arg0: i32) -> (i32, i32) {
    %c0_i32 = arith.constant 0 : i32
    %c0_i32_0 = arith.constant 0 : i32
    return %arg0, %c0_i32 : i32, i32
  }
  func.func @transform_1(%arg0: i32) -> (i32, i32) {
    %c0_i32 = arith.constant 0 : i32
    %c0_i32_0 = arith.constant 0 : i32
    %c0_i32_1 = arith.constant 0 : i32
    return %c0_i32, %c0_i32_0 : i32, i32
  }
  func.func @transform_2(%arg0: i32) -> (i32, i32) {
    %c0_i32 = arith.constant 0 : i32
    %c0_i32_0 = arith.constant 0 : i32
    return %arg0, %c0_i32 : i32, i32
  }
  func.func @transform_3(%arg0: i32) -> (i32, i32) {
    %c0_i32 = arith.constant 0 : i32
    %c0_i32_0 = arith.constant 0 : i32
    return %arg0, %c0_i32 : i32, i32
  }
  func.func @transform_4(%arg0: i32) -> (i32, i32) {
    %c0_i32 = arith.constant 0 : i32
    %c0_i32_0 = arith.constant 0 : i32
    return %arg0, %c0_i32 : i32, i32
  }
  func.func @transform_5(%arg0: i32) -> (i32, i32) {
    %c0_i32 = arith.constant 0 : i32
    %c0_i32_0 = arith.constant 0 : i32
    return %arg0, %c0_i32 : i32, i32
  }
}

module attributes {stable_mosaic.version = 14 : i64} {
  func.func @_layer_body(%arg0: i32, %arg1: memref<1x512x128xf32, #tpu.memory_space<vmem>>, %arg2: memref<1x512x128xf32, #tpu.memory_space<vmem>>, %arg3: memref<512x128xf32, #tpu.memory_space<vmem>>, %arg4: memref<512x1xf32, #tpu.memory_space<vmem>>, %arg5: memref<1x128xf32, #tpu.memory_space<vmem>>, %arg6: memref<128x128xf32, #tpu.memory_space<vmem>>, %arg7: memref<512x128xf32, #tpu.memory_space<vmem>>) attributes {dimension_semantics = [#tpu.dimension_semantics<arbitrary>], iteration_bounds = array<i64: 20>, scalar_prefetch = 0 : i64, scratch_operands = 0 : i64, tpu.core_type = #tpu.core_type<tc>, window_params = [{transform_indices = @transform_0, window_bounds = array<i64: 1, 512, 128>}, {transform_indices = @transform_1, window_bounds = array<i64: 1, 512, 128>}, {transform_indices = @transform_2, window_bounds = array<i64: 512, 128>}, {transform_indices = @transform_3, window_bounds = array<i64: 512, 1>}, {pipeline_mode = #tpu.pipeline_mode<synchronous>, transform_indices = @transform_4, window_bounds = array<i64: 1, 128>}, {pipeline_mode = #tpu.pipeline_mode<synchronous>, transform_indices = @transform_5, window_bounds = array<i64: 128, 128>}, {transform_indices = @transform_6, window_bounds = array<i64: 512, 128>}]} {
    %get3A = arith.constant 0 : index
    %get3A_0 = arith.constant 0 : index
    %get3A_1 = vector.load %arg4[%get3A, %get3A_0] : memref<512x1xf32, #tpu.memory_space<vmem>>, vector<512x1xf32>
    %get3A_2 = arith.constant 0 : index
    %get3A_3 = arith.constant 0 : index
    %get3A_4 = arith.constant 0 : index
    %get3A_5 = vector.load %arg1[%get3A_2, %get3A_3, %get3A_4] : memref<1x512x128xf32, #tpu.memory_space<vmem>>, vector<1x512x128xf32>
    %get3A_6 = vector.shape_cast %get3A_5 : vector<1x512x128xf32> to vector<512x128xf32>
    %get3A_7 = arith.constant 0 : index
    %get3A_8 = arith.constant 0 : index
    %get3A_9 = arith.constant 0 : index
    %get3A_10 = vector.load %arg2[%get3A_7, %get3A_8, %get3A_9] : memref<1x512x128xf32, #tpu.memory_space<vmem>>, vector<1x512x128xf32>
    %get3A_11 = vector.shape_cast %get3A_10 : vector<1x512x128xf32> to vector<512x128xf32>
    %add3A = arith.addf %get3A_6, %get3A_11 : vector<512x128xf32>
    %get3A_12 = arith.constant 0 : index
    %get3A_13 = arith.constant 0 : index
    %get3A_14 = vector.load %arg3[%get3A_12, %get3A_13] : memref<512x128xf32, #tpu.memory_space<vmem>>, vector<512x128xf32>
    %add3A_15 = arith.addf %add3A, %get3A_14 : vector<512x128xf32>
    %mul3A = vector.broadcast %get3A_1 : vector<512x1xf32> to vector<512x128xf32>
    %mul3A_16 = arith.mulf %mul3A, %add3A_15 : vector<512x128xf32>
    %get3A_17 = arith.constant 0 : index
    %get3A_18 = arith.constant 0 : index
    %get3A_19 = vector.load %arg5[%get3A_17, %get3A_18] : memref<1x128xf32, #tpu.memory_space<vmem>>, vector<1x128xf32>
    %add3A_20 = vector.broadcast %get3A_19 : vector<1x128xf32> to vector<512x128xf32>
    %add3A_21 = arith.addf %mul3A_16, %add3A_20 : vector<512x128xf32>
    %max3A = arith.constant 0.000000e+00 : f32
    %max3A_22 = vector.broadcast %max3A : f32 to vector<512x128xf32>
    %max3A_23 = arith.maximumf %add3A_21, %max3A_22 : vector<512x128xf32>
    %get3A_24 = arith.constant 0 : index
    %get3A_25 = arith.constant 0 : index
    %get3A_26 = vector.load %arg6[%get3A_24, %get3A_25] : memref<128x128xf32, #tpu.memory_space<vmem>>, vector<128x128xf32>
    %dot_general3A = arith.constant dense<0.000000e+00> : vector<512x128xf32>
    %dot_general3A_27 = tpu.matmul %max3A_23, %get3A_26, %dot_general3A {dimension_numbers = #tpu.dot_dimension_numbers<[1], [0], [0], [1], [0, 0, 1, 1], [], []>, transpose_lhs_hint = false} : vector<512x128xf32>, vector<128x128xf32>, vector<512x128xf32> -> vector<512x128xf32>
    %mul3A_28 = vector.broadcast %get3A_1 : vector<512x1xf32> to vector<512x128xf32>
    %mul3A_29 = arith.mulf %dot_general3A_27, %mul3A_28 : vector<512x128xf32>
    %swap3A = arith.constant 0 : index
    %swap3A_30 = arith.constant 0 : index
    %swap3A_31 = vector.load %arg7[%swap3A, %swap3A_30] : memref<512x128xf32, #tpu.memory_space<vmem>>, vector<512x128xf32>
    tpu.vector_store %arg7[%swap3A, %swap3A_30], %mul3A_29 {strides = array<i32>} : memref<512x128xf32, #tpu.memory_space<vmem>>, vector<512x128xf32>,
    return
  }
  func.func @transform_0(%arg0: i32) -> (i32, i32, i32) {
    %c0_i32 = arith.constant 0 : i32
    %c0_i32_0 = arith.constant 0 : i32
    %c0_i32_1 = arith.constant 0 : i32
    return %c0_i32, %arg0, %c0_i32_0 : i32, i32, i32
  }
  func.func @transform_1(%arg0: i32) -> (i32, i32, i32) {
    %c1_i32 = arith.constant 1 : i32
    %c0_i32 = arith.constant 0 : i32
    %c0_i32_0 = arith.constant 0 : i32
    return %c1_i32, %arg0, %c0_i32 : i32, i32, i32
  }
  func.func @transform_2(%arg0: i32) -> (i32, i32) {
    %c0_i32 = arith.constant 0 : i32
    %c0_i32_0 = arith.constant 0 : i32
    return %arg0, %c0_i32 : i32, i32
  }
  func.func @transform_3(%arg0: i32) -> (i32, i32) {
    %c0_i32 = arith.constant 0 : i32
    %c0_i32_0 = arith.constant 0 : i32
    return %arg0, %c0_i32 : i32, i32
  }
  func.func @transform_4(%arg0: i32) -> (i32, i32) {
    %c0_i32 = arith.constant 0 : i32
    %c0_i32_0 = arith.constant 0 : i32
    %c0_i32_1 = arith.constant 0 : i32
    return %c0_i32, %c0_i32_0 : i32, i32
  }
  func.func @transform_5(%arg0: i32) -> (i32, i32) {
    %c0_i32 = arith.constant 0 : i32
    %c0_i32_0 = arith.constant 0 : i32
    %c0_i32_1 = arith.constant 0 : i32
    return %c0_i32, %c0_i32_0 : i32, i32
  }
  func.func @transform_6(%arg0: i32) -> (i32, i32) {
    %c0_i32 = arith.constant 0 : i32
    %c0_i32_0 = arith.constant 0 : i32
    return %arg0, %c0_i32 : i32, i32
  }
}

module attributes {stable_mosaic.version = 14 : i64} {
  func.func @_mlp_body(%arg0: memref<256x128xf32, #tpu.memory_space<vmem>>, %arg1: memref<256x128xf32, #tpu.memory_space<vmem>>, %arg2: memref<256x512xf32, #tpu.memory_space<vmem>>, %arg3: memref<128x128xf32, #tpu.memory_space<vmem>>, %arg4: memref<512x128xf32, #tpu.memory_space<vmem>>, %arg5: memref<1x128xf32, #tpu.memory_space<vmem>>, %arg6: memref<128x256xf32, #tpu.memory_space<vmem>>, %arg7: memref<1x256xf32, #tpu.memory_space<vmem>>, %arg8: memref<256x256xf32, #tpu.memory_space<vmem>>) attributes {dimension_semantics = [], scalar_prefetch = 0 : i64, scratch_operands = 0 : i64, tpu.core_type = #tpu.core_type<tc>} {
    %get3A = arith.constant 0 : index
    %get3A_0 = arith.constant 0 : index
    %get3A_1 = vector.load %arg0[%get3A, %get3A_0] : memref<256x128xf32, #tpu.memory_space<vmem>>, vector<256x128xf32>
    %get3A_2 = arith.constant 0 : index
    %get3A_3 = arith.constant 0 : index
    %get3A_4 = vector.load %arg1[%get3A_2, %get3A_3] : memref<256x128xf32, #tpu.memory_space<vmem>>, vector<256x128xf32>
    %max3A = arith.constant 1.000000e+00 : f32
    %max3A_5 = vector.broadcast %max3A : f32 to vector<256x128xf32>
    %max3A_6 = arith.maximumf %get3A_4, %max3A_5 : vector<256x128xf32>
    %div3A = arith.divf %get3A_1, %max3A_6 : vector<256x128xf32>
    %get3A_7 = arith.constant 0 : index
    %get3A_8 = arith.constant 0 : index
    %get3A_9 = vector.load %arg3[%get3A_7, %get3A_8] : memref<128x128xf32, #tpu.memory_space<vmem>>, vector<128x128xf32>
    %dot_general3A = arith.constant dense<0.000000e+00> : vector<256x128xf32>
    %dot_general3A_10 = tpu.matmul %div3A, %get3A_9, %dot_general3A {dimension_numbers = #tpu.dot_dimension_numbers<[1], [0], [0], [1], [0, 0, 1, 1], [], []>, transpose_lhs_hint = false} : vector<256x128xf32>, vector<128x128xf32>, vector<256x128xf32> -> vector<256x128xf32>
    %get3A_11 = arith.constant 0 : index
    %get3A_12 = arith.constant 0 : index
    %get3A_13 = vector.load %arg2[%get3A_11, %get3A_12] : memref<256x512xf32, #tpu.memory_space<vmem>>, vector<256x512xf32>
    %get3A_14 = arith.constant 0 : index
    %get3A_15 = arith.constant 0 : index
    %get3A_16 = vector.load %arg4[%get3A_14, %get3A_15] : memref<512x128xf32, #tpu.memory_space<vmem>>, vector<512x128xf32>
    %dot_general3A_17 = arith.constant dense<0.000000e+00> : vector<256x128xf32>
    %dot_general3A_18 = tpu.matmul %get3A_13, %get3A_16, %dot_general3A_17 {dimension_numbers = #tpu.dot_dimension_numbers<[1], [0], [0], [1], [0, 0, 1, 1], [], []>, transpose_lhs_hint = false} : vector<256x512xf32>, vector<512x128xf32>, vector<256x128xf32> -> vector<256x128xf32>
    %add3A = arith.addf %dot_general3A_10, %dot_general3A_18 : vector<256x128xf32>
    %get3A_19 = arith.constant 0 : index
    %get3A_20 = arith.constant 0 : index
    %get3A_21 = vector.load %arg5[%get3A_19, %get3A_20] : memref<1x128xf32, #tpu.memory_space<vmem>>, vector<1x128xf32>
    %add3A_22 = vector.broadcast %get3A_21 : vector<1x128xf32> to vector<256x128xf32>
    %add3A_23 = arith.addf %add3A, %add3A_22 : vector<256x128xf32>
    %max3A_24 = arith.constant 0.000000e+00 : f32
    %max3A_25 = vector.broadcast %max3A_24 : f32 to vector<256x128xf32>
    %max3A_26 = arith.maximumf %add3A_23, %max3A_25 : vector<256x128xf32>
    %get3A_27 = arith.constant 0 : index
    %get3A_28 = arith.constant 0 : index
    %get3A_29 = vector.load %arg6[%get3A_27, %get3A_28] : memref<128x256xf32, #tpu.memory_space<vmem>>, vector<128x256xf32>
    %dot_general3A_30 = arith.constant dense<0.000000e+00> : vector<256x256xf32>
    %dot_general3A_31 = tpu.matmul %max3A_26, %get3A_29, %dot_general3A_30 {dimension_numbers = #tpu.dot_dimension_numbers<[1], [0], [0], [1], [0, 0, 1, 1], [], []>, transpose_lhs_hint = false} : vector<256x128xf32>, vector<128x256xf32>, vector<256x256xf32> -> vector<256x256xf32>
    %get3A_32 = arith.constant 0 : index
    %get3A_33 = arith.constant 0 : index
    %get3A_34 = vector.load %arg7[%get3A_32, %get3A_33] : memref<1x256xf32, #tpu.memory_space<vmem>>, vector<1x256xf32>
    %add3A_35 = vector.broadcast %get3A_34 : vector<1x256xf32> to vector<256x256xf32>
    %add3A_36 = arith.addf %dot_general3A_31, %add3A_35 : vector<256x256xf32>
    %swap3A = arith.constant 0 : index
    %swap3A_37 = arith.constant 0 : index
    %swap3A_38 = vector.load %arg8[%swap3A, %swap3A_37] : memref<256x256xf32, #tpu.memory_space<vmem>>, vector<256x256xf32>
    tpu.vector_store %arg8[%swap3A, %swap3A_37], %add3A_36 {strides = array<i32>} : memref<256x256xf32, #tpu.memory_space<vmem>>, vector<256x256xf32>,
    return
  }
}

module attributes {stable_mosaic.version = 14 : i64} {
  func.func @_pool_body(%arg0: i32, %arg1: memref<1x512x128xf32, #tpu.memory_space<vmem>>, %arg2: memref<1x512x128xf32, #tpu.memory_space<vmem>>, %arg3: memref<512x128xf32, #tpu.memory_space<vmem>>, %arg4: memref<512x1xf32, #tpu.memory_space<vmem>>, %arg5: memref<1x128xf32, #tpu.memory_space<vmem>>, %arg6: memref<512x1xi32, #tpu.memory_space<vmem>>, %arg7: memref<256x128xf32, #tpu.memory_space<vmem>>, %arg8: memref<256x128xf32, #tpu.memory_space<vmem>>) attributes {dimension_semantics = [#tpu.dimension_semantics<arbitrary>], iteration_bounds = array<i64: 20>, scalar_prefetch = 0 : i64, scratch_operands = 0 : i64, tpu.core_type = #tpu.core_type<tc>, window_params = [{transform_indices = @transform_0, window_bounds = array<i64: 1, 512, 128>}, {transform_indices = @transform_1, window_bounds = array<i64: 1, 512, 128>}, {transform_indices = @transform_2, window_bounds = array<i64: 512, 128>}, {transform_indices = @transform_3, window_bounds = array<i64: 512, 1>}, {pipeline_mode = #tpu.pipeline_mode<synchronous>, transform_indices = @transform_4, window_bounds = array<i64: 1, 128>}, {transform_indices = @transform_5, window_bounds = array<i64: 512, 1>}, {pipeline_mode = #tpu.pipeline_mode<synchronous>, transform_indices = @transform_6, window_bounds = array<i64: 256, 128>}, {pipeline_mode = #tpu.pipeline_mode<synchronous>, transform_indices = @transform_7, window_bounds = array<i64: 256, 128>}]} {
    %get3A = arith.constant 0 : index
    %get3A_0 = arith.constant 0 : index
    %get3A_1 = vector.load %arg4[%get3A, %get3A_0] : memref<512x1xf32, #tpu.memory_space<vmem>>, vector<512x1xf32>
    %get3A_2 = arith.constant 0 : index
    %get3A_3 = arith.constant 0 : index
    %get3A_4 = arith.constant 0 : index
    %get3A_5 = vector.load %arg1[%get3A_2, %get3A_3, %get3A_4] : memref<1x512x128xf32, #tpu.memory_space<vmem>>, vector<1x512x128xf32>
    %get3A_6 = vector.shape_cast %get3A_5 : vector<1x512x128xf32> to vector<512x128xf32>
    %get3A_7 = arith.constant 0 : index
    %get3A_8 = arith.constant 0 : index
    %get3A_9 = arith.constant 0 : index
    %get3A_10 = vector.load %arg2[%get3A_7, %get3A_8, %get3A_9] : memref<1x512x128xf32, #tpu.memory_space<vmem>>, vector<1x512x128xf32>
    %get3A_11 = vector.shape_cast %get3A_10 : vector<1x512x128xf32> to vector<512x128xf32>
    %add3A = arith.addf %get3A_6, %get3A_11 : vector<512x128xf32>
    %get3A_12 = arith.constant 0 : index
    %get3A_13 = arith.constant 0 : index
    %get3A_14 = vector.load %arg3[%get3A_12, %get3A_13] : memref<512x128xf32, #tpu.memory_space<vmem>>, vector<512x128xf32>
    %add3A_15 = arith.addf %add3A, %get3A_14 : vector<512x128xf32>
    %mul3A = vector.broadcast %get3A_1 : vector<512x1xf32> to vector<512x128xf32>
    %mul3A_16 = arith.mulf %mul3A, %add3A_15 : vector<512x128xf32>
    %get3A_17 = arith.constant 0 : index
    %get3A_18 = arith.constant 0 : index
    %get3A_19 = vector.load %arg5[%get3A_17, %get3A_18] : memref<1x128xf32, #tpu.memory_space<vmem>>, vector<1x128xf32>
    %add3A_20 = vector.broadcast %get3A_19 : vector<1x128xf32> to vector<512x128xf32>
    %add3A_21 = arith.addf %mul3A_16, %add3A_20 : vector<512x128xf32>
    %max3A = arith.constant 0.000000e+00 : f32
    %max3A_22 = vector.broadcast %max3A : f32 to vector<512x128xf32>
    %max3A_23 = arith.maximumf %add3A_21, %max3A_22 : vector<512x128xf32>
    %get3A_24 = arith.constant 0 : index
    %get3A_25 = arith.constant 0 : index
    %get3A_26 = vector.load %arg6[%get3A_24, %get3A_25] : memref<512x1xi32, #tpu.memory_space<vmem>>, vector<512x1xi32>
    %iota3A = tpu.iota {dimensions = array<i32: 1>} : vector<512x256xi32>
    %eq3A = vector.broadcast %get3A_26 : vector<512x1xi32> to vector<512x256xi32>
    %eq3A_27 = arith.cmpi eq, %eq3A, %iota3A : vector<512x256xi32>
    %convert_element_type3A = arith.extui %eq3A_27 : vector<512x256xi1> to vector<512x256xi32>
    %convert_element_type3A_28 = arith.sitofp %convert_element_type3A : vector<512x256xi32> to vector<512x256xf32>
    %eq3A_29 = arith.constant 0 : i32
    %eq3A_30 = arith.cmpi eq, %arg0, %eq3A_29 : i32
    %convert_element_type3A_31 = arith.extui %eq3A_30 : i1 to i32
    %cond3A = arith.constant 0 : i32
    %cond3A_32 = arith.cmpi ne, %convert_element_type3A_31, %cond3A : i32
    scf.if %cond3A_32 {
      %broadcast_in_dim3A_50 = arith.constant 0.000000e+00 : f32
      %broadcast_in_dim3A_51 = vector.broadcast %broadcast_in_dim3A_50 : f32 to vector<256x128xf32>
      %swap3A_52 = arith.constant 0 : index
      %swap3A_53 = arith.constant 0 : index
      %swap3A_54 = vector.load %arg7[%swap3A_52, %swap3A_53] : memref<256x128xf32, #tpu.memory_space<vmem>>, vector<256x128xf32>
      tpu.vector_store %arg7[%swap3A_52, %swap3A_53], %broadcast_in_dim3A_51 {strides = array<i32>} : memref<256x128xf32, #tpu.memory_space<vmem>>, vector<256x128xf32>,
      %broadcast_in_dim3A_55 = arith.constant 0.000000e+00 : f32
      %broadcast_in_dim3A_56 = vector.broadcast %broadcast_in_dim3A_55 : f32 to vector<256x128xf32>
      %swap3A_57 = arith.constant 0 : index
      %swap3A_58 = arith.constant 0 : index
      %swap3A_59 = vector.load %arg8[%swap3A_57, %swap3A_58] : memref<256x128xf32, #tpu.memory_space<vmem>>, vector<256x128xf32>
      tpu.vector_store %arg8[%swap3A_57, %swap3A_58], %broadcast_in_dim3A_56 {strides = array<i32>} : memref<256x128xf32, #tpu.memory_space<vmem>>, vector<256x128xf32>,
    } else {
    }
    %get3A_33 = arith.constant 0 : index
    %get3A_34 = arith.constant 0 : index
    %get3A_35 = vector.load %arg7[%get3A_33, %get3A_34] : memref<256x128xf32, #tpu.memory_space<vmem>>, vector<256x128xf32>
    %dot_general3A = arith.constant dense<0.000000e+00> : vector<256x128xf32>
    %dot_general3A_36 = tpu.matmul %convert_element_type3A_28, %max3A_23, %dot_general3A {dimension_numbers = #tpu.dot_dimension_numbers<[0], [0], [1], [1], [0, 1, 1, 1], [], []>, transpose_lhs_hint = false} : vector<512x256xf32>, vector<512x128xf32>, vector<256x128xf32> -> vector<256x128xf32>
    %add3A_37 = arith.addf %get3A_35, %dot_general3A_36 : vector<256x128xf32>
    %swap3A = arith.constant 0 : index
    %swap3A_38 = arith.constant 0 : index
    %swap3A_39 = vector.load %arg7[%swap3A, %swap3A_38] : memref<256x128xf32, #tpu.memory_space<vmem>>, vector<256x128xf32>
    tpu.vector_store %arg7[%swap3A, %swap3A_38], %add3A_37 {strides = array<i32>} : memref<256x128xf32, #tpu.memory_space<vmem>>, vector<256x128xf32>,
    %get3A_40 = arith.constant 0 : index
    %get3A_41 = arith.constant 0 : index
    %get3A_42 = vector.load %arg8[%get3A_40, %get3A_41] : memref<256x128xf32, #tpu.memory_space<vmem>>, vector<256x128xf32>
    %broadcast_in_dim3A = arith.constant 1.000000e+00 : f32
    %broadcast_in_dim3A_43 = vector.broadcast %broadcast_in_dim3A : f32 to vector<512x128xf32>
    %dot_general3A_44 = arith.constant dense<0.000000e+00> : vector<256x128xf32>
    %dot_general3A_45 = tpu.matmul %convert_element_type3A_28, %broadcast_in_dim3A_43, %dot_general3A_44 {dimension_numbers = #tpu.dot_dimension_numbers<[0], [0], [1], [1], [0, 1, 1, 1], [], []>, transpose_lhs_hint = false} : vector<512x256xf32>, vector<512x128xf32>, vector<256x128xf32> -> vector<256x128xf32>
    %add3A_46 = arith.addf %get3A_42, %dot_general3A_45 : vector<256x128xf32>
    %swap3A_47 = arith.constant 0 : index
    %swap3A_48 = arith.constant 0 : index
    %swap3A_49 = vector.load %arg8[%swap3A_47, %swap3A_48] : memref<256x128xf32, #tpu.memory_space<vmem>>, vector<256x128xf32>
    tpu.vector_store %arg8[%swap3A_47, %swap3A_48], %add3A_46 {strides = array<i32>} : memref<256x128xf32, #tpu.memory_space<vmem>>, vector<256x128xf32>,
    return
  }
  func.func @transform_0(%arg0: i32) -> (i32, i32, i32) {
    %c0_i32 = arith.constant 0 : i32
    %c0_i32_0 = arith.constant 0 : i32
    %c0_i32_1 = arith.constant 0 : i32
    return %c0_i32, %arg0, %c0_i32_0 : i32, i32, i32
  }
  func.func @transform_1(%arg0: i32) -> (i32, i32, i32) {
    %c1_i32 = arith.constant 1 : i32
    %c0_i32 = arith.constant 0 : i32
    %c0_i32_0 = arith.constant 0 : i32
    return %c1_i32, %arg0, %c0_i32 : i32, i32, i32
  }
  func.func @transform_2(%arg0: i32) -> (i32, i32) {
    %c0_i32 = arith.constant 0 : i32
    %c0_i32_0 = arith.constant 0 : i32
    return %arg0, %c0_i32 : i32, i32
  }
  func.func @transform_3(%arg0: i32) -> (i32, i32) {
    %c0_i32 = arith.constant 0 : i32
    %c0_i32_0 = arith.constant 0 : i32
    return %arg0, %c0_i32 : i32, i32
  }
  func.func @transform_4(%arg0: i32) -> (i32, i32) {
    %c0_i32 = arith.constant 0 : i32
    %c0_i32_0 = arith.constant 0 : i32
    %c0_i32_1 = arith.constant 0 : i32
    return %c0_i32, %c0_i32_0 : i32, i32
  }
  func.func @transform_5(%arg0: i32) -> (i32, i32) {
    %c0_i32 = arith.constant 0 : i32
    %c0_i32_0 = arith.constant 0 : i32
    return %arg0, %c0_i32 : i32, i32
  }
  func.func @transform_6(%arg0: i32) -> (i32, i32) {
    %c0_i32 = arith.constant 0 : i32
    %c0_i32_0 = arith.constant 0 : i32
    %c0_i32_1 = arith.constant 0 : i32
    return %c0_i32, %c0_i32_0 : i32, i32
  }
  func.func @transform_7(%arg0: i32) -> (i32, i32) {
    %c0_i32 = arith.constant 0 : i32
    %c0_i32_0 = arith.constant 0 : i32
    %c0_i32_1 = arith.constant 0 : i32
    return %c0_i32, %c0_i32_0 : i32, i32
  }
}

</mosaic_0001>

<sc_bundles>
// kernel: kernel.12.cloned.1.call-start
scs
__scs_entry_jumppad:
0x0: {  	(pc) =	sbr.rel $0x88, $3  }
0x1: {  	(tag) =	ssettag $0x0;
	lr =	simm.s32 $0x1  }
0x2: {  	[smem:$0x3F95] =	sst lr;
	_ =	strace $0xD0000000  }
0x3: {  	_ = 	snop  }
0x4: {  	_ = 	snop  }
0x5: {  	_ = 	snop  }
0x6: {  	_ = 	snop  }
0x7: {  	_ = 	snop  }
__scs_overlays_trampoline_lowered:
0x8: {  	[smem:$0x3FA4] =	sst s0  }
0x9: {  	[smem:$0x3FA5] =	sst s1  }
0xa: {  	[smem:$0x3FA6] =	sst s2  }
0xb: {  	[smem:$0x3FA7] =	sst s3  }
0xc: {  	[smem:$0x3FA8] =	sst s4  }
0xd: {  	[smem:$0x3FA9] =	sst s5  }
0xe: {  	[smem:$0x3FAA] =	sst s6  }
0xf: {  	[smem:$0x3FAB] =	sst s7  }
0x10: {  	[smem:$0x3FAC] =	sst s8  }
0x11: {  	[smem:$0x3FAD] =	sst s9;
	s0 =	simm.s32 @!p0 $0x0  }
0x12: {  	s1 =	sld [smem:$0x3F93];
	s0 =	simm.s32 @p0 $0x1  }
0x13: {  	[smem:$0x3FAE] =	sst s0;
	s0 =	simm.s32 @!p1 $0x0  }
0x14: {  	s2 =	sld [smem:$0x3F92];
	s0 =	simm.s32 @p1 $0x1  }
0x15: {  	[smem:$0x3FAF] =	sst s0;
	s0 =	simm.s32 @!p2 $0x0  }
0x16: {  	s3 =	sld [smem:$0x3FDB];
	s0 =	simm.s32 @p2 $0x1  }
0x17: {  	s4 =	simm.s32 $0x1BF5;
	[smem:$0x3FB1] =	sst s0  }
0x18: {  	s0 =	sld [smem:$0x3F94];
	_ =	swait.ge [sflag:s4], $0x0  }
0x19: {  	s7 =	sld [smem:$0x3F95]  }
0x1a: {  	s8 =	sadd.s32 $0xFFFFE003, lr  }
0x1b: {  	s9 =	sadd.s32 $0xFFFFFEF7, lr;
	s5 =	simm.s32 $0xFFFFFFFF;
	p2 =	slt.u32 s8, $0xFFFFF086  }
0x1c: {  	p1 =	slt.u32 s9, $0xF7A;
	s5 =	simm.s32 @!p2 $0x0  }
0x1d: {  	s5 =	simm.s32 @p1 $0x1;
	p0 =	seq.s32 s7, s2  }
0x1e: {  	s7 =	smul.u32 @!p0 $0xF7A, s2;
	p2 =	seq.s32 @!p0 s5, $0x0  }
0x1f: {  	s9 =	smul.u32 $0xF7A, s1;
	s8 =	simm.s32 @!p0 $0x1BF5;
	p2 =	por !p2, p0  }
0x20: {  	[sflag:s8] =	ssyncset.s32 @!p0 $0xFFFFF086;
	s6 =	sadd.s32 @!p0 s3, s7;
	s7 =	simm.s32 @!p0 $0x108  }
0x21: {  	s3 =	sadd.s32 s3, s9;
	s6 =	sadd.s32 @!p0 $0x88, s6;
	s7 =	simm.s32 @p2 $0x1082  }
0x22: {  	[simem:s7], [sflag:s8] =	dma.local @!p0 [hbm:s6], $0xF7A  }
0x23: {  	s9 =	sor.u32 $0xD0000000, s2;
	s6 =	simm.s32 $0x108;
	_ =	swait.ge @!p0 [sflag:s8], $0x0  }
0x24: {  	s3 =	sadd.s32 $0x88, s3;
	s6 =	simm.s32 @!p1 $0x1082;
	[sflag:s4] =	ssyncset.s32 $0xFFFFF086  }
0x25: {  	[simem:s6], [sflag:s4] =	dma.local [hbm:s3], $0xF7A  }
0x26: {  	[smem:$0x3F95] =	sst s1;
	(tag) =	ssettag s2;
	_ =	strace s9  }
0x27: {  	s1 =	sld [smem:$0x3FA5]  }
0x28: {  	s2 =	sld [smem:$0x3FA6]  }
0x29: {  	s4 =	sld [smem:$0x3FA8]  }
0x2a: {  	p0 =	seq.s32 s5, $0x0;
	s5 =	sld [smem:$0x3FA9]  }
0x2b: {  	s6 =	sld [smem:$0x3FAA]  }
0x2c: {  	s7 =	sld [smem:$0x3FAB]  }
0x2d: {  	s3 =	simm.s32 $0x108;
	s8 =	sld [smem:$0x3FAC]  }
0x2e: {  	s3 =	simm.s32 @!p0 $0x1082;
	s9 =	sld [smem:$0x3FAD]  }
0x2f: {  	lr =	sadd.s32 s0, s3;
	s0 =	sld [smem:$0x3FA4]  }
0x30: {  	s3 =	sld [smem:$0x3FA7]  }
0x31: {  	[smem:$0x3FB0] =	sst s10  }
0x32: {  	s10 =	sld [smem:$0x3FAE];
	_ =	sdelay $0x3  }
0x33: {  	p0 =	seq.s32 s10, $0x1;
	s10 =	sld [smem:$0x3FB0];
	_ =	sdelay $0x3  }
0x34: {  	[smem:$0x3FB0] =	sst s10  }
0x35: {  	s10 =	sld [smem:$0x3FAF];
	_ =	sdelay $0x3  }
0x36: {  	p1 =	seq.s32 s10, $0x1;
	s10 =	sld [smem:$0x3FB0];
	_ =	sdelay $0x3  }
0x37: {  	[smem:$0x3FB0] =	sst s10  }
0x38: {  	s10 =	sld [smem:$0x3FB1]  }
0x39: {  	_ = 	snop;
	(pc) =	sbr.ind lr, $3  }
0x3a: {  	_ = 	snop  }
0x3b: {  	_ = 	snop  }
0x3c: {  	p2 =	seq.s32 s10, $0x1;
	s10 =	sld [smem:$0x3FB0]  }
0x3d: {  	_ =	shalt  }
0x3e: {  	_ =	shalt  }
0x3f: {  	_ =	shalt  }
0x40: {  	_ =	shalt  }
0x41: {  	_ =	shalt  }
0x42: {  	_ =	shalt  }
0x43: {  	_ =	shalt  }
0x44: {  	_ =	shalt  }
0x45: {  	_ =	shalt  }
0x46: {  	_ =	shalt  }
0x47: {  	_ =	shalt  }
0x48: {  	_ =	shalt  }
0x49: {  	_ =	shalt  }
0x4a: {  	_ =	shalt  }
0x4b: {  	_ =	shalt  }
0x4c: {  	_ =	shalt  }
0x4d: {  	_ =	shalt  }
0x4e: {  	_ =	shalt  }
0x4f: {  	_ =	shalt  }
0x50: {  	_ =	shalt  }
0x51: {  	_ =	shalt  }
0x52: {  	_ =	shalt  }
0x53: {  	_ =	shalt  }
0x54: {  	_ =	shalt  }
0x55: {  	_ =	shalt  }
0x56: {  	_ =	shalt  }
0x57: {  	_ =	shalt  }
0x58: {  	_ =	shalt  }
0x59: {  	_ =	shalt  }
0x5a: {  	_ =	shalt  }
0x5b: {  	_ =	shalt  }
0x5c: {  	_ =	shalt  }
0x5d: {  	_ =	shalt  }
0x5e: {  	_ =	shalt  }
0x5f: {  	_ =	shalt  }
0x60: {  	_ =	shalt  }
0x61: {  	_ =	shalt  }
0x62: {  	_ =	shalt  }
0x63: {  	_ =	shalt  }
0x64: {  	_ =	shalt  }
0x65: {  	_ =	shalt  }
0x66: {  	_ =	shalt  }
0x67: {  	_ =	shalt  }
0x68: {  	_ =	shalt  }
0x69: {  	_ =	shalt  }
0x6a: {  	_ =	shalt  }
0x6b: {  	_ =	shalt  }
0x6c: {  	_ =	shalt  }
0x6d: {  	_ =	shalt  }
0x6e: {  	_ =	shalt  }
0x6f: {  	_ =	shalt  }
0x70: {  	_ =	shalt  }
0x71: {  	_ =	shalt  }
0x72: {  	_ =	shalt  }
0x73: {  	_ =	shalt  }
0x74: {  	_ =	shalt  }
0x75: {  	_ =	shalt  }
0x76: {  	_ =	shalt  }
0x77: {  	_ =	shalt  }
0x78: {  	_ =	shalt  }
0x79: {  	_ =	shalt  }
0x7a: {  	_ =	shalt  }
0x7b: {  	_ =	shalt  }
0x7c: {  	_ =	shalt  }
0x7d: {  	_ =	shalt  }
0x7e: {  	_ =	shalt  }
0x7f: {  	_ =	shalt  }
0x80: {  	_ =	shalt  }
0x81: {  	_ =	shalt  }
0x82: {  	_ =	shalt  }
0x83: {  	_ =	shalt  }
0x84: {  	_ =	shalt  }
0x85: {  	_ =	shalt  }
0x86: {  	_ =	shalt  }
0x87: {  	_ =	shalt  }
.Lfunc_end0:
.L_simem_size_0:
called_computation.1_lowered:
.L_overlay_start_0:
0x88: {  	s2 =	sld [smem:$0x3FD9]  }
0x89: {  	s3 =	sld [smem:$0x3FFE];
	_ =	sdelay $0x1  }
0x8a: {  	s1 =	srdreg.scid  }
0x8b: {  	s0 =	sand.u32 $0x1, s1  }
0x8c: {  	s17 =	sshll.u32 s0, $0xA;
	s2 =	sadd.s32 s3, s2  }
0x8d: {  	s2 =	sadd.s32 s2, s17  }
0x8e: {  	[smem:$0x3FBC] =	sst s2  }
0x8f: {  	_ = 	snop  }
0x90: {  	s2 =	sld [smem:$0x3FD0];
	(tm) =	ssettm $0x1  }
0x91: {  	s18 =	sld [smem:$0x3FFB];
	_ =	sdelay $0x3  }
0x92: {  	_ =	strace s18  }
0x93: {  	s3 =	sld [smem:$0x3FFC];
	_ =	sdelay $0x3  }
0x94: {  	_ =	strace s3  }
0x95: {  	s3 =	sld [smem:$0x3FFD];
	_ =	sdelay $0x3  }
0x96: {  	_ =	strace s3  }
0x97: {  	_ =	strace $0x8FFFFFFF  }
0x98: {  	s19 =	sld [smem:$0x3FDB];
	_ =	sdelay $0x1  }
0x99: {  	s4 =	simm.s32 $_scs_section_size  }
0x9a: {  	s5 =	simm.s32 $_size__tile_overlayer_lowered;
	s6 =	simm.s32 $_tile_overlayer_lowered  }
0x9b: {  	s22 =	simm.s32 $0x1BFF;
	s21 =	sshll.u32 s6, $0x1;
	s3 =	sadd.s32 s4, s19  }
0x9c: {  	s7 =	simm.s32 $0x0;
	s20 =	sshll.u32 s5, $0x1;
	s5 =	sadd.s32 s21, s3  }
0x9d: {  	[timem:s7], [sflag:s22] =	dma.local [hbm:s5], s20  }
0x9e: {  	_ =	swait.ge [sflag:s22], s20  }
0x9f: {  	s4 =	ssub.s32 $0x0, s20;
	[sflag:s22] =	ssyncset.done $0x0  }
0xa0: {  	[sflag:s22] =	ssyncadd.s32 s4;
	_ =	sdelay $0x1  }
0xa1: {  	s23 =	simm.s32 $0x1B8B  }
0xa2: {  	_ =	swait.ge [sflag:s23], $0x1  }
0xa3: {  	[sflag:s23] =	ssyncset.done $0x0  }
0xa4: {  	s25 =	simm.s32 $0x1B8E;
	s24 =	sld [smem:$0x3FFE];
	[sflag:s23] =	ssyncadd.s32 $0xFFFFFFFF  }
0xa5: {  	s26 =	simm.s32 $execute0_lowered;
	[smem:$0x3FD2] =	sst s25  }
0xa6: {  	s5 =	sshll.u32 s26, $0x1;
	_ =	strace $0x80000049;
	[dreg:$0x1] =	wrdreg $0xFFFFFFFF  }
0xa7: {  	s28 =	simm.s32 $_size_execute0_lowered;
	s3 =	sadd.s32 s3, s5;
	[dreg:$0x0] =	wrdreg $0x0  }
0xa8: {  	s5 =	sshll.u32 s28, $0x1;
	[dreg:$0x2] =	wrdreg s3  }
0xa9: {  	[dreg:$0x3] =	wrdreg s5  }
0xaa: {  	[dreg:$0x4] =	wrdreg $0xC0  }
0xab: {  	_ =	task [dreg:s7], $0x5FFFF  }
0xac: {  	[dreg:$0x1] =	wrdreg $0xFFFFFFFF  }
0xad: {  	[dreg:$0x0] =	wrdreg $0x60  }
0xae: {  	[dreg:$0x2] =	wrdreg s24  }
0xaf: {  	[dreg:$0x3] =	wrdreg s2  }
0xb0: {  	[dreg:$0x4] =	wrdreg $0x0  }
0xb1: {  	[dreg:$0x5] =	wrdreg $0x9  }
0xb2: {  	_ =	task.clear_ibuf [dreg:s7], $0x6FFFF;
	_ =	strace $0x90000049  }
0xb3: {  	s29 =	simm.s32 $0x9;
	_ =	strace $0x8000004B  }
0xb4: {  	_ =	swait.ge [sflag:s29], $0x1  }
0xb5: {  	[sflag:s29] =	ssyncadd.s32 $0xFFFFFFFF  }
0xb6: {  	_ =	strace $0x9000004B  }
0xb7: {  	_ =	sfence  }
0xb8: {  	s30 =	sld [smem:$0x0];
	_ =	sdelay $0x2  }
0xb9: {  	s31 =	sshll.u32 s1, $0xD;
	s1 =	sshrl.u32 s1, $0x2  }
0xba: {  	s3 =	sand.u32 $0x4000, s31;
	s1 =	sadd.s32 s1, s30  }
0xbb: {  	s0 =	sor.u32 s3, s0;
	s1 =	sshll.u32 s1, $0x11  }
0xbc: {  	s0 =	sor.u32 s1, s0  }
0xbd: {  	s0 =	sadd.s32 $0x8F2B, s0  }
0xbe: {  	[sflag:s0] =	ssyncadd.remote.s32 $0x1  }
0xbf: {  	_ =	sfence.sel $0xFFFF  }
0xc0: {  	[dreg:$0x0] =	wrdreg $0xFFFFFFFF;
	(pc) =	sbr.abs _section_cstart, $3  }
0xc1: {  	[dreg:$0x1] =	wrdreg $0xFFFFFFFF  }
0xc2: {  	_ =	task.clear_ibuf [dreg:s7], $0x2FFFF;
	_ =	strace $0x9FFFFFFF  }
0xc3: {  	(tm) =	ssettm $0x7FFFFFFF  }
tec
execute0_lowered:
.L_overlay_start_1:
0x0: {  	(tag) =	ssettag $0x1  }
0x1: {  	s0 =	rddreg [dreg:$0x0]  }
0x2: {  	s2 =	rddreg [dreg:$0x2];
	s4 =	simm.s32 $0x0  }
0x3: {  	s1 =	srdreg.scid;
	s20 =	stileid.u32;
	s28 =	simm.s32 $0x80  }
0x4: {  	s29 =	simm.s32 $0x1C080;
	s30 =	simm.s32 $0x1;
	s31 =	simm.s32 $0x1C100  }
0x5: {  	[smem:$0x7FF] =	sst s4;
	s1 =	sand.u32 $0x1, s1;
	s8 =	smul.u32 $0x50000, s20  }
0x6: {  	s5 =	sadd.s32 $0xD000, s0;
	s6 =	sadd.s32 $0x3000, s0;
	s13 =	smul.u32 $0x14000, s20  }
0x7: {  	s7 =	sadd.s32 $0x17000, s0;
	s0 =	sadd.s32 $0x3F000, s0;
	s23 =	smul.u32 $0x500, s20  }
0x8: {  	_ =	strace $0x8000004A;
	s3 =	ssub.s32 $0x2, s1;
	s12 =	sshll.u32 s1, $0x4  }
0x9: {  	s18 =	smul.u32 $0x140000, s1;
	s9 =	sshrl.u32 s3, $0x1;
	s8 =	sshrl.u32 s8, $0x2  }
0xa: {  	s14 =	sadd.s32 $0x4000, s13;
	s15 =	sor.u32 s20, s12;
	s16 =	sadd.s32 $0x8000, s13  }
0xb: {  	s17 =	sadd.s32 $0xC000, s13;
	s19 =	sadd.s32 $0x10000, s13;
	s3 =	ssub.s32 s3, s9  }
0xc: {  	s8 =	sadd.s32 s8, s2;
	s9 =	sadd.s32 s14, s2;
	s10 =	sadd.s32 s16, s2  }
0xd: {  	s11 =	sadd.s32 s17, s2;
	s12 =	sadd.s32 s19, s2;
	s13 =	sadd.s32 s13, s18  }
0xe: {  	s14 =	sadd.s32 s18, s14;
	s16 =	sadd.s32 s18, s16;
	s15 =	smul.u32 $0x500, s15  }
0xf: {  	s17 =	sadd.s32 s18, s17;
	s18 =	sadd.s32 s18, s19;
	s19 =	smul.u32 $0x5000, s1  }
0x10: {  	s13 =	sshrl.u32 s13, $0x3;
	s14 =	sshrl.u32 s14, $0x3;
	s21 =	smax.u32 s3, $0x1  }
0x11: {  	s16 =	sshrl.u32 s16, $0x3;
	s13 =	sadd.s32 s0, s13;
	[dreg:$0x9] =	wrdreg s21  }
0x12: {  	s3 =	simm.s32 $0x1C180;
	s14 =	sadd.s32 s0, s14;
	[dreg:$0x4] =	wrdreg s13  }
0x13: {  	s22 =	sor.u32 $0x10, s15;
	s24 =	sadd.s32 s5, s15;
	[dreg:$0x5] =	wrdreg s14  }
0x14: {  	s25 =	sadd.s32 s6, s15;
	s23 =	sadd.s32 s23, s19;
	[dreg:$0xa] =	wrdreg s24  }
0x15: {  	s15 =	simm.s32 $0x0;
	s13 =	sadd.s32 s0, s16;
	[dreg:$0xb] =	wrdreg s25  }
0x16: {  	s14 =	sshrl.u32 s18, $0x3;
	s26 =	sadd.s32 s5, s22;
	[dreg:$0x6] =	wrdreg s13  }
0x17: {  	s1 =	sadd.s32 s6, s22;
	s24 =	simm.s32 $0x14000;
	[dreg:$0xc] =	wrdreg s26  }
0x18: {  	s25 =	simm.s32 $0x5;
	s13 =	sshrl.u32 s17, $0x3;
	[dreg:$0xd] =	wrdreg s1  }
0x19: {  	s26 =	simm.s32 $0x1C000;
	s1 =	simm.s32 $0x2;
	s13 =	sadd.s32 s0, s13  }
0x1a: {  	s0 =	sadd.s32 s0, s14;
	s14 =	simm.s32 $0x4;
	[dreg:$0x7] =	wrdreg s13  }
0x1b: {  	[dreg:$0x8] =	wrdreg s0;
	s0 =	simm.s32 $0x18000;
	s13 =	simm.s32 $0x3  }
.LBB2_1:
0x1c: {  	s16 =	rddreg [dreg:$0x1]  }
0x1d: {  	[tilespmem:s24], [sflag:$0x5] =	stream.linear.gather [hbm4b:s16+s4], $0x4000, $0x38;
	[tilespmem:$0x1C200] =	vst v63  }
0x1e: {  	_ =	swait.ge [sflag:s25], $0x4000  }
0x1f: {  	[sflag:s25] =	ssyncset.done $0x0  }
0x20: {  	[sflag:s25] =	ssyncadd.s32 $0xFFFFC000  }
0x21: {  	[spmem:s8] =	stream.linear.scatter [tilespmem:s24], [sflag:$0x5], $0x4000, $0x38;
	[tilespmem:$0x1C200] =	vst v63  }
0x22: {  	_ =	swait.ge [sflag:s25], $0x4000  }
0x23: {  	[sflag:s25] =	ssyncset.done $0x0  }
0x24: {  	[sflag:s25] =	ssyncadd.s32 $0xFFFFC000  }
0x25: {  	[spmem:s9] =	stream.linear.scatter [tilespmem:s24], [sflag:$0x5], $0x4000, $0x38;
	[tilespmem:$0x1C200] =	vst v63  }
0x26: {  	_ =	swait.ge [sflag:s25], $0x4000  }
0x27: {  	[sflag:s25] =	ssyncset.done $0x0  }
0x28: {  	[sflag:s25] =	ssyncadd.s32 $0xFFFFC000  }
0x29: {  	[spmem:s10] =	stream.linear.scatter [tilespmem:s24], [sflag:$0x5], $0x4000, $0x38;
	[tilespmem:$0x1C200] =	vst v63  }
0x2a: {  	_ =	swait.ge [sflag:s25], $0x4000  }
0x2b: {  	[sflag:s25] =	ssyncset.done $0x0  }
0x2c: {  	[sflag:s25] =	ssyncadd.s32 $0xFFFFC000  }
0x2d: {  	[spmem:s11] =	stream.linear.scatter [tilespmem:s24], [sflag:$0x5], $0x4000, $0x38;
	[tilespmem:$0x1C200] =	vst v63  }
0x2e: {  	_ =	swait.ge [sflag:s25], $0x4000  }
0x2f: {  	[sflag:s25] =	ssyncset.done $0x0  }
0x30: {  	[sflag:s25] =	ssyncadd.s32 $0xFFFFC000  }
0x31: {  	[spmem:s12] =	stream.linear.scatter [tilespmem:s24], [sflag:$0x5], $0x4000, $0x38;
	[tilespmem:$0x1C200] =	vst v63  }
0x32: {  	_ =	swait.ge [sflag:s25], $0x4000  }
0x33: {  	[sflag:s25] =	ssyncset.done $0x0  }
0x34: {  	[sflag:s25] =	ssyncadd.s32 $0xFFFFC000  }
0x35: {  	[bflag:$0x0] =	sbarrier.arrive $0xFFFF  }
0x36: {  	s21 =	rddreg [dreg:$0xa]  }
0x37: {  	[tilespmem:s26], [sflag:$0x5] =	stream.linear.gather [hbm4b:s21+s4], $0x80, $0x38;
	[tilespmem:$0x1C200] =	vst v63  }
0x38: {  	_ =	swait.ge [sflag:s25], $0x80  }
0x39: {  	[sflag:s25] =	ssyncset.done $0x0  }
0x3a: {  	[sflag:s25] =	ssyncadd.s32 $0xFFFFFF80  }
0x3b: {  	[tilespmem:s24], [sflag:$0x1] =	stream.indirect.gather [hbm4b:s7+s28], $0x80, s26, s28, $0xb8;
	[tilespmem:$0x1C200] =	vst v63  }
0x3c: {  	s22 =	rddreg [dreg:$0xb]  }
0x3d: {  	[tilespmem:s29], [sflag:$0x5] =	stream.linear.gather [hbm4b:s22+s4], $0x80, $0x38;
	[tilespmem:$0x1C200] =	vst v63  }
0x3e: {  	_ =	swait.ge [sflag:s25], $0x80  }
0x3f: {  	[sflag:s25] =	ssyncset.done $0x0  }
0x40: {  	[sflag:s25] =	ssyncadd.s32 $0xFFFFFF80  }
0x41: {  	_ =	swait.ge [sflag:s30], $0x4000  }
0x42: {  	[sflag:s30] =	ssyncset.done $0x0  }
0x43: {  	[sflag:s30] =	ssyncadd.s32 $0xFFFFC000  }
0x44: {  	[spmem:s2] =	stream.indirect.scatter.add.f32 [tilespmem:s24], [sflag:$0x3], $0x80, s29, s28, $0xb8;
	[tilespmem:$0x1C200] =	vst v63  }
0x45: {  	s17 =	rddreg [dreg:$0xc]  }
0x46: {  	[tilespmem:s31], [sflag:$0x5] =	stream.linear.gather [hbm4b:s17+s4], $0x80, $0x38;
	[tilespmem:$0x1C200] =	vst v63  }
0x47: {  	_ =	swait.ge [sflag:s25], $0x80  }
0x48: {  	[sflag:s25] =	ssyncset.done $0x0  }
0x49: {  	[sflag:s25] =	ssyncadd.s32 $0xFFFFFF80  }
0x4a: {  	[tilespmem:s0], [sflag:$0x2] =	stream.indirect.gather [hbm4b:s7+s28], $0x80, s31, s28, $0xb8;
	[tilespmem:$0x1C200] =	vst v63  }
0x4b: {  	s18 =	rddreg [dreg:$0xd]  }
0x4c: {  	[tilespmem:s3], [sflag:$0x5] =	stream.linear.gather [hbm4b:s18+s4], $0x80, $0x38;
	[tilespmem:$0x1C200] =	vst v63  }
0x4d: {  	_ =	swait.ge [sflag:s25], $0x80  }
0x4e: {  	[sflag:s25] =	ssyncset.done $0x0  }
0x4f: {  	[sflag:s25] =	ssyncadd.s32 $0xFFFFFF80  }
0x50: {  	_ =	swait.ge [sflag:s1], $0x4000  }
0x51: {  	[sflag:s1] =	ssyncset.done $0x0  }
0x52: {  	s19 =	simm.s32 $0x20;
	s17 =	sadd.s32 $0x20, s23;
	[sflag:s1] =	ssyncadd.s32 $0xFFFFC000  }
0x53: {  	[spmem:s2] =	stream.indirect.scatter.add.f32 [tilespmem:s0], [sflag:$0x4], $0x80, s3, s28, $0xb8;
	[tilespmem:$0x1C200] =	vst v63  }
0x54: {  	s16 =	sand.u32 $0x60, s19;
	s17 =	sand.u32 $0xFFFFF80, s17;
	_ =	swait.ge [sflag:s13], $0x4000  }
0x55: {  	s16 =	sor.u32 s16, s17;
	[sflag:s13] =	ssyncset.done $0x0  }
0x56: {  	s17 =	sadd.s32 s5, s16;
	[sflag:s13] =	ssyncadd.s32 $0xFFFFC000  }
0x57: {  	[tilespmem:s26], [sflag:$0x5] =	stream.linear.gather [hbm4b:s17+s4], $0x80, $0x38;
	[tilespmem:$0x1C200] =	vst v63  }
0x58: {  	_ =	swait.ge [sflag:s25], $0x80  }
0x59: {  	[sflag:s25] =	ssyncset.done $0x0  }
0x5a: {  	[sflag:s25] =	ssyncadd.s32 $0xFFFFFF80  }
0x5b: {  	[tilespmem:s24], [sflag:$0x1] =	stream.indirect.gather [hbm4b:s7+s28], $0x80, s26, s28, $0xb8;
	[tilespmem:$0x1C200] =	vst v63  }
0x5c: {  	s20 =	sadd.s32 s6, s16  }
0x5d: {  	[tilespmem:s29], [sflag:$0x5] =	stream.linear.gather [hbm4b:s20+s4], $0x80, $0x38;
	[tilespmem:$0x1C200] =	vst v63  }
0x5e: {  	_ =	swait.ge [sflag:s25], $0x80  }
0x5f: {  	[sflag:s25] =	ssyncset.done $0x0  }
0x60: {  	[sflag:s25] =	ssyncadd.s32 $0xFFFFFF80  }
0x61: {  	_ =	swait.ge [sflag:s30], $0x4000  }
0x62: {  	[sflag:s30] =	ssyncset.done $0x0  }
0x63: {  	[sflag:s30] =	ssyncadd.s32 $0xFFFFC000  }
0x64: {  	[spmem:s2] =	stream.indirect.scatter.add.f32 [tilespmem:s24], [sflag:$0x3], $0x80, s29, s28, $0xb8;
	[tilespmem:$0x1C200] =	vst v63  }
0x65: {  	_ =	swait.ge [sflag:s14], $0x4000  }
0x66: {  	s16 =	sor.u32 $0x10, s16;
	[sflag:s14] =	ssyncset.done $0x0  }
0x67: {  	s21 =	sadd.s32 s5, s16;
	[sflag:s14] =	ssyncadd.s32 $0xFFFFC000  }
0x68: {  	[tilespmem:s31], [sflag:$0x5] =	stream.linear.gather [hbm4b:s21+s4], $0x80, $0x38;
	[tilespmem:$0x1C200] =	vst v63  }
0x69: {  	_ =	swait.ge [sflag:s25], $0x80  }
0x6a: {  	[sflag:s25] =	ssyncset.done $0x0  }
0x6b: {  	[sflag:s25] =	ssyncadd.s32 $0xFFFFFF80  }
0x6c: {  	[tilespmem:s0], [sflag:$0x2] =	stream.indirect.gather [hbm4b:s7+s28], $0x80, s31, s28, $0xb8;
	[tilespmem:$0x1C200] =	vst v63  }
0x6d: {  	s16 =	sadd.s32 s6, s16  }
0x6e: {  	[tilespmem:s3], [sflag:$0x5] =	stream.linear.gather [hbm4b:s16+s4], $0x80, $0x38;
	[tilespmem:$0x1C200] =	vst v63  }
0x6f: {  	_ =	swait.ge [sflag:s25], $0x80  }
0x70: {  	[sflag:s25] =	ssyncset.done $0x0  }
0x71: {  	[sflag:s25] =	ssyncadd.s32 $0xFFFFFF80  }
0x72: {  	_ =	swait.ge [sflag:s1], $0x4000  }
0x73: {  	s22 =	simm.s32 $0x40;
	s18 =	simm.s32 $0x60;
	[sflag:s1] =	ssyncset.done $0x0  }
0x74: {  	s20 =	sand.u32 $0x60, s22;
	s16 =	sadd.s32 $0x40, s23;
	[sflag:s1] =	ssyncadd.s32 $0xFFFFC000  }
.LBB2_2:
0x75: {  	[spmem:s2] =	stream.indirect.scatter.add.f32 [tilespmem:s0], [sflag:$0x4], $0x80, s3, s28, $0xb8;
	[tilespmem:$0x1C200] =	vst v63  }
0x76: {  	s17 =	smov.u32 s18  }
0x77: {  	s21 =	sand.u32 $0xFFFFF80, s16;
	s16 =	sadd.s32 s18, s23;
	_ =	swait.ge [sflag:s13], $0x4000  }
0x78: {  	s19 =	sadd.s32 $0x20, s18;
	s20 =	sor.u32 s20, s21;
	[sflag:s13] =	ssyncset.done $0x0  }
0x79: {  	s21 =	sadd.s32 s5, s20;
	s22 =	sor.u32 $0x10, s20;
	[sflag:s13] =	ssyncadd.s32 $0xFFFFC000  }
0x7a: {  	[tilespmem:s26], [sflag:$0x5] =	stream.linear.gather [hbm4b:s21+s4], $0x80, $0x38;
	[tilespmem:$0x1C200] =	vst v63  }
0x7b: {  	p0 =	sne.s32 s18, $0x4E0;
	_ =	swait.ge [sflag:s25], $0x80  }
0x7c: {  	[sflag:s25] =	ssyncset.done $0x0  }
0x7d: {  	[sflag:s25] =	ssyncadd.s32 $0xFFFFFF80  }
0x7e: {  	[tilespmem:s24], [sflag:$0x1] =	stream.indirect.gather [hbm4b:s7+s28], $0x80, s26, s28, $0xb8;
	[tilespmem:$0x1C200] =	vst v63  }
0x7f: {  	s18 =	sadd.s32 s6, s20  }
0x80: {  	[tilespmem:s29], [sflag:$0x5] =	stream.linear.gather [hbm4b:s18+s4], $0x80, $0x38;
	[tilespmem:$0x1C200] =	vst v63  }
0x81: {  	_ =	swait.ge [sflag:s25], $0x80  }
0x82: {  	[sflag:s25] =	ssyncset.done $0x0  }
0x83: {  	[sflag:s25] =	ssyncadd.s32 $0xFFFFFF80  }
0x84: {  	_ =	swait.ge [sflag:s30], $0x4000  }
0x85: {  	[sflag:s30] =	ssyncset.done $0x0  }
0x86: {  	[sflag:s30] =	ssyncadd.s32 $0xFFFFC000  }
0x87: {  	[spmem:s2] =	stream.indirect.scatter.add.f32 [tilespmem:s24], [sflag:$0x3], $0x80, s29, s28, $0xb8;
	[tilespmem:$0x1C200] =	vst v63  }
0x88: {  	_ =	swait.ge [sflag:s14], $0x4000  }
0x89: {  	[sflag:s14] =	ssyncset.done $0x0  }
0x8a: {  	s18 =	sadd.s32 s5, s22;
	[sflag:s14] =	ssyncadd.s32 $0xFFFFC000  }
0x8b: {  	[tilespmem:s31], [sflag:$0x5] =	stream.linear.gather [hbm4b:s18+s4], $0x80, $0x38;
	[tilespmem:$0x1C200] =	vst v63  }
0x8c: {  	_ =	swait.ge [sflag:s25], $0x80  }
0x8d: {  	[sflag:s25] =	ssyncset.done $0x0  }
0x8e: {  	[sflag:s25] =	ssyncadd.s32 $0xFFFFFF80  }
0x8f: {  	[tilespmem:s0], [sflag:$0x2] =	stream.indirect.gather [hbm4b:s7+s28], $0x80, s31, s28, $0xb8;
	[tilespmem:$0x1C200] =	vst v63  }
0x90: {  	s18 =	sadd.s32 s6, s22  }
0x91: {  	[tilespmem:s3], [sflag:$0x5] =	stream.linear.gather [hbm4b:s18+s4], $0x80, $0x38;
	[tilespmem:$0x1C200] =	vst v63  }
0x92: {  	_ =	swait.ge [sflag:s25], $0x80  }
.Ltmp0:
0x93: {  	[sflag:s25] =	ssyncset.done $0x0;
	(pc) =	sbr.rel @p0 .LBB2_2-.Ltmp0, $4  }
0x94: {  	[sflag:s25] =	ssyncadd.s32 $0xFFFFFF80  }
0x95: {  	_ =	swait.ge [sflag:s1], $0x4000  }
0x96: {  	[sflag:s1] =	ssyncset.done $0x0  }
0x97: {  	s20 =	sand.u32 $0x60, s17;
	s18 =	smov.u32 s19;
	[sflag:s1] =	ssyncadd.s32 $0xFFFFC000  }
0x98: {  	[spmem:s2] =	stream.indirect.scatter.add.f32 [tilespmem:s0], [sflag:$0x4], $0x80, s3, s28, $0xb8;
	[tilespmem:$0x1C200] =	vst v63  }
0x99: {  	s16 =	sand.u32 $0xFFFFF80, s16;
	_ =	swait.ge [sflag:s13], $0x4000  }
0x9a: {  	s16 =	sor.u32 s20, s16;
	[sflag:s13] =	ssyncset.done $0x0  }
0x9b: {  	s17 =	sadd.s32 s5, s16;
	[sflag:s13] =	ssyncadd.s32 $0xFFFFC000  }
0x9c: {  	[tilespmem:s26], [sflag:$0x5] =	stream.linear.gather [hbm4b:s17+s4], $0x80, $0x38;
	[tilespmem:$0x1C200] =	vst v63  }
0x9d: {  	_ =	swait.ge [sflag:s25], $0x80  }
0x9e: {  	[sflag:s25] =	ssyncset.done $0x0  }
0x9f: {  	[sflag:s25] =	ssyncadd.s32 $0xFFFFFF80  }
0xa0: {  	[tilespmem:s24], [sflag:$0x1] =	stream.indirect.gather [hbm4b:s7+s28], $0x80, s26, s28, $0xb8;
	[tilespmem:$0x1C200] =	vst v63  }
0xa1: {  	s21 =	sadd.s32 s6, s16  }
0xa2: {  	[tilespmem:s29], [sflag:$0x5] =	stream.linear.gather [hbm4b:s21+s4], $0x80, $0x38;
	[tilespmem:$0x1C200] =	vst v63  }
0xa3: {  	_ =	swait.ge [sflag:s25], $0x80  }
0xa4: {  	[sflag:s25] =	ssyncset.done $0x0  }
0xa5: {  	[sflag:s25] =	ssyncadd.s32 $0xFFFFFF80  }
0xa6: {  	_ =	swait.ge [sflag:s30], $0x4000  }
0xa7: {  	[sflag:s30] =	ssyncset.done $0x0  }
0xa8: {  	[sflag:s30] =	ssyncadd.s32 $0xFFFFC000  }
0xa9: {  	[spmem:s2] =	stream.indirect.scatter.add.f32 [tilespmem:s24], [sflag:$0x3], $0x80, s29, s28, $0xb8;
	[tilespmem:$0x1C200] =	vst v63  }
0xaa: {  	_ =	swait.ge [sflag:s14], $0x4000  }
0xab: {  	s16 =	sor.u32 $0x10, s16;
	[sflag:s14] =	ssyncset.done $0x0  }
0xac: {  	s22 =	sadd.s32 s5, s16;
	[sflag:s14] =	ssyncadd.s32 $0xFFFFC000  }
0xad: {  	[tilespmem:s31], [sflag:$0x5] =	stream.linear.gather [hbm4b:s22+s4], $0x80, $0x38;
	[tilespmem:$0x1C200] =	vst v63  }
0xae: {  	_ =	swait.ge [sflag:s25], $0x80  }
0xaf: {  	[sflag:s25] =	ssyncset.done $0x0  }
0xb0: {  	[sflag:s25] =	ssyncadd.s32 $0xFFFFFF80  }
0xb1: {  	[tilespmem:s0], [sflag:$0x2] =	stream.indirect.gather [hbm4b:s7+s28], $0x80, s31, s28, $0xb8;
	[tilespmem:$0x1C200] =	vst v63  }
0xb2: {  	s16 =	sadd.s32 s6, s16  }
0xb3: {  	[tilespmem:s3], [sflag:$0x5] =	stream.linear.gather [hbm4b:s16+s4], $0x80, $0x38;
	[tilespmem:$0x1C200] =	vst v63  }
0xb4: {  	_ =	swait.ge [sflag:s25], $0x80  }
0xb5: {  	[sflag:s25] =	ssyncset.done $0x0  }
0xb6: {  	[sflag:s25] =	ssyncadd.s32 $0xFFFFFF80  }
0xb7: {  	_ =	swait.ge [sflag:s1], $0x4000  }
0xb8: {  	[sflag:s1] =	ssyncset.done $0x0  }
0xb9: {  	[sflag:s1] =	ssyncadd.s32 $0xFFFFC000  }
0xba: {  	[spmem:s2] =	stream.indirect.scatter.add.f32 [tilespmem:s0], [sflag:$0x4], $0x80, s3, s28, $0xb8;
	[tilespmem:$0x1C200] =	vst v63  }
0xbb: {  	_ =	swait.ge [sflag:s13], $0x4000  }
0xbc: {  	[sflag:s13] =	ssyncset.done $0x0  }
0xbd: {  	[sflag:s13] =	ssyncadd.s32 $0xFFFFC000  }
0xbe: {  	_ =	swait.ge [sflag:s14], $0x4000  }
0xbf: {  	[sflag:s14] =	ssyncset.done $0x0  }
0xc0: {  	[sflag:s14] =	ssyncadd.s32 $0xFFFFC000  }
0xc1: {  	[bflag:$0x0] =	sbarrier.arrive $0xFFFF  }
0xc2: {  	[tilespmem:s24], [sflag:$0x5] =	stream.linear.gather [spmem:s8], $0x4000, $0x38;
	[tilespmem:$0x1C200] =	vst v63  }
0xc3: {  	_ =	swait.ge [sflag:s25], $0x4000  }
0xc4: {  	[sflag:s25] =	ssyncset.done $0x0  }
0xc5: {  	s17 =	rddreg [dreg:$0x4];
	[sflag:s25] =	ssyncadd.s32 $0xFFFFC000  }
0xc6: {  	[hbm4b:s17+s4] =	stream.linear.scatter [tilespmem:s24], [sflag:$0x5], $0x4000, $0x38;
	[tilespmem:$0x1C200] =	vst v63  }
0xc7: {  	_ =	swait.ge [sflag:s25], $0x4000  }
0xc8: {  	[sflag:s25] =	ssyncset.done $0x0  }
0xc9: {  	[sflag:s25] =	ssyncadd.s32 $0xFFFFC000  }
0xca: {  	[tilespmem:s24], [sflag:$0x5] =	stream.linear.gather [spmem:s9], $0x4000, $0x38;
	[tilespmem:$0x1C200] =	vst v63  }
0xcb: {  	_ =	swait.ge [sflag:s25], $0x4000  }
0xcc: {  	[sflag:s25] =	ssyncset.done $0x0  }
0xcd: {  	s18 =	rddreg [dreg:$0x5];
	[sflag:s25] =	ssyncadd.s32 $0xFFFFC000  }
0xce: {  	[hbm4b:s18+s4] =	stream.linear.scatter [tilespmem:s24], [sflag:$0x5], $0x4000, $0x38;
	[tilespmem:$0x1C200] =	vst v63  }
0xcf: {  	_ =	swait.ge [sflag:s25], $0x4000  }
0xd0: {  	[sflag:s25] =	ssyncset.done $0x0  }
0xd1: {  	[sflag:s25] =	ssyncadd.s32 $0xFFFFC000  }
0xd2: {  	[tilespmem:s24], [sflag:$0x5] =	stream.linear.gather [spmem:s10], $0x4000, $0x38;
	[tilespmem:$0x1C200] =	vst v63  }
0xd3: {  	_ =	swait.ge [sflag:s25], $0x4000  }
0xd4: {  	[sflag:s25] =	ssyncset.done $0x0  }
0xd5: {  	s19 =	rddreg [dreg:$0x6];
	[sflag:s25] =	ssyncadd.s32 $0xFFFFC000  }
0xd6: {  	[hbm4b:s19+s4] =	stream.linear.scatter [tilespmem:s24], [sflag:$0x5], $0x4000, $0x38;
	[tilespmem:$0x1C200] =	vst v63  }
0xd7: {  	_ =	swait.ge [sflag:s25], $0x4000  }
0xd8: {  	[sflag:s25] =	ssyncset.done $0x0  }
0xd9: {  	[sflag:s25] =	ssyncadd.s32 $0xFFFFC000  }
0xda: {  	[tilespmem:s24], [sflag:$0x5] =	stream.linear.gather [spmem:s11], $0x4000, $0x38;
	[tilespmem:$0x1C200] =	vst v63  }
0xdb: {  	_ =	swait.ge [sflag:s25], $0x4000  }
0xdc: {  	[sflag:s25] =	ssyncset.done $0x0  }
0xdd: {  	s20 =	rddreg [dreg:$0x7];
	[sflag:s25] =	ssyncadd.s32 $0xFFFFC000  }
0xde: {  	[hbm4b:s20+s4] =	stream.linear.scatter [tilespmem:s24], [sflag:$0x5], $0x4000, $0x38;
	[tilespmem:$0x1C200] =	vst v63  }
0xdf: {  	_ =	swait.ge [sflag:s25], $0x4000  }
0xe0: {  	[sflag:s25] =	ssyncset.done $0x0  }
0xe1: {  	[sflag:s25] =	ssyncadd.s32 $0xFFFFC000  }
0xe2: {  	[tilespmem:s24], [sflag:$0x5] =	stream.linear.gather [spmem:s12], $0x4000, $0x38;
	[tilespmem:$0x1C200] =	vst v63  }
0xe3: {  	_ =	swait.ge [sflag:s25], $0x4000  }
0xe4: {  	[sflag:s25] =	ssyncset.done $0x0  }
0xe5: {  	s21 =	rddreg [dreg:$0x8];
	[sflag:s25] =	ssyncadd.s32 $0xFFFFC000  }
0xe6: {  	[hbm4b:s21+s4] =	stream.linear.scatter [tilespmem:s24], [sflag:$0x5], $0x4000, $0x38;
	[tilespmem:$0x1C200] =	vst v63  }
0xe7: {  	_ =	swait.ge [sflag:s25], $0x4000  }
0xe8: {  	s15 =	sadd.s32 $0x1, s15;
	s22 =	rddreg [dreg:$0x9]  }
0xe9: {  	p0 =	sne.s32 s15, s22  }
.Ltmp1:
0xea: {  	_ = 	snop;
	(pc) =	sbr.rel @p0 .LBB2_1-.Ltmp1, $3  }
0xeb: {  	_ =	sdelay $0x1  }
0xec: {  	[sflag:s25] =	ssyncset.done $0x0  }
0xed: {  	[sflag:s25] =	ssyncadd.s32 $0xFFFFC000  }
0xee: {  	_ =	sfence.sel $0x180000  }
0xef: {  	[bflag:$0x0] =	sbarrier.arrive $0xFFFF  }
0xf0: {  	_ =	strace $0x9000004A  }
0xf1: {  	s0 =	stileid.u32;
	[bflag:$0x2] =	sbarrier.arrive $0xFFFF  }
0xf2: {  	p0 =	sne.s32 s0, $0x0;
	s0 =	rddreg [dreg:$0x3]  }
0xf3: {  	s0 =	sadd.s32 @!p0 $0x100000, s0  }
0xf4: {  	[sflag:s0] =	ssyncadd.tile.s32 @!p0 $0x1;
	_ =	shalt  }
.Lfunc_end2:
_tile_overlayer_lowered:
.L_overlay_start_2:
0xf5: {  	(tag) =	ssettag $0x2  }
0xf6: {  	s0 =	rddreg [dreg:$0x0];
	s2 =	stileid.u32  }
0xf7: {  	s1 =	rddreg [dreg:$0x1];
	p0 =	sne.s32 s2, $0x0  }
0xf8: {  	s3 =	rddreg [dreg:$0x2];
	[bflag:$0x3] =	sbarrier.arrive $0xFFFF;
	s2 =	simm.s32 @!p0 $0x1C05  }
0xf9: {  	[timem:s3], [sflag:s2] =	dma.local @!p0 [hbm:s0], s1  }
0xfa: {  	s0 =	simm.s32 @!p0 $0x5  }
0xfb: {  	_ =	swait.ge @!p0 [sflag:s0], s1  }
0xfc: {  	s1 =	ssub.s32 @!p0 $0x0, s1;
	[sflag:s0] =	ssyncset.done @!p0 $0x0  }
0xfd: {  	[sflag:s0] =	ssyncadd.s32 @!p0 s1  }
0xfe: {  	[bflag:$0x3] =	sbarrier.arrive $0xFFFF  }
0xff: {  	_ =	shalt  }

// kernel: kernel.15.cloned.1.call-start
scs
__scs_entry_jumppad:
0x0: {  	(pc) =	sbr.rel $0x88, $3  }
0x1: {  	(tag) =	ssettag $0x0;
	lr =	simm.s32 $0x1  }
0x2: {  	[smem:$0x3F95] =	sst lr;
	_ =	strace $0xD0000000  }
0x3: {  	_ = 	snop  }
0x4: {  	_ = 	snop  }
0x5: {  	_ = 	snop  }
0x6: {  	_ = 	snop  }
0x7: {  	_ = 	snop  }
__scs_overlays_trampoline_lowered:
0x8: {  	[smem:$0x3FA4] =	sst s0  }
0x9: {  	[smem:$0x3FA5] =	sst s1  }
0xa: {  	[smem:$0x3FA6] =	sst s2  }
0xb: {  	[smem:$0x3FA7] =	sst s3  }
0xc: {  	[smem:$0x3FA8] =	sst s4  }
0xd: {  	[smem:$0x3FA9] =	sst s5  }
0xe: {  	[smem:$0x3FAA] =	sst s6  }
0xf: {  	[smem:$0x3FAB] =	sst s7  }
0x10: {  	[smem:$0x3FAC] =	sst s8  }
0x11: {  	[smem:$0x3FAD] =	sst s9;
	s0 =	simm.s32 @!p0 $0x0  }
0x12: {  	s1 =	sld [smem:$0x3F93];
	s0 =	simm.s32 @p0 $0x1  }
0x13: {  	[smem:$0x3FAE] =	sst s0;
	s0 =	simm.s32 @!p1 $0x0  }
0x14: {  	s2 =	sld [smem:$0x3F92];
	s0 =	simm.s32 @p1 $0x1  }
0x15: {  	[smem:$0x3FAF] =	sst s0;
	s0 =	simm.s32 @!p2 $0x0  }
0x16: {  	s3 =	sld [smem:$0x3FDB];
	s0 =	simm.s32 @p2 $0x1  }
0x17: {  	s4 =	simm.s32 $0x1BF5;
	[smem:$0x3FB1] =	sst s0  }
0x18: {  	s0 =	sld [smem:$0x3F94];
	_ =	swait.ge [sflag:s4], $0x0  }
0x19: {  	s7 =	sld [smem:$0x3F95]  }
0x1a: {  	s8 =	sadd.s32 $0xFFFFE003, lr  }
0x1b: {  	s9 =	sadd.s32 $0xFFFFFEF7, lr;
	s5 =	simm.s32 $0xFFFFFFFF;
	p2 =	slt.u32 s8, $0xFFFFF086  }
0x1c: {  	p1 =	slt.u32 s9, $0xF7A;
	s5 =	simm.s32 @!p2 $0x0  }
0x1d: {  	s5 =	simm.s32 @p1 $0x1;
	p0 =	seq.s32 s7, s2  }
0x1e: {  	s7 =	smul.u32 @!p0 $0xF7A, s2;
	p2 =	seq.s32 @!p0 s5, $0x0  }
0x1f: {  	s9 =	smul.u32 $0xF7A, s1;
	s8 =	simm.s32 @!p0 $0x1BF5;
	p2 =	por !p2, p0  }
0x20: {  	[sflag:s8] =	ssyncset.s32 @!p0 $0xFFFFF086;
	s6 =	sadd.s32 @!p0 s3, s7;
	s7 =	simm.s32 @!p0 $0x108  }
0x21: {  	s3 =	sadd.s32 s3, s9;
	s6 =	sadd.s32 @!p0 $0x88, s6;
	s7 =	simm.s32 @p2 $0x1082  }
0x22: {  	[simem:s7], [sflag:s8] =	dma.local @!p0 [hbm:s6], $0xF7A  }
0x23: {  	s9 =	sor.u32 $0xD0000000, s2;
	s6 =	simm.s32 $0x108;
	_ =	swait.ge @!p0 [sflag:s8], $0x0  }
0x24: {  	s3 =	sadd.s32 $0x88, s3;
	s6 =	simm.s32 @!p1 $0x1082;
	[sflag:s4] =	ssyncset.s32 $0xFFFFF086  }
0x25: {  	[simem:s6], [sflag:s4] =	dma.local [hbm:s3], $0xF7A  }
0x26: {  	[smem:$0x3F95] =	sst s1;
	(tag) =	ssettag s2;
	_ =	strace s9  }
0x27: {  	s1 =	sld [smem:$0x3FA5]  }
0x28: {  	s2 =	sld [smem:$0x3FA6]  }
0x29: {  	s4 =	sld [smem:$0x3FA8]  }
0x2a: {  	p0 =	seq.s32 s5, $0x0;
	s5 =	sld [smem:$0x3FA9]  }
0x2b: {  	s6 =	sld [smem:$0x3FAA]  }
0x2c: {  	s7 =	sld [smem:$0x3FAB]  }
0x2d: {  	s3 =	simm.s32 $0x108;
	s8 =	sld [smem:$0x3FAC]  }
0x2e: {  	s3 =	simm.s32 @!p0 $0x1082;
	s9 =	sld [smem:$0x3FAD]  }
0x2f: {  	lr =	sadd.s32 s0, s3;
	s0 =	sld [smem:$0x3FA4]  }
0x30: {  	s3 =	sld [smem:$0x3FA7]  }
0x31: {  	[smem:$0x3FB0] =	sst s10  }
0x32: {  	s10 =	sld [smem:$0x3FAE];
	_ =	sdelay $0x3  }
0x33: {  	p0 =	seq.s32 s10, $0x1;
	s10 =	sld [smem:$0x3FB0];
	_ =	sdelay $0x3  }
0x34: {  	[smem:$0x3FB0] =	sst s10  }
0x35: {  	s10 =	sld [smem:$0x3FAF];
	_ =	sdelay $0x3  }
0x36: {  	p1 =	seq.s32 s10, $0x1;
	s10 =	sld [smem:$0x3FB0];
	_ =	sdelay $0x3  }
0x37: {  	[smem:$0x3FB0] =	sst s10  }
0x38: {  	s10 =	sld [smem:$0x3FB1]  }
0x39: {  	_ = 	snop;
	(pc) =	sbr.ind lr, $3  }
0x3a: {  	_ = 	snop  }
0x3b: {  	_ = 	snop  }
0x3c: {  	p2 =	seq.s32 s10, $0x1;
	s10 =	sld [smem:$0x3FB0]  }
0x3d: {  	_ =	shalt  }
0x3e: {  	_ =	shalt  }
0x3f: {  	_ =	shalt  }
0x40: {  	_ =	shalt  }
0x41: {  	_ =	shalt  }
0x42: {  	_ =	shalt  }
0x43: {  	_ =	shalt  }
0x44: {  	_ =	shalt  }
0x45: {  	_ =	shalt  }
0x46: {  	_ =	shalt  }
0x47: {  	_ =	shalt  }
0x48: {  	_ =	shalt  }
0x49: {  	_ =	shalt  }
0x4a: {  	_ =	shalt  }
0x4b: {  	_ =	shalt  }
0x4c: {  	_ =	shalt  }
0x4d: {  	_ =	shalt  }
0x4e: {  	_ =	shalt  }
0x4f: {  	_ =	shalt  }
0x50: {  	_ =	shalt  }
0x51: {  	_ =	shalt  }
0x52: {  	_ =	shalt  }
0x53: {  	_ =	shalt  }
0x54: {  	_ =	shalt  }
0x55: {  	_ =	shalt  }
0x56: {  	_ =	shalt  }
0x57: {  	_ =	shalt  }
0x58: {  	_ =	shalt  }
0x59: {  	_ =	shalt  }
0x5a: {  	_ =	shalt  }
0x5b: {  	_ =	shalt  }
0x5c: {  	_ =	shalt  }
0x5d: {  	_ =	shalt  }
0x5e: {  	_ =	shalt  }
0x5f: {  	_ =	shalt  }
0x60: {  	_ =	shalt  }
0x61: {  	_ =	shalt  }
0x62: {  	_ =	shalt  }
0x63: {  	_ =	shalt  }
0x64: {  	_ =	shalt  }
0x65: {  	_ =	shalt  }
0x66: {  	_ =	shalt  }
0x67: {  	_ =	shalt  }
0x68: {  	_ =	shalt  }
0x69: {  	_ =	shalt  }
0x6a: {  	_ =	shalt  }
0x6b: {  	_ =	shalt  }
0x6c: {  	_ =	shalt  }
0x6d: {  	_ =	shalt  }
0x6e: {  	_ =	shalt  }
0x6f: {  	_ =	shalt  }
0x70: {  	_ =	shalt  }
0x71: {  	_ =	shalt  }
0x72: {  	_ =	shalt  }
0x73: {  	_ =	shalt  }
0x74: {  	_ =	shalt  }
0x75: {  	_ =	shalt  }
0x76: {  	_ =	shalt  }
0x77: {  	_ =	shalt  }
0x78: {  	_ =	shalt  }
0x79: {  	_ =	shalt  }
0x7a: {  	_ =	shalt  }
0x7b: {  	_ =	shalt  }
0x7c: {  	_ =	shalt  }
0x7d: {  	_ =	shalt  }
0x7e: {  	_ =	shalt  }
0x7f: {  	_ =	shalt  }
0x80: {  	_ =	shalt  }
0x81: {  	_ =	shalt  }
0x82: {  	_ =	shalt  }
0x83: {  	_ =	shalt  }
0x84: {  	_ =	shalt  }
0x85: {  	_ =	shalt  }
0x86: {  	_ =	shalt  }
0x87: {  	_ =	shalt  }
.Lfunc_end0:
.L_simem_size_0:
called_computation.2_lowered:
.L_overlay_start_0:
0x88: {  	s2 =	sld [smem:$0x3FD9]  }
0x89: {  	s3 =	sld [smem:$0x3FFE];
	_ =	sdelay $0x1  }
0x8a: {  	s1 =	srdreg.scid  }
0x8b: {  	s0 =	sand.u32 $0x1, s1  }
0x8c: {  	s17 =	sshll.u32 s0, $0xA;
	s2 =	sadd.s32 s3, s2  }
0x8d: {  	s2 =	sadd.s32 s2, s17  }
0x8e: {  	[smem:$0x3FBC] =	sst s2  }
0x8f: {  	_ = 	snop  }
0x90: {  	s2 =	sld [smem:$0x3FD0];
	(tm) =	ssettm $0x1  }
0x91: {  	s18 =	sld [smem:$0x3FFB];
	_ =	sdelay $0x3  }
0x92: {  	_ =	strace s18  }
0x93: {  	s3 =	sld [smem:$0x3FFC];
	_ =	sdelay $0x3  }
0x94: {  	_ =	strace s3  }
0x95: {  	s3 =	sld [smem:$0x3FFD];
	_ =	sdelay $0x3  }
0x96: {  	_ =	strace s3  }
0x97: {  	_ =	strace $0x8FFFFFFF  }
0x98: {  	s19 =	sld [smem:$0x3FDB];
	_ =	sdelay $0x1  }
0x99: {  	s4 =	simm.s32 $_scs_section_size  }
0x9a: {  	s5 =	simm.s32 $_size__tile_overlayer_lowered;
	s6 =	simm.s32 $_tile_overlayer_lowered  }
0x9b: {  	s22 =	simm.s32 $0x1BFF;
	s21 =	sshll.u32 s6, $0x1;
	s3 =	sadd.s32 s4, s19  }
0x9c: {  	s7 =	simm.s32 $0x0;
	s20 =	sshll.u32 s5, $0x1;
	s5 =	sadd.s32 s21, s3  }
0x9d: {  	[timem:s7], [sflag:s22] =	dma.local [hbm:s5], s20  }
0x9e: {  	_ =	swait.ge [sflag:s22], s20  }
0x9f: {  	s4 =	ssub.s32 $0x0, s20;
	[sflag:s22] =	ssyncset.done $0x0  }
0xa0: {  	[sflag:s22] =	ssyncadd.s32 s4;
	_ =	sdelay $0x1  }
0xa1: {  	s23 =	simm.s32 $0x1B8B  }
0xa2: {  	_ =	swait.ge [sflag:s23], $0x1  }
0xa3: {  	[sflag:s23] =	ssyncset.done $0x0  }
0xa4: {  	s25 =	simm.s32 $0x1B8E;
	s24 =	sld [smem:$0x3FFE];
	[sflag:s23] =	ssyncadd.s32 $0xFFFFFFFF  }
0xa5: {  	s26 =	simm.s32 $execute0_lowered;
	[smem:$0x3FD2] =	sst s25  }
0xa6: {  	s5 =	sshll.u32 s26, $0x1;
	_ =	strace $0x8000004C;
	[dreg:$0x1] =	wrdreg $0xFFFFFFFF  }
0xa7: {  	s28 =	simm.s32 $_size_execute0_lowered;
	s3 =	sadd.s32 s3, s5;
	[dreg:$0x0] =	wrdreg $0x0  }
0xa8: {  	s5 =	sshll.u32 s28, $0x1;
	[dreg:$0x2] =	wrdreg s3  }
0xa9: {  	[dreg:$0x3] =	wrdreg s5  }
0xaa: {  	[dreg:$0x4] =	wrdreg $0xC0  }
0xab: {  	_ =	task [dreg:s7], $0x5FFFF  }
0xac: {  	[dreg:$0x1] =	wrdreg $0xFFFFFFFF  }
0xad: {  	[dreg:$0x0] =	wrdreg $0x60  }
0xae: {  	[dreg:$0x2] =	wrdreg s24  }
0xaf: {  	[dreg:$0x3] =	wrdreg s2  }
0xb0: {  	[dreg:$0x4] =	wrdreg $0x0  }
0xb1: {  	[dreg:$0x5] =	wrdreg $0x9  }
0xb2: {  	_ =	task.clear_ibuf [dreg:s7], $0x6FFFF;
	_ =	strace $0x9000004C  }
0xb3: {  	s29 =	simm.s32 $0x9;
	_ =	strace $0x8000004E  }
0xb4: {  	_ =	swait.ge [sflag:s29], $0x1  }
0xb5: {  	[sflag:s29] =	ssyncadd.s32 $0xFFFFFFFF  }
0xb6: {  	_ =	strace $0x9000004E  }
0xb7: {  	_ =	sfence  }
0xb8: {  	s30 =	sld [smem:$0x0];
	_ =	sdelay $0x2  }
0xb9: {  	s31 =	sshll.u32 s1, $0xD;
	s1 =	sshrl.u32 s1, $0x2  }
0xba: {  	s3 =	sand.u32 $0x4000, s31;
	s1 =	sadd.s32 s1, s30  }
0xbb: {  	s0 =	sor.u32 s3, s0;
	s1 =	sshll.u32 s1, $0x11  }
0xbc: {  	s0 =	sor.u32 s1, s0  }
0xbd: {  	s0 =	sadd.s32 $0x8F2B, s0  }
0xbe: {  	[sflag:s0] =	ssyncadd.remote.s32 $0x1  }
0xbf: {  	_ =	sfence.sel $0xFFFF  }
0xc0: {  	[dreg:$0x0] =	wrdreg $0xFFFFFFFF;
	(pc) =	sbr.abs _section_cstart, $3  }
0xc1: {  	[dreg:$0x1] =	wrdreg $0xFFFFFFFF  }
0xc2: {  	_ =	task.clear_ibuf [dreg:s7], $0x2FFFF;
	_ =	strace $0x9FFFFFFF  }
0xc3: {  	(tm) =	ssettm $0x7FFFFFFF  }
tec
execute0_lowered:
.L_overlay_start_1:
0x0: {  	(tag) =	ssettag $0x1  }
0x1: {  	s0 =	rddreg [dreg:$0x0]  }
0x2: {  	s2 =	rddreg [dreg:$0x2];
	s4 =	simm.s32 $0x0  }
0x3: {  	s1 =	srdreg.scid;
	s20 =	stileid.u32;
	s28 =	simm.s32 $0x80  }
0x4: {  	s29 =	simm.s32 $0x1C080;
	s30 =	simm.s32 $0x1;
	s31 =	simm.s32 $0x1C100  }
0x5: {  	[smem:$0x7FF] =	sst s4;
	s1 =	sand.u32 $0x1, s1;
	s8 =	smul.u32 $0x50000, s20  }
0x6: {  	s5 =	sadd.s32 $0xD000, s0;
	s6 =	sadd.s32 $0x3000, s0;
	s13 =	smul.u32 $0x14000, s20  }
0x7: {  	s7 =	sadd.s32 $0x17000, s0;
	s0 =	sadd.s32 $0x3F000, s0;
	s23 =	smul.u32 $0x500, s20  }
0x8: {  	_ =	strace $0x8000004D;
	s3 =	ssub.s32 $0x2, s1;
	s12 =	sshll.u32 s1, $0x4  }
0x9: {  	s18 =	smul.u32 $0x140000, s1;
	s9 =	sshrl.u32 s3, $0x1;
	s8 =	sshrl.u32 s8, $0x2  }
0xa: {  	s14 =	sadd.s32 $0x4000, s13;
	s15 =	sor.u32 s20, s12;
	s16 =	sadd.s32 $0x8000, s13  }
0xb: {  	s17 =	sadd.s32 $0xC000, s13;
	s19 =	sadd.s32 $0x10000, s13;
	s3 =	ssub.s32 s3, s9  }
0xc: {  	s8 =	sadd.s32 s8, s2;
	s9 =	sadd.s32 s14, s2;
	s10 =	sadd.s32 s16, s2  }
0xd: {  	s11 =	sadd.s32 s17, s2;
	s12 =	sadd.s32 s19, s2;
	s13 =	sadd.s32 s13, s18  }
0xe: {  	s14 =	sadd.s32 s18, s14;
	s16 =	sadd.s32 s18, s16;
	s15 =	smul.u32 $0x500, s15  }
0xf: {  	s17 =	sadd.s32 s18, s17;
	s18 =	sadd.s32 s18, s19;
	s19 =	smul.u32 $0x5000, s1  }
0x10: {  	s13 =	sshrl.u32 s13, $0x3;
	s14 =	sshrl.u32 s14, $0x3;
	s21 =	smax.u32 s3, $0x1  }
0x11: {  	s16 =	sshrl.u32 s16, $0x3;
	s13 =	sadd.s32 s0, s13;
	[dreg:$0x9] =	wrdreg s21  }
0x12: {  	s3 =	simm.s32 $0x1C180;
	s14 =	sadd.s32 s0, s14;
	[dreg:$0x4] =	wrdreg s13  }
0x13: {  	s22 =	sor.u32 $0x10, s15;
	s24 =	sadd.s32 s5, s15;
	[dreg:$0x5] =	wrdreg s14  }
0x14: {  	s25 =	sadd.s32 s6, s15;
	s23 =	sadd.s32 s23, s19;
	[dreg:$0xa] =	wrdreg s24  }
0x15: {  	s15 =	simm.s32 $0x0;
	s13 =	sadd.s32 s0, s16;
	[dreg:$0xb] =	wrdreg s25  }
0x16: {  	s14 =	sshrl.u32 s18, $0x3;
	s26 =	sadd.s32 s5, s22;
	[dreg:$0x6] =	wrdreg s13  }
0x17: {  	s1 =	sadd.s32 s6, s22;
	s24 =	simm.s32 $0x14000;
	[dreg:$0xc] =	wrdreg s26  }
0x18: {  	s25 =	simm.s32 $0x5;
	s13 =	sshrl.u32 s17, $0x3;
	[dreg:$0xd] =	wrdreg s1  }
0x19: {  	s26 =	simm.s32 $0x1C000;
	s1 =	simm.s32 $0x2;
	s13 =	sadd.s32 s0, s13  }
0x1a: {  	s0 =	sadd.s32 s0, s14;
	s14 =	simm.s32 $0x4;
	[dreg:$0x7] =	wrdreg s13  }
0x1b: {  	[dreg:$0x8] =	wrdreg s0;
	s0 =	simm.s32 $0x18000;
	s13 =	simm.s32 $0x3  }
.LBB2_1:
0x1c: {  	s16 =	rddreg [dreg:$0x1]  }
0x1d: {  	[tilespmem:s24], [sflag:$0x5] =	stream.linear.gather [hbm4b:s16+s4], $0x4000, $0x38;
	[tilespmem:$0x1C200] =	vst v63  }
0x1e: {  	_ =	swait.ge [sflag:s25], $0x4000  }
0x1f: {  	[sflag:s25] =	ssyncset.done $0x0  }
0x20: {  	[sflag:s25] =	ssyncadd.s32 $0xFFFFC000  }
0x21: {  	[spmem:s8] =	stream.linear.scatter [tilespmem:s24], [sflag:$0x5], $0x4000, $0x38;
	[tilespmem:$0x1C200] =	vst v63  }
0x22: {  	_ =	swait.ge [sflag:s25], $0x4000  }
0x23: {  	[sflag:s25] =	ssyncset.done $0x0  }
0x24: {  	[sflag:s25] =	ssyncadd.s32 $0xFFFFC000  }
0x25: {  	[spmem:s9] =	stream.linear.scatter [tilespmem:s24], [sflag:$0x5], $0x4000, $0x38;
	[tilespmem:$0x1C200] =	vst v63  }
0x26: {  	_ =	swait.ge [sflag:s25], $0x4000  }
0x27: {  	[sflag:s25] =	ssyncset.done $0x0  }
0x28: {  	[sflag:s25] =	ssyncadd.s32 $0xFFFFC000  }
0x29: {  	[spmem:s10] =	stream.linear.scatter [tilespmem:s24], [sflag:$0x5], $0x4000, $0x38;
	[tilespmem:$0x1C200] =	vst v63  }
0x2a: {  	_ =	swait.ge [sflag:s25], $0x4000  }
0x2b: {  	[sflag:s25] =	ssyncset.done $0x0  }
0x2c: {  	[sflag:s25] =	ssyncadd.s32 $0xFFFFC000  }
0x2d: {  	[spmem:s11] =	stream.linear.scatter [tilespmem:s24], [sflag:$0x5], $0x4000, $0x38;
	[tilespmem:$0x1C200] =	vst v63  }
0x2e: {  	_ =	swait.ge [sflag:s25], $0x4000  }
0x2f: {  	[sflag:s25] =	ssyncset.done $0x0  }
0x30: {  	[sflag:s25] =	ssyncadd.s32 $0xFFFFC000  }
0x31: {  	[spmem:s12] =	stream.linear.scatter [tilespmem:s24], [sflag:$0x5], $0x4000, $0x38;
	[tilespmem:$0x1C200] =	vst v63  }
0x32: {  	_ =	swait.ge [sflag:s25], $0x4000  }
0x33: {  	[sflag:s25] =	ssyncset.done $0x0  }
0x34: {  	[sflag:s25] =	ssyncadd.s32 $0xFFFFC000  }
0x35: {  	[bflag:$0x0] =	sbarrier.arrive $0xFFFF  }
0x36: {  	s21 =	rddreg [dreg:$0xa]  }
0x37: {  	[tilespmem:s26], [sflag:$0x5] =	stream.linear.gather [hbm4b:s21+s4], $0x80, $0x38;
	[tilespmem:$0x1C200] =	vst v63  }
0x38: {  	_ =	swait.ge [sflag:s25], $0x80  }
0x39: {  	[sflag:s25] =	ssyncset.done $0x0  }
0x3a: {  	[sflag:s25] =	ssyncadd.s32 $0xFFFFFF80  }
0x3b: {  	[tilespmem:s24], [sflag:$0x1] =	stream.indirect.gather [hbm4b:s7+s28], $0x80, s26, s28, $0xb8;
	[tilespmem:$0x1C200] =	vst v63  }
0x3c: {  	s22 =	rddreg [dreg:$0xb]  }
0x3d: {  	[tilespmem:s29], [sflag:$0x5] =	stream.linear.gather [hbm4b:s22+s4], $0x80, $0x38;
	[tilespmem:$0x1C200] =	vst v63  }
0x3e: {  	_ =	swait.ge [sflag:s25], $0x80  }
0x3f: {  	[sflag:s25] =	ssyncset.done $0x0  }
0x40: {  	[sflag:s25] =	ssyncadd.s32 $0xFFFFFF80  }
0x41: {  	_ =	swait.ge [sflag:s30], $0x4000  }
0x42: {  	[sflag:s30] =	ssyncset.done $0x0  }
0x43: {  	[sflag:s30] =	ssyncadd.s32 $0xFFFFC000  }
0x44: {  	[spmem:s2] =	stream.indirect.scatter.add.f32 [tilespmem:s24], [sflag:$0x3], $0x80, s29, s28, $0xb8;
	[tilespmem:$0x1C200] =	vst v63  }
0x45: {  	s17 =	rddreg [dreg:$0xc]  }
0x46: {  	[tilespmem:s31], [sflag:$0x5] =	stream.linear.gather [hbm4b:s17+s4], $0x80, $0x38;
	[tilespmem:$0x1C200] =	vst v63  }
0x47: {  	_ =	swait.ge [sflag:s25], $0x80  }
0x48: {  	[sflag:s25] =	ssyncset.done $0x0  }
0x49: {  	[sflag:s25] =	ssyncadd.s32 $0xFFFFFF80  }
0x4a: {  	[tilespmem:s0], [sflag:$0x2] =	stream.indirect.gather [hbm4b:s7+s28], $0x80, s31, s28, $0xb8;
	[tilespmem:$0x1C200] =	vst v63  }
0x4b: {  	s18 =	rddreg [dreg:$0xd]  }
0x4c: {  	[tilespmem:s3], [sflag:$0x5] =	stream.linear.gather [hbm4b:s18+s4], $0x80, $0x38;
	[tilespmem:$0x1C200] =	vst v63  }
0x4d: {  	_ =	swait.ge [sflag:s25], $0x80  }
0x4e: {  	[sflag:s25] =	ssyncset.done $0x0  }
0x4f: {  	[sflag:s25] =	ssyncadd.s32 $0xFFFFFF80  }
0x50: {  	_ =	swait.ge [sflag:s1], $0x4000  }
0x51: {  	[sflag:s1] =	ssyncset.done $0x0  }
0x52: {  	s19 =	simm.s32 $0x20;
	s17 =	sadd.s32 $0x20, s23;
	[sflag:s1] =	ssyncadd.s32 $0xFFFFC000  }
0x53: {  	[spmem:s2] =	stream.indirect.scatter.add.f32 [tilespmem:s0], [sflag:$0x4], $0x80, s3, s28, $0xb8;
	[tilespmem:$0x1C200] =	vst v63  }
0x54: {  	s16 =	sand.u32 $0x60, s19;
	s17 =	sand.u32 $0xFFFFF80, s17;
	_ =	swait.ge [sflag:s13], $0x4000  }
0x55: {  	s16 =	sor.u32 s16, s17;
	[sflag:s13] =	ssyncset.done $0x0  }
0x56: {  	s17 =	sadd.s32 s5, s16;
	[sflag:s13] =	ssyncadd.s32 $0xFFFFC000  }
0x57: {  	[tilespmem:s26], [sflag:$0x5] =	stream.linear.gather [hbm4b:s17+s4], $0x80, $0x38;
	[tilespmem:$0x1C200] =	vst v63  }
0x58: {  	_ =	swait.ge [sflag:s25], $0x80  }
0x59: {  	[sflag:s25] =	ssyncset.done $0x0  }
0x5a: {  	[sflag:s25] =	ssyncadd.s32 $0xFFFFFF80  }
0x5b: {  	[tilespmem:s24], [sflag:$0x1] =	stream.indirect.gather [hbm4b:s7+s28], $0x80, s26, s28, $0xb8;
	[tilespmem:$0x1C200] =	vst v63  }
0x5c: {  	s20 =	sadd.s32 s6, s16  }
0x5d: {  	[tilespmem:s29], [sflag:$0x5] =	stream.linear.gather [hbm4b:s20+s4], $0x80, $0x38;
	[tilespmem:$0x1C200] =	vst v63  }
0x5e: {  	_ =	swait.ge [sflag:s25], $0x80  }
0x5f: {  	[sflag:s25] =	ssyncset.done $0x0  }
0x60: {  	[sflag:s25] =	ssyncadd.s32 $0xFFFFFF80  }
0x61: {  	_ =	swait.ge [sflag:s30], $0x4000  }
0x62: {  	[sflag:s30] =	ssyncset.done $0x0  }
0x63: {  	[sflag:s30] =	ssyncadd.s32 $0xFFFFC000  }
0x64: {  	[spmem:s2] =	stream.indirect.scatter.add.f32 [tilespmem:s24], [sflag:$0x3], $0x80, s29, s28, $0xb8;
	[tilespmem:$0x1C200] =	vst v63  }
0x65: {  	_ =	swait.ge [sflag:s14], $0x4000  }
0x66: {  	s16 =	sor.u32 $0x10, s16;
	[sflag:s14] =	ssyncset.done $0x0  }
0x67: {  	s21 =	sadd.s32 s5, s16;
	[sflag:s14] =	ssyncadd.s32 $0xFFFFC000  }
0x68: {  	[tilespmem:s31], [sflag:$0x5] =	stream.linear.gather [hbm4b:s21+s4], $0x80, $0x38;
	[tilespmem:$0x1C200] =	vst v63  }
0x69: {  	_ =	swait.ge [sflag:s25], $0x80  }
0x6a: {  	[sflag:s25] =	ssyncset.done $0x0  }
0x6b: {  	[sflag:s25] =	ssyncadd.s32 $0xFFFFFF80  }
0x6c: {  	[tilespmem:s0], [sflag:$0x2] =	stream.indirect.gather [hbm4b:s7+s28], $0x80, s31, s28, $0xb8;
	[tilespmem:$0x1C200] =	vst v63  }
0x6d: {  	s16 =	sadd.s32 s6, s16  }
0x6e: {  	[tilespmem:s3], [sflag:$0x5] =	stream.linear.gather [hbm4b:s16+s4], $0x80, $0x38;
	[tilespmem:$0x1C200] =	vst v63  }
0x6f: {  	_ =	swait.ge [sflag:s25], $0x80  }
0x70: {  	[sflag:s25] =	ssyncset.done $0x0  }
0x71: {  	[sflag:s25] =	ssyncadd.s32 $0xFFFFFF80  }
0x72: {  	_ =	swait.ge [sflag:s1], $0x4000  }
0x73: {  	s22 =	simm.s32 $0x40;
	s18 =	simm.s32 $0x60;
	[sflag:s1] =	ssyncset.done $0x0  }
0x74: {  	s20 =	sand.u32 $0x60, s22;
	s16 =	sadd.s32 $0x40, s23;
	[sflag:s1] =	ssyncadd.s32 $0xFFFFC000  }
.LBB2_2:
0x75: {  	[spmem:s2] =	stream.indirect.scatter.add.f32 [tilespmem:s0], [sflag:$0x4], $0x80, s3, s28, $0xb8;
	[tilespmem:$0x1C200] =	vst v63  }
0x76: {  	s17 =	smov.u32 s18  }
0x77: {  	s21 =	sand.u32 $0xFFFFF80, s16;
	s16 =	sadd.s32 s18, s23;
	_ =	swait.ge [sflag:s13], $0x4000  }
0x78: {  	s19 =	sadd.s32 $0x20, s18;
	s20 =	sor.u32 s20, s21;
	[sflag:s13] =	ssyncset.done $0x0  }
0x79: {  	s21 =	sadd.s32 s5, s20;
	s22 =	sor.u32 $0x10, s20;
	[sflag:s13] =	ssyncadd.s32 $0xFFFFC000  }
0x7a: {  	[tilespmem:s26], [sflag:$0x5] =	stream.linear.gather [hbm4b:s21+s4], $0x80, $0x38;
	[tilespmem:$0x1C200] =	vst v63  }
0x7b: {  	p0 =	sne.s32 s18, $0x4E0;
	_ =	swait.ge [sflag:s25], $0x80  }
0x7c: {  	[sflag:s25] =	ssyncset.done $0x0  }
0x7d: {  	[sflag:s25] =	ssyncadd.s32 $0xFFFFFF80  }
0x7e: {  	[tilespmem:s24], [sflag:$0x1] =	stream.indirect.gather [hbm4b:s7+s28], $0x80, s26, s28, $0xb8;
	[tilespmem:$0x1C200] =	vst v63  }
0x7f: {  	s18 =	sadd.s32 s6, s20  }
0x80: {  	[tilespmem:s29], [sflag:$0x5] =	stream.linear.gather [hbm4b:s18+s4], $0x80, $0x38;
	[tilespmem:$0x1C200] =	vst v63  }
0x81: {  	_ =	swait.ge [sflag:s25], $0x80  }
0x82: {  	[sflag:s25] =	ssyncset.done $0x0  }
0x83: {  	[sflag:s25] =	ssyncadd.s32 $0xFFFFFF80  }
0x84: {  	_ =	swait.ge [sflag:s30], $0x4000  }
0x85: {  	[sflag:s30] =	ssyncset.done $0x0  }
0x86: {  	[sflag:s30] =	ssyncadd.s32 $0xFFFFC000  }
0x87: {  	[spmem:s2] =	stream.indirect.scatter.add.f32 [tilespmem:s24], [sflag:$0x3], $0x80, s29, s28, $0xb8;
	[tilespmem:$0x1C200] =	vst v63  }
0x88: {  	_ =	swait.ge [sflag:s14], $0x4000  }
0x89: {  	[sflag:s14] =	ssyncset.done $0x0  }
0x8a: {  	s18 =	sadd.s32 s5, s22;
	[sflag:s14] =	ssyncadd.s32 $0xFFFFC000  }
0x8b: {  	[tilespmem:s31], [sflag:$0x5] =	stream.linear.gather [hbm4b:s18+s4], $0x80, $0x38;
	[tilespmem:$0x1C200] =	vst v63  }
0x8c: {  	_ =	swait.ge [sflag:s25], $0x80  }
0x8d: {  	[sflag:s25] =	ssyncset.done $0x0  }
0x8e: {  	[sflag:s25] =	ssyncadd.s32 $0xFFFFFF80  }
0x8f: {  	[tilespmem:s0], [sflag:$0x2] =	stream.indirect.gather [hbm4b:s7+s28], $0x80, s31, s28, $0xb8;
	[tilespmem:$0x1C200] =	vst v63  }
0x90: {  	s18 =	sadd.s32 s6, s22  }
0x91: {  	[tilespmem:s3], [sflag:$0x5] =	stream.linear.gather [hbm4b:s18+s4], $0x80, $0x38;
	[tilespmem:$0x1C200] =	vst v63  }
0x92: {  	_ =	swait.ge [sflag:s25], $0x80  }
.Ltmp0:
0x93: {  	[sflag:s25] =	ssyncset.done $0x0;
	(pc) =	sbr.rel @p0 .LBB2_2-.Ltmp0, $4  }
0x94: {  	[sflag:s25] =	ssyncadd.s32 $0xFFFFFF80  }
0x95: {  	_ =	swait.ge [sflag:s1], $0x4000  }
0x96: {  	[sflag:s1] =	ssyncset.done $0x0  }
0x97: {  	s20 =	sand.u32 $0x60, s17;
	s18 =	smov.u32 s19;
	[sflag:s1] =	ssyncadd.s32 $0xFFFFC000  }
0x98: {  	[spmem:s2] =	stream.indirect.scatter.add.f32 [tilespmem:s0], [sflag:$0x4], $0x80, s3, s28, $0xb8;
	[tilespmem:$0x1C200] =	vst v63  }
0x99: {  	s16 =	sand.u32 $0xFFFFF80, s16;
	_ =	swait.ge [sflag:s13], $0x4000  }
0x9a: {  	s16 =	sor.u32 s20, s16;
	[sflag:s13] =	ssyncset.done $0x0  }
0x9b: {  	s17 =	sadd.s32 s5, s16;
	[sflag:s13] =	ssyncadd.s32 $0xFFFFC000  }
0x9c: {  	[tilespmem:s26], [sflag:$0x5] =	stream.linear.gather [hbm4b:s17+s4], $0x80, $0x38;
	[tilespmem:$0x1C200] =	vst v63  }
0x9d: {  	_ =	swait.ge [sflag:s25], $0x80  }
0x9e: {  	[sflag:s25] =	ssyncset.done $0x0  }
0x9f: {  	[sflag:s25] =	ssyncadd.s32 $0xFFFFFF80  }
0xa0: {  	[tilespmem:s24], [sflag:$0x1] =	stream.indirect.gather [hbm4b:s7+s28], $0x80, s26, s28, $0xb8;
	[tilespmem:$0x1C200] =	vst v63  }
0xa1: {  	s21 =	sadd.s32 s6, s16  }
0xa2: {  	[tilespmem:s29], [sflag:$0x5] =	stream.linear.gather [hbm4b:s21+s4], $0x80, $0x38;
	[tilespmem:$0x1C200] =	vst v63  }
0xa3: {  	_ =	swait.ge [sflag:s25], $0x80  }
0xa4: {  	[sflag:s25] =	ssyncset.done $0x0  }
0xa5: {  	[sflag:s25] =	ssyncadd.s32 $0xFFFFFF80  }
0xa6: {  	_ =	swait.ge [sflag:s30], $0x4000  }
0xa7: {  	[sflag:s30] =	ssyncset.done $0x0  }
0xa8: {  	[sflag:s30] =	ssyncadd.s32 $0xFFFFC000  }
0xa9: {  	[spmem:s2] =	stream.indirect.scatter.add.f32 [tilespmem:s24], [sflag:$0x3], $0x80, s29, s28, $0xb8;
	[tilespmem:$0x1C200] =	vst v63  }
0xaa: {  	_ =	swait.ge [sflag:s14], $0x4000  }
0xab: {  	s16 =	sor.u32 $0x10, s16;
	[sflag:s14] =	ssyncset.done $0x0  }
0xac: {  	s22 =	sadd.s32 s5, s16;
	[sflag:s14] =	ssyncadd.s32 $0xFFFFC000  }
0xad: {  	[tilespmem:s31], [sflag:$0x5] =	stream.linear.gather [hbm4b:s22+s4], $0x80, $0x38;
	[tilespmem:$0x1C200] =	vst v63  }
0xae: {  	_ =	swait.ge [sflag:s25], $0x80  }
0xaf: {  	[sflag:s25] =	ssyncset.done $0x0  }
0xb0: {  	[sflag:s25] =	ssyncadd.s32 $0xFFFFFF80  }
0xb1: {  	[tilespmem:s0], [sflag:$0x2] =	stream.indirect.gather [hbm4b:s7+s28], $0x80, s31, s28, $0xb8;
	[tilespmem:$0x1C200] =	vst v63  }
0xb2: {  	s16 =	sadd.s32 s6, s16  }
0xb3: {  	[tilespmem:s3], [sflag:$0x5] =	stream.linear.gather [hbm4b:s16+s4], $0x80, $0x38;
	[tilespmem:$0x1C200] =	vst v63  }
0xb4: {  	_ =	swait.ge [sflag:s25], $0x80  }
0xb5: {  	[sflag:s25] =	ssyncset.done $0x0  }
0xb6: {  	[sflag:s25] =	ssyncadd.s32 $0xFFFFFF80  }
0xb7: {  	_ =	swait.ge [sflag:s1], $0x4000  }
0xb8: {  	[sflag:s1] =	ssyncset.done $0x0  }
0xb9: {  	[sflag:s1] =	ssyncadd.s32 $0xFFFFC000  }
0xba: {  	[spmem:s2] =	stream.indirect.scatter.add.f32 [tilespmem:s0], [sflag:$0x4], $0x80, s3, s28, $0xb8;
	[tilespmem:$0x1C200] =	vst v63  }
0xbb: {  	_ =	swait.ge [sflag:s13], $0x4000  }
0xbc: {  	[sflag:s13] =	ssyncset.done $0x0  }
0xbd: {  	[sflag:s13] =	ssyncadd.s32 $0xFFFFC000  }
0xbe: {  	_ =	swait.ge [sflag:s14], $0x4000  }
0xbf: {  	[sflag:s14] =	ssyncset.done $0x0  }
0xc0: {  	[sflag:s14] =	ssyncadd.s32 $0xFFFFC000  }
0xc1: {  	[bflag:$0x0] =	sbarrier.arrive $0xFFFF  }
0xc2: {  	[tilespmem:s24], [sflag:$0x5] =	stream.linear.gather [spmem:s8], $0x4000, $0x38;
	[tilespmem:$0x1C200] =	vst v63  }
0xc3: {  	_ =	swait.ge [sflag:s25], $0x4000  }
0xc4: {  	[sflag:s25] =	ssyncset.done $0x0  }
0xc5: {  	s17 =	rddreg [dreg:$0x4];
	[sflag:s25] =	ssyncadd.s32 $0xFFFFC000  }
0xc6: {  	[hbm4b:s17+s4] =	stream.linear.scatter [tilespmem:s24], [sflag:$0x5], $0x4000, $0x38;
	[tilespmem:$0x1C200] =	vst v63  }
0xc7: {  	_ =	swait.ge [sflag:s25], $0x4000  }
0xc8: {  	[sflag:s25] =	ssyncset.done $0x0  }
0xc9: {  	[sflag:s25] =	ssyncadd.s32 $0xFFFFC000  }
0xca: {  	[tilespmem:s24], [sflag:$0x5] =	stream.linear.gather [spmem:s9], $0x4000, $0x38;
	[tilespmem:$0x1C200] =	vst v63  }
0xcb: {  	_ =	swait.ge [sflag:s25], $0x4000  }
0xcc: {  	[sflag:s25] =	ssyncset.done $0x0  }
0xcd: {  	s18 =	rddreg [dreg:$0x5];
	[sflag:s25] =	ssyncadd.s32 $0xFFFFC000  }
0xce: {  	[hbm4b:s18+s4] =	stream.linear.scatter [tilespmem:s24], [sflag:$0x5], $0x4000, $0x38;
	[tilespmem:$0x1C200] =	vst v63  }
0xcf: {  	_ =	swait.ge [sflag:s25], $0x4000  }
0xd0: {  	[sflag:s25] =	ssyncset.done $0x0  }
0xd1: {  	[sflag:s25] =	ssyncadd.s32 $0xFFFFC000  }
0xd2: {  	[tilespmem:s24], [sflag:$0x5] =	stream.linear.gather [spmem:s10], $0x4000, $0x38;
	[tilespmem:$0x1C200] =	vst v63  }
0xd3: {  	_ =	swait.ge [sflag:s25], $0x4000  }
0xd4: {  	[sflag:s25] =	ssyncset.done $0x0  }
0xd5: {  	s19 =	rddreg [dreg:$0x6];
	[sflag:s25] =	ssyncadd.s32 $0xFFFFC000  }
0xd6: {  	[hbm4b:s19+s4] =	stream.linear.scatter [tilespmem:s24], [sflag:$0x5], $0x4000, $0x38;
	[tilespmem:$0x1C200] =	vst v63  }
0xd7: {  	_ =	swait.ge [sflag:s25], $0x4000  }
0xd8: {  	[sflag:s25] =	ssyncset.done $0x0  }
0xd9: {  	[sflag:s25] =	ssyncadd.s32 $0xFFFFC000  }
0xda: {  	[tilespmem:s24], [sflag:$0x5] =	stream.linear.gather [spmem:s11], $0x4000, $0x38;
	[tilespmem:$0x1C200] =	vst v63  }
0xdb: {  	_ =	swait.ge [sflag:s25], $0x4000  }
0xdc: {  	[sflag:s25] =	ssyncset.done $0x0  }
0xdd: {  	s20 =	rddreg [dreg:$0x7];
	[sflag:s25] =	ssyncadd.s32 $0xFFFFC000  }
0xde: {  	[hbm4b:s20+s4] =	stream.linear.scatter [tilespmem:s24], [sflag:$0x5], $0x4000, $0x38;
	[tilespmem:$0x1C200] =	vst v63  }
0xdf: {  	_ =	swait.ge [sflag:s25], $0x4000  }
0xe0: {  	[sflag:s25] =	ssyncset.done $0x0  }
0xe1: {  	[sflag:s25] =	ssyncadd.s32 $0xFFFFC000  }
0xe2: {  	[tilespmem:s24], [sflag:$0x5] =	stream.linear.gather [spmem:s12], $0x4000, $0x38;
	[tilespmem:$0x1C200] =	vst v63  }
0xe3: {  	_ =	swait.ge [sflag:s25], $0x4000  }
0xe4: {  	[sflag:s25] =	ssyncset.done $0x0  }
0xe5: {  	s21 =	rddreg [dreg:$0x8];
	[sflag:s25] =	ssyncadd.s32 $0xFFFFC000  }
0xe6: {  	[hbm4b:s21+s4] =	stream.linear.scatter [tilespmem:s24], [sflag:$0x5], $0x4000, $0x38;
	[tilespmem:$0x1C200] =	vst v63  }
0xe7: {  	_ =	swait.ge [sflag:s25], $0x4000  }
0xe8: {  	s15 =	sadd.s32 $0x1, s15;
	s22 =	rddreg [dreg:$0x9]  }
0xe9: {  	p0 =	sne.s32 s15, s22  }
.Ltmp1:
0xea: {  	_ = 	snop;
	(pc) =	sbr.rel @p0 .LBB2_1-.Ltmp1, $3  }
0xeb: {  	_ =	sdelay $0x1  }
0xec: {  	[sflag:s25] =	ssyncset.done $0x0  }
0xed: {  	[sflag:s25] =	ssyncadd.s32 $0xFFFFC000  }
0xee: {  	_ =	sfence.sel $0x180000  }
0xef: {  	[bflag:$0x0] =	sbarrier.arrive $0xFFFF  }
0xf0: {  	_ =	strace $0x9000004D  }
0xf1: {  	s0 =	stileid.u32;
	[bflag:$0x2] =	sbarrier.arrive $0xFFFF  }
0xf2: {  	p0 =	sne.s32 s0, $0x0;
	s0 =	rddreg [dreg:$0x3]  }
0xf3: {  	s0 =	sadd.s32 @!p0 $0x100000, s0  }
0xf4: {  	[sflag:s0] =	ssyncadd.tile.s32 @!p0 $0x1;
	_ =	shalt  }
.Lfunc_end2:
_tile_overlayer_lowered:
.L_overlay_start_2:
0xf5: {  	(tag) =	ssettag $0x2  }
0xf6: {  	s0 =	rddreg [dreg:$0x0];
	s2 =	stileid.u32  }
0xf7: {  	s1 =	rddreg [dreg:$0x1];
	p0 =	sne.s32 s2, $0x0  }
0xf8: {  	s3 =	rddreg [dreg:$0x2];
	[bflag:$0x3] =	sbarrier.arrive $0xFFFF;
	s2 =	simm.s32 @!p0 $0x1C05  }
0xf9: {  	[timem:s3], [sflag:s2] =	dma.local @!p0 [hbm:s0], s1  }
0xfa: {  	s0 =	simm.s32 @!p0 $0x5  }
0xfb: {  	_ =	swait.ge @!p0 [sflag:s0], s1  }
0xfc: {  	s1 =	ssub.s32 @!p0 $0x0, s1;
	[sflag:s0] =	ssyncset.done @!p0 $0x0  }
0xfd: {  	[sflag:s0] =	ssyncadd.s32 @!p0 s1  }
0xfe: {  	[bflag:$0x3] =	sbarrier.arrive $0xFFFF  }
0xff: {  	_ =	shalt  }

// kernel: kernel.9.cloned.1.call-start
scs
__scs_entry_jumppad:
0x0: {  	(pc) =	sbr.rel $0x88, $3  }
0x1: {  	(tag) =	ssettag $0x0;
	lr =	simm.s32 $0x1  }
0x2: {  	[smem:$0x3F95] =	sst lr;
	_ =	strace $0xD0000000  }
0x3: {  	_ = 	snop  }
0x4: {  	_ = 	snop  }
0x5: {  	_ = 	snop  }
0x6: {  	_ = 	snop  }
0x7: {  	_ = 	snop  }
__scs_overlays_trampoline_lowered:
0x8: {  	[smem:$0x3FA4] =	sst s0  }
0x9: {  	[smem:$0x3FA5] =	sst s1  }
0xa: {  	[smem:$0x3FA6] =	sst s2  }
0xb: {  	[smem:$0x3FA7] =	sst s3  }
0xc: {  	[smem:$0x3FA8] =	sst s4  }
0xd: {  	[smem:$0x3FA9] =	sst s5  }
0xe: {  	[smem:$0x3FAA] =	sst s6  }
0xf: {  	[smem:$0x3FAB] =	sst s7  }
0x10: {  	[smem:$0x3FAC] =	sst s8  }
0x11: {  	[smem:$0x3FAD] =	sst s9;
	s0 =	simm.s32 @!p0 $0x0  }
0x12: {  	s1 =	sld [smem:$0x3F93];
	s0 =	simm.s32 @p0 $0x1  }
0x13: {  	[smem:$0x3FAE] =	sst s0;
	s0 =	simm.s32 @!p1 $0x0  }
0x14: {  	s2 =	sld [smem:$0x3F92];
	s0 =	simm.s32 @p1 $0x1  }
0x15: {  	[smem:$0x3FAF] =	sst s0;
	s0 =	simm.s32 @!p2 $0x0  }
0x16: {  	s3 =	sld [smem:$0x3FDB];
	s0 =	simm.s32 @p2 $0x1  }
0x17: {  	s4 =	simm.s32 $0x1BF5;
	[smem:$0x3FB1] =	sst s0  }
0x18: {  	s0 =	sld [smem:$0x3F94];
	_ =	swait.ge [sflag:s4], $0x0  }
0x19: {  	s7 =	sld [smem:$0x3F95]  }
0x1a: {  	s8 =	sadd.s32 $0xFFFFE003, lr  }
0x1b: {  	s9 =	sadd.s32 $0xFFFFFEF7, lr;
	s5 =	simm.s32 $0xFFFFFFFF;
	p2 =	slt.u32 s8, $0xFFFFF086  }
0x1c: {  	p1 =	slt.u32 s9, $0xF7A;
	s5 =	simm.s32 @!p2 $0x0  }
0x1d: {  	s5 =	simm.s32 @p1 $0x1;
	p0 =	seq.s32 s7, s2  }
0x1e: {  	s7 =	smul.u32 @!p0 $0xF7A, s2;
	p2 =	seq.s32 @!p0 s5, $0x0  }
0x1f: {  	s9 =	smul.u32 $0xF7A, s1;
	s8 =	simm.s32 @!p0 $0x1BF5;
	p2 =	por !p2, p0  }
0x20: {  	[sflag:s8] =	ssyncset.s32 @!p0 $0xFFFFF086;
	s6 =	sadd.s32 @!p0 s3, s7;
	s7 =	simm.s32 @!p0 $0x108  }
0x21: {  	s3 =	sadd.s32 s3, s9;
	s6 =	sadd.s32 @!p0 $0x88, s6;
	s7 =	simm.s32 @p2 $0x1082  }
0x22: {  	[simem:s7], [sflag:s8] =	dma.local @!p0 [hbm:s6], $0xF7A  }
0x23: {  	s9 =	sor.u32 $0xD0000000, s2;
	s6 =	simm.s32 $0x108;
	_ =	swait.ge @!p0 [sflag:s8], $0x0  }
0x24: {  	s3 =	sadd.s32 $0x88, s3;
	s6 =	simm.s32 @!p1 $0x1082;
	[sflag:s4] =	ssyncset.s32 $0xFFFFF086  }
0x25: {  	[simem:s6], [sflag:s4] =	dma.local [hbm:s3], $0xF7A  }
0x26: {  	[smem:$0x3F95] =	sst s1;
	(tag) =	ssettag s2;
	_ =	strace s9  }
0x27: {  	s1 =	sld [smem:$0x3FA5]  }
0x28: {  	s2 =	sld [smem:$0x3FA6]  }
0x29: {  	s4 =	sld [smem:$0x3FA8]  }
0x2a: {  	p0 =	seq.s32 s5, $0x0;
	s5 =	sld [smem:$0x3FA9]  }
0x2b: {  	s6 =	sld [smem:$0x3FAA]  }
0x2c: {  	s7 =	sld [smem:$0x3FAB]  }
0x2d: {  	s3 =	simm.s32 $0x108;
	s8 =	sld [smem:$0x3FAC]  }
0x2e: {  	s3 =	simm.s32 @!p0 $0x1082;
	s9 =	sld [smem:$0x3FAD]  }
0x2f: {  	lr =	sadd.s32 s0, s3;
	s0 =	sld [smem:$0x3FA4]  }
0x30: {  	s3 =	sld [smem:$0x3FA7]  }
0x31: {  	[smem:$0x3FB0] =	sst s10  }
0x32: {  	s10 =	sld [smem:$0x3FAE];
	_ =	sdelay $0x3  }
0x33: {  	p0 =	seq.s32 s10, $0x1;
	s10 =	sld [smem:$0x3FB0];
	_ =	sdelay $0x3  }
0x34: {  	[smem:$0x3FB0] =	sst s10  }
0x35: {  	s10 =	sld [smem:$0x3FAF];
	_ =	sdelay $0x3  }
0x36: {  	p1 =	seq.s32 s10, $0x1;
	s10 =	sld [smem:$0x3FB0];
	_ =	sdelay $0x3  }
0x37: {  	[smem:$0x3FB0] =	sst s10  }
0x38: {  	s10 =	sld [smem:$0x3FB1]  }
0x39: {  	_ = 	snop;
	(pc) =	sbr.ind lr, $3  }
0x3a: {  	_ = 	snop  }
0x3b: {  	_ = 	snop  }
0x3c: {  	p2 =	seq.s32 s10, $0x1;
	s10 =	sld [smem:$0x3FB0]  }
0x3d: {  	_ =	shalt  }
0x3e: {  	_ =	shalt  }
0x3f: {  	_ =	shalt  }
0x40: {  	_ =	shalt  }
0x41: {  	_ =	shalt  }
0x42: {  	_ =	shalt  }
0x43: {  	_ =	shalt  }
0x44: {  	_ =	shalt  }
0x45: {  	_ =	shalt  }
0x46: {  	_ =	shalt  }
0x47: {  	_ =	shalt  }
0x48: {  	_ =	shalt  }
0x49: {  	_ =	shalt  }
0x4a: {  	_ =	shalt  }
0x4b: {  	_ =	shalt  }
0x4c: {  	_ =	shalt  }
0x4d: {  	_ =	shalt  }
0x4e: {  	_ =	shalt  }
0x4f: {  	_ =	shalt  }
0x50: {  	_ =	shalt  }
0x51: {  	_ =	shalt  }
0x52: {  	_ =	shalt  }
0x53: {  	_ =	shalt  }
0x54: {  	_ =	shalt  }
0x55: {  	_ =	shalt  }
0x56: {  	_ =	shalt  }
0x57: {  	_ =	shalt  }
0x58: {  	_ =	shalt  }
0x59: {  	_ =	shalt  }
0x5a: {  	_ =	shalt  }
0x5b: {  	_ =	shalt  }
0x5c: {  	_ =	shalt  }
0x5d: {  	_ =	shalt  }
0x5e: {  	_ =	shalt  }
0x5f: {  	_ =	shalt  }
0x60: {  	_ =	shalt  }
0x61: {  	_ =	shalt  }
0x62: {  	_ =	shalt  }
0x63: {  	_ =	shalt  }
0x64: {  	_ =	shalt  }
0x65: {  	_ =	shalt  }
0x66: {  	_ =	shalt  }
0x67: {  	_ =	shalt  }
0x68: {  	_ =	shalt  }
0x69: {  	_ =	shalt  }
0x6a: {  	_ =	shalt  }
0x6b: {  	_ =	shalt  }
0x6c: {  	_ =	shalt  }
0x6d: {  	_ =	shalt  }
0x6e: {  	_ =	shalt  }
0x6f: {  	_ =	shalt  }
0x70: {  	_ =	shalt  }
0x71: {  	_ =	shalt  }
0x72: {  	_ =	shalt  }
0x73: {  	_ =	shalt  }
0x74: {  	_ =	shalt  }
0x75: {  	_ =	shalt  }
0x76: {  	_ =	shalt  }
0x77: {  	_ =	shalt  }
0x78: {  	_ =	shalt  }
0x79: {  	_ =	shalt  }
0x7a: {  	_ =	shalt  }
0x7b: {  	_ =	shalt  }
0x7c: {  	_ =	shalt  }
0x7d: {  	_ =	shalt  }
0x7e: {  	_ =	shalt  }
0x7f: {  	_ =	shalt  }
0x80: {  	_ =	shalt  }
0x81: {  	_ =	shalt  }
0x82: {  	_ =	shalt  }
0x83: {  	_ =	shalt  }
0x84: {  	_ =	shalt  }
0x85: {  	_ =	shalt  }
0x86: {  	_ =	shalt  }
0x87: {  	_ =	shalt  }
.Lfunc_end0:
.L_simem_size_0:
called_computation_lowered:
.L_overlay_start_0:
0x88: {  	s2 =	sld [smem:$0x3FD9]  }
0x89: {  	s3 =	sld [smem:$0x3FFE];
	_ =	sdelay $0x1  }
0x8a: {  	s1 =	srdreg.scid  }
0x8b: {  	s0 =	sand.u32 $0x1, s1  }
0x8c: {  	s17 =	sshll.u32 s0, $0xA;
	s2 =	sadd.s32 s3, s2  }
0x8d: {  	s2 =	sadd.s32 s2, s17  }
0x8e: {  	[smem:$0x3FBC] =	sst s2  }
0x8f: {  	_ = 	snop  }
0x90: {  	s2 =	sld [smem:$0x3FD0];
	(tm) =	ssettm $0x1  }
0x91: {  	s18 =	sld [smem:$0x3FFB];
	_ =	sdelay $0x3  }
0x92: {  	_ =	strace s18  }
0x93: {  	s3 =	sld [smem:$0x3FFC];
	_ =	sdelay $0x3  }
0x94: {  	_ =	strace s3  }
0x95: {  	s3 =	sld [smem:$0x3FFD];
	_ =	sdelay $0x3  }
0x96: {  	_ =	strace s3  }
0x97: {  	_ =	strace $0x8FFFFFFF  }
0x98: {  	s19 =	sld [smem:$0x3FDB];
	_ =	sdelay $0x1  }
0x99: {  	s4 =	simm.s32 $_scs_section_size  }
0x9a: {  	s5 =	simm.s32 $_size__tile_overlayer_lowered;
	s6 =	simm.s32 $_tile_overlayer_lowered  }
0x9b: {  	s22 =	simm.s32 $0x1BFF;
	s21 =	sshll.u32 s6, $0x1;
	s3 =	sadd.s32 s4, s19  }
0x9c: {  	s7 =	simm.s32 $0x0;
	s20 =	sshll.u32 s5, $0x1;
	s5 =	sadd.s32 s21, s3  }
0x9d: {  	[timem:s7], [sflag:s22] =	dma.local [hbm:s5], s20  }
0x9e: {  	_ =	swait.ge [sflag:s22], s20  }
0x9f: {  	s4 =	ssub.s32 $0x0, s20;
	[sflag:s22] =	ssyncset.done $0x0  }
0xa0: {  	[sflag:s22] =	ssyncadd.s32 s4;
	_ =	sdelay $0x1  }
0xa1: {  	s23 =	simm.s32 $0x1B8B  }
0xa2: {  	_ =	swait.ge [sflag:s23], $0x1  }
0xa3: {  	[sflag:s23] =	ssyncset.done $0x0  }
0xa4: {  	s25 =	simm.s32 $0x1B8E;
	s24 =	sld [smem:$0x3FFE];
	[sflag:s23] =	ssyncadd.s32 $0xFFFFFFFF  }
0xa5: {  	s26 =	simm.s32 $execute0_lowered;
	[smem:$0x3FD2] =	sst s25  }
0xa6: {  	s5 =	sshll.u32 s26, $0x1;
	_ =	strace $0x80000046;
	[dreg:$0x1] =	wrdreg $0xFFFFFFFF  }
0xa7: {  	s28 =	simm.s32 $_size_execute0_lowered;
	s3 =	sadd.s32 s3, s5;
	[dreg:$0x0] =	wrdreg $0x0  }
0xa8: {  	s5 =	sshll.u32 s28, $0x1;
	[dreg:$0x2] =	wrdreg s3  }
0xa9: {  	[dreg:$0x3] =	wrdreg s5  }
0xaa: {  	[dreg:$0x4] =	wrdreg $0xC0  }
0xab: {  	_ =	task [dreg:s7], $0x5FFFF  }
0xac: {  	[dreg:$0x1] =	wrdreg $0xFFFFFFFF  }
0xad: {  	[dreg:$0x0] =	wrdreg $0x60  }
0xae: {  	[dreg:$0x2] =	wrdreg s24  }
0xaf: {  	[dreg:$0x3] =	wrdreg s2  }
0xb0: {  	[dreg:$0x4] =	wrdreg $0x0  }
0xb1: {  	[dreg:$0x5] =	wrdreg $0x9  }
0xb2: {  	_ =	task.clear_ibuf [dreg:s7], $0x6FFFF;
	_ =	strace $0x90000046  }
0xb3: {  	s29 =	simm.s32 $0x9;
	_ =	strace $0x80000048  }
0xb4: {  	_ =	swait.ge [sflag:s29], $0x1  }
0xb5: {  	[sflag:s29] =	ssyncadd.s32 $0xFFFFFFFF  }
0xb6: {  	_ =	strace $0x90000048  }
0xb7: {  	_ =	sfence  }
0xb8: {  	s30 =	sld [smem:$0x0];
	_ =	sdelay $0x2  }
0xb9: {  	s31 =	sshll.u32 s1, $0xD;
	s1 =	sshrl.u32 s1, $0x2  }
0xba: {  	s3 =	sand.u32 $0x4000, s31;
	s1 =	sadd.s32 s1, s30  }
0xbb: {  	s0 =	sor.u32 s3, s0;
	s1 =	sshll.u32 s1, $0x11  }
0xbc: {  	s0 =	sor.u32 s1, s0  }
0xbd: {  	s0 =	sadd.s32 $0x8F2B, s0  }
0xbe: {  	[sflag:s0] =	ssyncadd.remote.s32 $0x1  }
0xbf: {  	_ =	sfence.sel $0xFFFF  }
0xc0: {  	[dreg:$0x0] =	wrdreg $0xFFFFFFFF;
	(pc) =	sbr.abs _section_cstart, $3  }
0xc1: {  	[dreg:$0x1] =	wrdreg $0xFFFFFFFF  }
0xc2: {  	_ =	task.clear_ibuf [dreg:s7], $0x2FFFF;
	_ =	strace $0x9FFFFFFF  }
0xc3: {  	(tm) =	ssettm $0x7FFFFFFF  }
tec
execute0_lowered:
.L_overlay_start_1:
0x0: {  	(tag) =	ssettag $0x1  }
0x1: {  	s5 =	rddreg [dreg:$0x0]  }
0x2: {  	s8 =	rddreg [dreg:$0x1]  }
0x3: {  	s0 =	srdreg.scid;
	s2 =	rddreg [dreg:$0x2]  }
0x4: {  	s1 =	stileid.u32;
	s3 =	simm.s32 $0x0;
	s12 =	simm.s32 $0x2A80  }
0x5: {  	s13 =	simm.s32 $0x2F00;
	s4 =	sand.u32 $0x1, s0;
	s0 =	rddreg [dreg:$0x3]  }
0x6: {  	s14 =	simm.s32 $0x50;
	s15 =	simm.s32 $0x0;
	[smem:$0x7FF] =	sst s3  }
0x7: {  	s11 =	sshll.u32 s1, $0xA;
	p0 =	sgt.u32 s1, $0x9;
	s6 =	sshll.u32 s4, $0x4  }
0x8: {  	_ =	strace $0x80000047;
	s7 =	ssub.s32 $0x2, s4;
	s9 =	smul.u32 $0x2800, s4  }
0x9: {  	s4 =	sadd.s32 $0x17000, s5;
	s6 =	sor.u32 s1, s6;
	s10 =	sshrl.u32 s7, $0x1  }
0xa: {  	s6 =	smul.u32 $0x500, s6;
	s10 =	ssub.s32 s7, s10;
	s9 =	sadd.s32 s11, s9  }
0xb: {  	s7 =	sadd.s32 s11, s2;
	s11 =	simm.s32 $0x1;
	s9 =	sshrl.u32 s9, $0x3  }
0xc: {  	s6 =	sadd.s32 s6, s5;
	s5 =	sadd.s32 $0x17200, s5;
	s8 =	sadd.s32 s8, s9  }
0xd: {  	v0 =	vimm.f32 $1.000000000e+00;
	s9 =	smax.u32 s10, $0x1;
	s10 =	simm.s32 $0x280;
	s6 =	sadd.s32 $0x3000, s6  }
.LBB2_1:
0xe: {  	[tilespmem:s10], [sflag:$0x1] =	stream.linear.gather [hbm4b:s5+s3], $0x2800, $0x38;
	[tilespmem:$0x5700] =	vst v63  }
0xf: {  	_ =	swait.ge [sflag:s11], $0x2800  }
0x10: {  	[sflag:s11] =	ssyncset.done $0x0  }
0x11: {  	[sflag:s11] =	ssyncadd.s32 $0xFFFFD800  }
0x12: {  	[tilespmem:s12], [sflag:$0x1] =	stream.linear.gather [hbm4b:s4+s3], $0x80, $0x38;
	[tilespmem:$0x5700] =	vst v63  }
0x13: {  	_ =	swait.ge [sflag:s11], $0x80  }
0x14: {  	[sflag:s11] =	ssyncset.done $0x0  }
0x15: {  	[sflag:s11] =	ssyncadd.s32 $0xFFFFFF80  }
0x16: {  	[tilespmem:s13], [sflag:$0x1] =	stream.linear.gather [hbm4b:s6+s3], $0x2800, $0x38;
	[tilespmem:$0x5700] =	vst v63  }
0x17: {  	_ =	swait.ge [sflag:s11], $0x2800  }
0x18: {  	[sflag:s11] =	ssyncset.done $0x0  }
0x19: {  	s16 =	simm.s32 @!p0 $0x0;
	s17 =	simm.s32 @!p0 $0x2B00;
	[sflag:s11] =	ssyncadd.s32 $0xFFFFD800  }
0x1a: {  	[tilespmem:s17], [sflag:$0x1] =	stream.linear.gather @!p0 [hbm4b:s5+s16], $0x400, $0x38;
	[tilespmem:$0x5700] =	vst v63  }
0x1b: {  	s16 =	simm.s32 @!p0 $0x1  }
0x1c: {  	_ =	swait.ge @!p0 [sflag:s16], $0x400  }
0x1d: {  	[sflag:s16] =	ssyncset.done @!p0 $0x0  }
0x1e: {  	[sflag:s16] =	ssyncadd.s32 @!p0 $0xFFFFFC00  }
0x1f: {  	[spmem:s7] =	stream.linear.scatter @!p0 [tilespmem:s17], [sflag:$0x1], $0x400, $0x38;
	[tilespmem:$0x5700] =	vst v63  }
0x20: {  	_ =	swait.ge @!p0 [sflag:s16], $0x400  }
0x21: {  	[sflag:s16] =	ssyncset.done @!p0 $0x0  }
0x22: {  	[sflag:s16] =	ssyncadd.s32 @!p0 $0xFFFFFC00  }
0x23: {  	s16 =	simm.s32 $0x0;
	[bflag:$0x0] =	sbarrier.arrive $0xFFFF  }
.LBB2_2:
0x24: {  	s17 =	sshra.s32 s16, $0x2  }
0x25: {  	v1 =	vld [tilespmem:s17+$0x2F00];
	_ =	sdelay $0x7  }
0x26: {  	[tilespmem:v1+s10+$0x0] =	vst.idx.add.f32.msk $0xffff, v0  }
0x27: {  	v1 =	vld [tilespmem:s17+$0x2F10];
	_ =	sdelay $0x7  }
0x28: {  	[tilespmem:v1+s10+$0x0] =	vst.idx.add.f32.msk $0xffff, v0  }
0x29: {  	v1 =	vld [tilespmem:s17+$0x2F20];
	_ =	sdelay $0x7  }
0x2a: {  	[tilespmem:v1+s10+$0x0] =	vst.idx.add.f32.msk $0xffff, v0  }
0x2b: {  	v1 =	vld [tilespmem:s17+$0x2F30];
	_ =	sdelay $0x7  }
0x2c: {  	[tilespmem:v1+s10+$0x0] =	vst.idx.add.f32.msk $0xffff, v0  }
0x2d: {  	v1 =	vld [tilespmem:s17+$0x2F40];
	_ =	sdelay $0x7  }
0x2e: {  	[tilespmem:v1+s10+$0x0] =	vst.idx.add.f32.msk $0xffff, v0  }
0x2f: {  	v1 =	vld [tilespmem:s17+$0x2F50];
	_ =	sdelay $0x7  }
0x30: {  	[tilespmem:v1+s10+$0x0] =	vst.idx.add.f32.msk $0xffff, v0  }
0x31: {  	v1 =	vld [tilespmem:s17+$0x2F60];
	_ =	sdelay $0x7  }
0x32: {  	[tilespmem:v1+s10+$0x0] =	vst.idx.add.f32.msk $0xffff, v0  }
0x33: {  	v1 =	vld [tilespmem:s17+$0x2F70];
	_ =	sdelay $0x2  }
0x34: {  	p1 =	sne.s32 s16, $0x9E00  }
.Ltmp0:
0x35: {  	_ = 	snop;
	(pc) =	sbr.rel @p1 .LBB2_2-.Ltmp0, $2  }
0x36: {  	_ =	sdelay $0x2  }
0x37: {  	s16 =	sadd.s32 $0x200, s16;
	[tilespmem:v1+s10+$0x0] =	vst.idx.add.f32.msk $0xffff, v0  }
0x38: {  	[spmem:s2] =	stream.indirect.scatter.add.f32 [tilespmem:s10], [sflag:$0x1], $0x80, s12, s14, $0xb8;
	[tilespmem:$0x5700] =	vst v63  }
0x39: {  	_ =	swait.ge [sflag:s11], $0x2800  }
0x3a: {  	[sflag:s11] =	ssyncset.done $0x0  }
0x3b: {  	[sflag:s11] =	ssyncadd.s32 $0xFFFFD800  }
0x3c: {  	s16 =	simm.s32 @!p0 $0x2B00;
	s17 =	simm.s32 @!p0 $0x1;
	[bflag:$0x0] =	sbarrier.arrive $0xFFFF  }
0x3d: {  	[tilespmem:s16], [sflag:$0x1] =	stream.linear.gather @!p0 [spmem:s7], $0x400, $0x38;
	[tilespmem:$0x5700] =	vst v63  }
0x3e: {  	s15 =	sadd.s32 $0x1, s15;
	_ =	swait.ge @!p0 [sflag:s17], $0x400  }
0x3f: {  	p1 =	sne.s32 s15, s9;
	[sflag:s17] =	ssyncset.done @!p0 $0x0  }
.Ltmp1:
0x40: {  	s18 =	simm.s32 @!p0 $0x0;
	[sflag:s17] =	ssyncadd.s32 @!p0 $0xFFFFFC00;
	(pc) =	sbr.rel @p1 .LBB2_1-.Ltmp1, $4  }
0x41: {  	[hbm4b:s8+s18] =	stream.linear.scatter @!p0 [tilespmem:s16], [sflag:$0x1], $0x400, $0x38;
	[tilespmem:$0x5700] =	vst v63  }
0x42: {  	_ =	swait.ge @!p0 [sflag:s17], $0x400  }
0x43: {  	[sflag:s17] =	ssyncset.done @!p0 $0x0  }
0x44: {  	[sflag:s17] =	ssyncadd.s32 @!p0 $0xFFFFFC00  }
0x45: {  	_ =	sfence.sel $0x180000  }
0x46: {  	[bflag:$0x0] =	sbarrier.arrive $0xFFFF  }
0x47: {  	p0 =	sne.s32 s1, $0x0;
	_ =	strace $0x90000047  }
0x48: {  	s0 =	sadd.s32 @!p0 $0x100000, s0;
	[bflag:$0x2] =	sbarrier.arrive $0xFFFF  }
0x49: {  	[sflag:s0] =	ssyncadd.tile.s32 @!p0 $0x1;
	_ =	shalt  }
.Lfunc_end2:
_tile_overlayer_lowered:
.L_overlay_start_2:
0x4a: {  	(tag) =	ssettag $0x2  }
0x4b: {  	s0 =	rddreg [dreg:$0x0];
	s2 =	stileid.u32  }
0x4c: {  	s1 =	rddreg [dreg:$0x1];
	p0 =	sne.s32 s2, $0x0  }
0x4d: {  	s3 =	rddreg [dreg:$0x2];
	[bflag:$0x3] =	sbarrier.arrive $0xFFFF;
	s2 =	simm.s32 @!p0 $0x1C01  }
0x4e: {  	[timem:s3], [sflag:s2] =	dma.local @!p0 [hbm:s0], s1  }
0x4f: {  	s0 =	simm.s32 @!p0 $0x1  }
0x50: {  	_ =	swait.ge @!p0 [sflag:s0], s1  }
0x51: {  	s1 =	ssub.s32 @!p0 $0x0, s1;
	[sflag:s0] =	ssyncset.done @!p0 $0x0  }
0x52: {  	[sflag:s0] =	ssyncadd.s32 @!p0 s1  }
0x53: {  	[bflag:$0x3] =	sbarrier.arrive $0xFFFF  }
0x54: {  	_ =	shalt  }

</sc_bundles>
